<compile_context>
chip_gen: v7x
topology: tpu7x:2x2x1
jax: 0.10.2.dev20260603
libtpu: 0.0.44.dev20260713+nightly
codegen_flags: <defaults>
</compile_context>

<pallas_src>
import functools

import jax
import jax.numpy as jnp
from jax import lax
from jax.experimental import pallas as pl
from jax.experimental.pallas import tpu as pltpu
from jax.experimental.pallas import tpu_sc as plsc

N = 4096
E = 131072
D = 128
OUT = 128
EPS = 1e-5
NW = 32
EW = E // NW
G = 128
BF = jnp.bfloat16


def _mish(v):
    return v * jnp.tanh(jax.nn.softplus(v))



XW = 256


def _c1_body(xtab, colidx, rowidx, pcol, prow, cidx_v, ridx_v, cbuf, rbuf, sem):
    cid = lax.axis_index("c")
    sid = lax.axis_index("s")
    base = (sid * 2 + cid) * EW

    def step(g, carry):
        off = base + g * G
        pltpu.sync_copy(colidx.at[pl.ds(off, G)], cidx_v)
        pltpu.sync_copy(rowidx.at[pl.ds(off, G)], ridx_v)
        pltpu.async_copy(xtab.at[cidx_v], cbuf, sem).wait()
        pltpu.async_copy(xtab.at[ridx_v], rbuf, sem).wait()
        pltpu.sync_copy(cbuf, pcol.at[pl.ds(off, G)])
        pltpu.sync_copy(rbuf, prow.at[pl.ds(off, G)])
        return carry

    lax.fori_loop(0, EW // G, step, 0)


def _c1(xtab, colidx, rowidx):
    mesh = plsc.VectorSubcoreMesh(core_axis_name="c", subcore_axis_name="s")
    k = functools.partial(
        pl.kernel, mesh=mesh,
        out_type=(jax.ShapeDtypeStruct((E, XW), jnp.float32),
                  jax.ShapeDtypeStruct((E, XW), jnp.float32)),
        scratch_types=[
            pltpu.VMEM((G,), jnp.int32),
            pltpu.VMEM((G,), jnp.int32),
            pltpu.VMEM((G, XW), jnp.float32),
            pltpu.VMEM((G, XW), jnp.float32),
            pltpu.SemaphoreType.DMA,
        ],
    )(_c1_body)
    return k(xtab, colidx, rowidx)



MB = 1024


def _m_body(pc_ref, pr_ref, ne_ref, w1n_ref, w1e_ref, w1s_ref,
            b1n_ref, b1e_ref, b1s_ref, out_ref):
    pc = pc_ref[...]
    pr = pr_ref[...]
    pair = jnp.concatenate([pc[:, :D], pr[:, :D]], axis=1)
    dc = pr[:, D:D + 3] - pc[:, D:D + 3]
    norm_s = jnp.sum(dc * dc, axis=1, keepdims=True)
    ne = ne_ref[...]

    def mm(a_bf, w_ref):
        return jnp.dot(a_bf, w_ref[...], preferred_element_type=jnp.float32)

    m_n = _mish(mm(pair.astype(BF), w1n_ref) + b1n_ref[...])
    m_e = _mish(mm((ne * pair).astype(BF), w1e_ref) + b1e_ref[...])
    m_s = mm((norm_s * pair).astype(BF), w1s_ref) + b1s_ref[...]
    out_ref[...] = jnp.concatenate([m_n, m_e, m_s], axis=1).T


def _m(pcol, prow, norm_e, node_w1, edge_w1, struct_w1,
       node_b1, edge_b1, struct_b1):
    grid = (E // MB,)
    return pl.pallas_call(
        _m_body,
        grid=grid,
        in_specs=[
            pl.BlockSpec((MB, XW), lambda i: (i, 0)),
            pl.BlockSpec((MB, XW), lambda i: (i, 0)),
            pl.BlockSpec((MB, 1), lambda i: (i, 0)),
            pl.BlockSpec((2 * D, OUT), lambda i: (0, 0)),
            pl.BlockSpec((2 * D, OUT), lambda i: (0, 0)),
            pl.BlockSpec((2 * D, OUT), lambda i: (0, 0)),
            pl.BlockSpec((1, OUT), lambda i: (0, 0)),
            pl.BlockSpec((1, OUT), lambda i: (0, 0)),
            pl.BlockSpec((1, OUT), lambda i: (0, 0)),
        ],
        out_specs=pl.BlockSpec((3 * OUT, MB), lambda i: (0, i)),
        out_shape=jax.ShapeDtypeStruct((3 * OUT, E), jnp.float32),
    )(pcol, prow, norm_e,
      node_w1.astype(BF), edge_w1.astype(BF), struct_w1.astype(BF),
      node_b1[None, :], edge_b1[None, :], struct_b1[None, :])



FW = 24
CG = 512


def _c2_body(mT, colidx, zrows, parts,
             idx0, idx1, mb0, mb1, acc, si0, sm0, si1, sm1):
    cid = lax.axis_index("c")
    sid = lax.axis_index("s")
    half = E // 2
    nchunks = half // CG

    pltpu.sync_copy(zrows, acc)

    def start(g, idxb, mbb, si, sm):
        off = cid * half + g * CG
        pltpu.async_copy(colidx.at[pl.ds(off, CG)], idxb, si)
        pltpu.async_copy(mT.at[pl.ds(sid * FW, FW), pl.ds(off, CG)], mbb, sm)

    def drain(idxb, mbb, si, sm):
        pltpu.make_async_copy(colidx.at[pl.ds(0, CG)], idxb, si).wait()
        pltpu.make_async_copy(mT.at[pl.ds(0, FW), pl.ds(0, CG)], mbb, sm).wait()

    def compute(idxb, mbb):
        def group(i, c2):
            colv = idxb[pl.ds(i * 16, 16)]
            for f in range(FW):
                fv = jnp.full((16,), f, jnp.int32)
                vals = mbb[f, pl.ds(i * 16, 16)]
                plsc.addupdate_scatter(acc, [fv, colv], vals)
            return c2

        lax.fori_loop(0, CG // 16, group, 0)

    start(0, idx0, mb0, si0, sm0)

    def step(g2, carry):
        start(2 * g2 + 1, idx1, mb1, si1, sm1)
        drain(idx0, mb0, si0, sm0)
        compute(idx0, mb0)

        @pl.when(2 * g2 + 2 < nchunks)
        def _():
            start(2 * g2 + 2, idx0, mb0, si0, sm0)

        drain(idx1, mb1, si1, sm1)
        compute(idx1, mb1)
        return carry

    lax.fori_loop(0, nchunks // 2, step, 0)
    pltpu.sync_copy(acc, parts.at[pl.ds(cid * 3 * OUT + sid * FW, FW)])


def _c2(mT, colidx, zrows):
    mesh = plsc.VectorSubcoreMesh(core_axis_name="c", subcore_axis_name="s")
    k = functools.partial(
        pl.kernel, mesh=mesh,
        out_type=jax.ShapeDtypeStruct((2 * 3 * OUT, N), jnp.float32),
        scratch_types=[
            pltpu.VMEM((CG,), jnp.int32),
            pltpu.VMEM((CG,), jnp.int32),
            pltpu.VMEM((FW, CG), jnp.float32),
            pltpu.VMEM((FW, CG), jnp.float32),
            pltpu.VMEM((FW, N), jnp.float32),
            pltpu.SemaphoreType.DMA,
            pltpu.SemaphoreType.DMA,
            pltpu.SemaphoreType.DMA,
            pltpu.SemaphoreType.DMA,
        ],
        compiler_params=pltpu.CompilerParams(needs_layout_passes=False),
    )(_c2_body)
    return k(mT, colidx, zrows)



def _tail_body(x_ref, parts_ref, nw2_ref, nb2_ref, ew2_ref, eb2_ref,
               sw2_ref, sb2_ref, sw3_ref, sb3_ref,
               iw_ref, fw_ref, aw_ref, lw_ref, g_ref, b_ref, o_ref):
    x = x_ref[...]
    aggT = parts_ref[0:3 * OUT, :] + parts_ref[3 * OUT:6 * OUT, :]
    aggN = aggT[0:OUT, :].T
    aggP = aggT[OUT:2 * OUT, :].T
    aggQ = aggT[2 * OUT:3 * OUT, :].T

    def bmm(a, w_ref):
        return jnp.dot(a.astype(BF), w_ref[...].astype(BF),
                       preferred_element_type=jnp.float32)

    f_node = _mish(bmm(aggN, nw2_ref) + nb2_ref[...])
    f_edge = _mish(bmm(aggP, ew2_ref) + eb2_ref[...])
    Q = _mish(bmm(aggQ, sw2_ref) + sb2_ref[...])
    sw3 = sw3_ref[...]
    f_struct = _mish(
        jnp.dot(x.astype(BF), sw3[0:D].astype(BF),
                preferred_element_type=jnp.float32)
        + jnp.dot(Q.astype(BF), sw3[D:2 * D].astype(BF),
                  preferred_element_type=jnp.float32)
        + sb3_ref[...])

    li = bmm(x, iw_ref)
    aw = aw_ref[...]
    e_base = jnp.dot(_mish(_mish(li)).astype(BF), aw[0:OUT].astype(BF),
                     preferred_element_type=jnp.float32)
    feats = (f_node, f_edge, f_struct)
    es = []
    for f in range(3):
        lf = jnp.dot(feats[f].astype(BF), fw_ref[f].astype(BF),
                     preferred_element_type=jnp.float32)
        es.append(e_base + jnp.dot(_mish(_mish(lf)).astype(BF),
                                   aw[OUT:2 * OUT].astype(BF),
                                   preferred_element_type=jnp.float32))
    m = jnp.maximum(jnp.maximum(es[0], es[1]), es[2])
    a0 = jnp.exp(es[0] - m)
    a1 = jnp.exp(es[1] - m)
    a2 = jnp.exp(es[2] - m)
    s = a0 + a1 + a2
    att = (a0 * f_node + a1 * f_edge + a2 * f_struct) / s
    h = bmm(att, lw_ref)
    mean = jnp.mean(h, axis=0, keepdims=True)
    var = jnp.mean((h - mean) ** 2, axis=0, keepdims=True)
    hn = (h - mean) / jnp.sqrt(var + EPS) * g_ref[...] + b_ref[...]
    o_ref[...] = _mish(hn)


def _tail(x, parts, node_w2, node_b2, edge_w2, edge_b2, struct_w2, struct_b2,
          struct_w3, struct_b3, agg_init_w, agg_feat_w, agg_att_w, agg_lin_w,
          bn_gamma, bn_beta):
    return pl.pallas_call(
        _tail_body,
        out_shape=jax.ShapeDtypeStruct((N, OUT), jnp.float32),
    )(x, parts, node_w2, node_b2[None, :], edge_w2, edge_b2[None, :],
      struct_w2, struct_b2[None, :], struct_w3, struct_b3[None, :],
      agg_init_w, agg_feat_w, agg_att_w, agg_lin_w,
      bn_gamma[None, :], bn_beta[None, :])



def _norm_e(row, col, bond_types, edge_conv_w):
    key = row * N + col
    key4 = bond_types * (N * N) + key
    tab = jnp.zeros((4 * N * N,), jnp.int8).at[key4].set(
        1, unique_indices=True, mode=lax.GatherScatterMode.PROMISE_IN_BOUNDS)
    pres = tab[(jnp.arange(4)[:, None] * (N * N)) + key[None, :]].astype(jnp.float32)
    wbf = edge_conv_w.astype(BF).astype(jnp.float32)
    return jnp.sum(wbf[:, None] * pres, axis=0)



def kernel(x, coords, edge_index, bond_types, node_w1, node_b1, node_w2, node_b2,
           edge_conv_w, edge_conv_b, edge_w1, edge_b1, edge_w2, edge_b2,
           struct_w1, struct_b1, struct_w2, struct_b2, struct_w3, struct_b3,
           agg_init_w, agg_feat_w, agg_att_w, agg_lin_w, bn_gamma, bn_beta):
    row = edge_index[0]
    col = edge_index[1]
    xtab = jnp.concatenate(
        [x, coords, jnp.zeros((N, XW - D - 3), jnp.float32)], axis=1)
    pcol, prow = _c1(xtab, col, row)
    ne = (_norm_e(row, col, bond_types, edge_conv_w) + edge_conv_b)[:, None]
    mT = _m(pcol, prow, ne, node_w1, edge_w1, struct_w1,
            node_b1, edge_b1, struct_b1)
    parts = _c2(mT, col, jnp.zeros((FW, N), jnp.float32))
    return _tail(x, parts, node_w2, node_b2, edge_w2, edge_b2,
                 struct_w2, struct_b2, struct_w3, struct_b3,
                 agg_init_w, agg_feat_w, agg_att_w, agg_lin_w, bn_gamma, bn_beta)

# --- scband reference (transcript-rebuilt; emitter-appended) ---
"""Pipeline reference for scband-multi-path-layer-86938728006136 (READ-ONLY COPY).

The authoritative reference and input builder live on the scoring server;
editing this copy changes nothing except your own understanding.
"""

import jax, jax.numpy as jnp
import numpy as np

N = 4096
E = 131072
D = 128
OUT = 128
EPS = 1e-5


def mish(v):
    return v * jnp.tanh(jax.nn.softplus(v))


def _forward(x, coords, edge_index, bond_types, node_w1, node_b1, node_w2, node_b2,
             edge_conv_w, edge_conv_b, edge_w1, edge_b1, edge_w2, edge_b2,
             struct_w1, struct_b1, struct_w2, struct_b2, struct_w3, struct_b3,
             agg_init_w, agg_feat_w, agg_att_w, agg_lin_w, bn_gamma, bn_beta):
    row = edge_index[0]
    col = edge_index[1]
    # PyG convention: x_j = source = x[edge_index[0]], x_i = target = x[edge_index[1]],
    # aggregation scatters messages onto the target index (edge_index[1]).
    x_i = x[col]
    x_j = x[row]
    pair = jnp.concatenate([x_i, x_j], axis=1)

    # ---- NodeFeaturePath ----
    m_node = mish(pair @ node_w1 + node_b1)
    agg_node = jax.ops.segment_sum(m_node, col, num_segments=N)
    f_node = mish(agg_node @ node_w2 + node_b2)

    # ---- EdgeFeaturePath ----
    # adj[bond_types, row, col] = 1 on a dense [4, N, N] tensor, then a 1x1 Conv2d(4->1)
    adj = jnp.zeros((4, N, N), jnp.float32).at[bond_types, row, col].set(1.0)
    Emat = jnp.tensordot(edge_conv_w, adj, axes=((0,), (0,))) + edge_conv_b
    norm_e = Emat[row, col][:, None]
    m_edge = mish((norm_e * pair) @ edge_w1 + edge_b1)
    P = jax.ops.segment_sum(m_edge, col, num_segments=N)
    f_edge = mish(P @ edge_w2 + edge_b2)

    # ---- StructuralFeaturePath ----
    norm_s = jnp.sum((coords[row] - coords[col]) ** 2, axis=1, keepdims=True)
    m_struct = (norm_s * pair) @ struct_w1 + struct_b1
    Q = jax.ops.segment_sum(m_struct, col, num_segments=N)
    Q = mish(Q @ struct_w2 + struct_b2)
    f_struct = mish(jnp.concatenate([x, Q], axis=1) @ struct_w3 + struct_b3)

    # ---- FeatureAggregation (mode='att', num_features=3) ----
    feat_stack = jnp.stack([f_node, f_edge, f_struct], axis=0)
    lin_init = jnp.broadcast_to((x @ agg_init_w)[None, :, :], (3, N, OUT))
    lin_feats = jnp.einsum('fnd,fde->fne', feat_stack, agg_feat_w)
    lf = jnp.concatenate([mish(lin_init), mish(lin_feats)], axis=2)
    e = mish(lf) @ agg_att_w
    a = jax.nn.softmax(e, axis=0)
    att = jnp.einsum('fnd,fnd->nd', a, feat_stack)
    h = att @ agg_lin_w

    # ---- BatchNorm (training-mode batch stats, biased variance, eps=1e-5) ----
    mean = jnp.mean(h, axis=0)
    var = jnp.var(h, axis=0)
    h = (h - mean) / jnp.sqrt(var + EPS) * bn_gamma + bn_beta

    # final=False -> apply activation
    return mish(h)


def setup_inputs(seed: int = 0):
    key = jax.random.key(seed)
    ks = jax.random.split(key, 24)

    def lin(k, fin, fout):
        return (jax.random.normal(k, (fin, fout), jnp.float32) / np.sqrt(fin)).astype(jnp.float32)

    inp = {}
    inp['x'] = jax.random.normal(ks[0], (N, D), jnp.float32)
    inp['coords'] = jax.random.normal(ks[1], (N, 3), jnp.float32)
    inp['edge_index'] = jax.random.randint(ks[2], (2, E), 0, N).astype(jnp.int32)
    inp['bond_types'] = jax.random.randint(ks[3], (E,), 0, 4).astype(jnp.int32)
    inp['node_w1'] = lin(ks[4], 2 * D, OUT)
    inp['node_b1'] = jnp.zeros((OUT,), jnp.float32)
    inp['node_w2'] = lin(ks[5], OUT, OUT)
    inp['node_b2'] = jnp.zeros((OUT,), jnp.float32)
    inp['edge_conv_w'] = jax.random.normal(ks[6], (4,), jnp.float32) * 0.5
    inp['edge_conv_b'] = jnp.zeros((), jnp.float32)
    inp['edge_w1'] = lin(ks[7], 2 * D, OUT)
    inp['edge_b1'] = jnp.zeros((OUT,), jnp.float32)
    inp['edge_w2'] = lin(ks[8], OUT, OUT)
    inp['edge_b2'] = jnp.zeros((OUT,), jnp.float32)
    inp['struct_w1'] = lin(ks[9], 2 * D, OUT)
    inp['struct_b1'] = jnp.zeros((OUT,), jnp.float32)
    inp['struct_w2'] = lin(ks[10], OUT, OUT)
    inp['struct_b2'] = jnp.zeros((OUT,), jnp.float32)
    inp['struct_w3'] = lin(ks[11], 2 * OUT, OUT)
    inp['struct_b3'] = jnp.zeros((OUT,), jnp.float32)
    inp['agg_init_w'] = lin(ks[12], OUT, OUT)
    inp['agg_feat_w'] = jax.random.normal(ks[13], (3, OUT, OUT), jnp.float32) / np.sqrt(OUT)
    inp['agg_att_w'] = lin(ks[14], 2 * OUT, OUT)
    inp['agg_lin_w'] = lin(ks[15], OUT, OUT)
    inp['bn_gamma'] = jnp.ones((OUT,), jnp.float32)
    inp['bn_beta'] = jnp.zeros((OUT,), jnp.float32)
    return inp


def reference(x, coords, edge_index, bond_types, node_w1, node_b1, node_w2, node_b2,
              edge_conv_w, edge_conv_b, edge_w1, edge_b1, edge_w2, edge_b2,
              struct_w1, struct_b1, struct_w2, struct_b2, struct_w3, struct_b3,
              agg_init_w, agg_feat_w, agg_att_w, agg_lin_w, bn_gamma, bn_beta):
    return _forward(x, coords, edge_index, bond_types, node_w1, node_b1, node_w2, node_b2,
                    edge_conv_w, edge_conv_b, edge_w1, edge_b1, edge_w2, edge_b2,
                    struct_w1, struct_b1, struct_w2, struct_b2, struct_w3, struct_b3,
                    agg_init_w, agg_feat_w, agg_att_w, agg_lin_w, bn_gamma, bn_beta)

if __name__ == "__main__":
    import jax
    _d = setup_inputs()
    print(jax.jit(kernel)(*tuple(_d.values())))

</pallas_src>

<mosaic_0001>
#map = affine_map<(d0, d1) -> (0, 0)>
#map1 = affine_map<(d0, d1) -> (0)>
module attributes {stable_mosaic.version = 14 : i64} {
  func.func @_c2_body(%arg0: i32, %arg1: i32, %arg2: memref<384x131072xf32, #tpu.memory_space<hbm>>, %arg3: memref<131072xi32, #tpu.memory_space<hbm>>, %arg4: memref<24x4096xf32, #tpu.memory_space<hbm>>, %arg5: memref<768x4096xf32, #tpu.memory_space<hbm>>, %arg6: memref<512xi32, #tpu.memory_space<vmem>>, %arg7: memref<512xi32, #tpu.memory_space<vmem>>, %arg8: memref<24x512xf32, #tpu.memory_space<vmem>>, %arg9: memref<24x512xf32, #tpu.memory_space<vmem>>, %arg10: memref<24x4096xf32, #tpu.memory_space<vmem>>, %arg11: memref<!tpu.dma_semaphore, #tpu.memory_space<semaphore_mem>>, %arg12: memref<!tpu.dma_semaphore, #tpu.memory_space<semaphore_mem>>, %arg13: memref<!tpu.dma_semaphore, #tpu.memory_space<semaphore_mem>>, %arg14: memref<!tpu.dma_semaphore, #tpu.memory_space<semaphore_mem>>) attributes {dimension_semantics = [#tpu.dimension_semantics<core_parallel>, #tpu.dimension_semantics<subcore_parallel>], iteration_bounds = array<i64: 2, 16>, scalar_prefetch = 0 : i64, scratch_operands = 9 : i64, tpu.core_type = #tpu.core_type<sc_vector_subcore>, window_params = [{transform_indices = #map}, {transform_indices = #map1}, {transform_indices = #map}, {transform_indices = #map}]} {
    "tpu.region"() ({
      %run_scoped3A = tpu.sem_alloc : memref<!tpu.dma_semaphore, #tpu.memory_space<semaphore_mem>>
      tpu.enqueue_dma source(%arg4 : memref<24x4096xf32, #tpu.memory_space<hbm>>) target(%arg10 : memref<24x4096xf32, #tpu.memory_space<vmem>>) target_semaphore(%run_scoped3A : memref<!tpu.dma_semaphore, #tpu.memory_space<semaphore_mem>>)
      tpu.wait_dma2 semaphore(%run_scoped3A : memref<!tpu.dma_semaphore, #tpu.memory_space<semaphore_mem>>) src(%arg4 : memref<24x4096xf32, #tpu.memory_space<hbm>>) dst(%arg10 : memref<24x4096xf32, #tpu.memory_space<vmem>>)
      tpu.yield
    }) : () -> ()
    %mul3A = arith.constant 65536 : i32
    %mul3A_0 = arith.muli %arg0, %mul3A : i32
    %add3A = arith.constant 0 : i32
    %add3A_1 = arith.addi %mul3A_0, %add3A : i32
    %dma_start3A = tpu.memref_slice %arg3[%add3A_1] : memref<131072xi32, #tpu.memory_space<hbm>> -> memref<512xi32, #tpu.memory_space<hbm>>
    %dma_start3A_2 = tpu.memref_slice %arg3[%add3A_1] : memref<131072xi32, #tpu.memory_space<hbm>> -> memref<512xi32, #tpu.memory_space<hbm>>
    tpu.enqueue_dma source(%dma_start3A_2 : memref<512xi32, #tpu.memory_space<hbm>>) target(%arg6 : memref<512xi32, #tpu.memory_space<vmem>>) target_semaphore(%arg11 : memref<!tpu.dma_semaphore, #tpu.memory_space<semaphore_mem>>)
    %mul3A_3 = arith.constant 24 : i32
    %mul3A_4 = arith.muli %arg1, %mul3A_3 : i32
    %dma_start3A_5 = tpu.memref_slice %arg2[%mul3A_4, %add3A_1] : memref<384x131072xf32, #tpu.memory_space<hbm>> -> memref<24x512xf32, #tpu.memory_space<hbm>>
    %dma_start3A_6 = tpu.memref_slice %arg2[%mul3A_4, %add3A_1] : memref<384x131072xf32, #tpu.memory_space<hbm>> -> memref<24x512xf32, #tpu.memory_space<hbm>>
    tpu.enqueue_dma source(%dma_start3A_6 : memref<24x512xf32, #tpu.memory_space<hbm>>) target(%arg8 : memref<24x512xf32, #tpu.memory_space<vmem>>) target_semaphore(%arg12 : memref<!tpu.dma_semaphore, #tpu.memory_space<semaphore_mem>>)
    %scan3A = arith.constant 0 : i32
    %scan3A_7 = arith.constant 0 : i32
    %scan3A_8 = arith.constant 64 : i32
    %scan3A_9 = arith.addi %scan3A_7, %scan3A_8 : i32
    %scan3A_10 = arith.constant 1 : i32
    scf.for %scan3A_19 = %scan3A_7 to %scan3A_9 step %scan3A_10  : i32 {
      %mul3A_20 = arith.constant 2 : i32
      %mul3A_21 = arith.muli %mul3A_20, %scan3A_19 : i32
      %add3A_22 = arith.constant 1 : i32
      %add3A_23 = arith.addi %mul3A_21, %add3A_22 : i32
      %mul3A_24 = arith.constant 65536 : i32
      %mul3A_25 = arith.muli %arg0, %mul3A_24 : i32
      %mul3A_26 = arith.constant 512 : i32
      %mul3A_27 = arith.muli %add3A_23, %mul3A_26 : i32
      %add3A_28 = arith.addi %mul3A_25, %mul3A_27 : i32
      %dma_start3A_29 = tpu.memref_slice %arg3[%add3A_28] : memref<131072xi32, #tpu.memory_space<hbm>> -> memref<512xi32, #tpu.memory_space<hbm>>
      %dma_start3A_30 = tpu.memref_slice %arg3[%add3A_28] : memref<131072xi32, #tpu.memory_space<hbm>> -> memref<512xi32, #tpu.memory_space<hbm>>
      tpu.enqueue_dma source(%dma_start3A_30 : memref<512xi32, #tpu.memory_space<hbm>>) target(%arg7 : memref<512xi32, #tpu.memory_space<vmem>>) target_semaphore(%arg13 : memref<!tpu.dma_semaphore, #tpu.memory_space<semaphore_mem>>)
      %mul3A_31 = arith.constant 24 : i32
      %mul3A_32 = arith.muli %arg1, %mul3A_31 : i32
      %dma_start3A_33 = tpu.memref_slice %arg2[%mul3A_32, %add3A_28] : memref<384x131072xf32, #tpu.memory_space<hbm>> -> memref<24x512xf32, #tpu.memory_space<hbm>>
      %dma_start3A_34 = tpu.memref_slice %arg2[%mul3A_32, %add3A_28] : memref<384x131072xf32, #tpu.memory_space<hbm>> -> memref<24x512xf32, #tpu.memory_space<hbm>>
      tpu.enqueue_dma source(%dma_start3A_34 : memref<24x512xf32, #tpu.memory_space<hbm>>) target(%arg9 : memref<24x512xf32, #tpu.memory_space<vmem>>) target_semaphore(%arg14 : memref<!tpu.dma_semaphore, #tpu.memory_space<semaphore_mem>>)
      %dma_wait3A = arith.constant 0 : i32
      %dma_wait3A_35 = tpu.memref_slice %arg3[%dma_wait3A] : memref<131072xi32, #tpu.memory_space<hbm>> -> memref<512xi32, #tpu.memory_space<hbm>>
      %dma_wait3A_36 = arith.constant 0 : i32
      %dma_wait3A_37 = tpu.memref_slice %arg3[%dma_wait3A_36] : memref<131072xi32, #tpu.memory_space<hbm>> -> memref<512xi32, #tpu.memory_space<hbm>>
      tpu.wait_dma2 semaphore(%arg11 : memref<!tpu.dma_semaphore, #tpu.memory_space<semaphore_mem>>) src(%dma_wait3A_37 : memref<512xi32, #tpu.memory_space<hbm>>) dst(%arg6 : memref<512xi32, #tpu.memory_space<vmem>>)
      %dma_wait3A_38 = arith.constant 0 : i32
      %dma_wait3A_39 = arith.constant 0 : i32
      %dma_wait3A_40 = tpu.memref_slice %arg2[%dma_wait3A_38, %dma_wait3A_39] : memref<384x131072xf32, #tpu.memory_space<hbm>> -> memref<24x512xf32, #tpu.memory_space<hbm>>
      %dma_wait3A_41 = arith.constant 0 : i32
      %dma_wait3A_42 = arith.constant 0 : i32
      %dma_wait3A_43 = tpu.memref_slice %arg2[%dma_wait3A_41, %dma_wait3A_42] : memref<384x131072xf32, #tpu.memory_space<hbm>> -> memref<24x512xf32, #tpu.memory_space<hbm>>
      tpu.wait_dma2 semaphore(%arg12 : memref<!tpu.dma_semaphore, #tpu.memory_space<semaphore_mem>>) src(%dma_wait3A_43 : memref<24x512xf32, #tpu.memory_space<hbm>>) dst(%arg8 : memref<24x512xf32, #tpu.memory_space<vmem>>)
      %scan3A_44 = arith.constant 0 : i32
      %scan3A_45 = arith.constant 0 : i32
      %scan3A_46 = arith.constant 32 : i32
      %scan3A_47 = arith.addi %scan3A_45, %scan3A_46 : i32
      %scan3A_48 = arith.constant 1 : i32
      scf.for %scan3A_72 = %scan3A_45 to %scan3A_47 step %scan3A_48  : i32 {
        %mul3A_73 = arith.constant 16 : i32
        %mul3A_74 = arith.muli %scan3A_72, %mul3A_73 : i32
        %get3A = arith.index_cast %mul3A_74 : i32 to index
        %get3A_75 = tpu.vector_load %arg6[%get3A] {strides = array<i32>} : memref<512xi32, #tpu.memory_space<vmem>>, vector<16xi32>,
        %broadcast_in_dim3A = arith.constant 0 : i32
        %broadcast_in_dim3A_76 = vector.broadcast %broadcast_in_dim3A : i32 to vector<16xi32>
        %mul3A_77 = arith.constant 16 : i32
        %mul3A_78 = arith.muli %scan3A_72, %mul3A_77 : i32
        %get3A_79 = arith.constant 0 : i32
        %get3A_80 = arith.index_cast %get3A_79 : i32 to index
        %get3A_81 = arith.index_cast %mul3A_78 : i32 to index
        %get3A_82 = tpu.vector_load %arg8[%get3A_80, %get3A_81] {strides = array<i32>} : memref<24x512xf32, #tpu.memory_space<vmem>>, vector<16xf32>,
        tpu.vector_store_idx %arg10[%broadcast_in_dim3A_76, %get3A_75], %get3A_82 {add = true} : memref<24x4096xf32, #tpu.memory_space<vmem>>[vector<16xi32>, vector<16xi32>], vector<16xf32>,
        %broadcast_in_dim3A_83 = arith.constant 1 : i32
        %broadcast_in_dim3A_84 = vector.broadcast %broadcast_in_dim3A_83 : i32 to vector<16xi32>
        %mul3A_85 = arith.constant 16 : i32
        %mul3A_86 = arith.muli %scan3A_72, %mul3A_85 : i32
        %get3A_87 = arith.constant 1 : i32
        %get3A_88 = arith.index_cast %get3A_87 : i32 to index
        %get3A_89 = arith.index_cast %mul3A_86 : i32 to index
        %get3A_90 = tpu.vector_load %arg8[%get3A_88, %get3A_89] {strides = array<i32>} : memref<24x512xf32, #tpu.memory_space<vmem>>, vector<16xf32>,
        tpu.vector_store_idx %arg10[%broadcast_in_dim3A_84, %get3A_75], %get3A_90 {add = true} : memref<24x4096xf32, #tpu.memory_space<vmem>>[vector<16xi32>, vector<16xi32>], vector<16xf32>,
        %broadcast_in_dim3A_91 = arith.constant 2 : i32
        %broadcast_in_dim3A_92 = vector.broadcast %broadcast_in_dim3A_91 : i32 to vector<16xi32>
        %mul3A_93 = arith.constant 16 : i32
        %mul3A_94 = arith.muli %scan3A_72, %mul3A_93 : i32
        %get3A_95 = arith.constant 2 : i32
        %get3A_96 = arith.index_cast %get3A_95 : i32 to index
        %get3A_97 = arith.index_cast %mul3A_94 : i32 to index
        %get3A_98 = tpu.vector_load %arg8[%get3A_96, %get3A_97] {strides = array<i32>} : memref<24x512xf32, #tpu.memory_space<vmem>>, vector<16xf32>,
        tpu.vector_store_idx %arg10[%broadcast_in_dim3A_92, %get3A_75], %get3A_98 {add = true} : memref<24x4096xf32, #tpu.memory_space<vmem>>[vector<16xi32>, vector<16xi32>], vector<16xf32>,
        %broadcast_in_dim3A_99 = arith.constant 3 : i32
        %broadcast_in_dim3A_100 = vector.broadcast %broadcast_in_dim3A_99 : i32 to vector<16xi32>
        %mul3A_101 = arith.constant 16 : i32
        %mul3A_102 = arith.muli %scan3A_72, %mul3A_101 : i32
        %get3A_103 = arith.constant 3 : i32
        %get3A_104 = arith.index_cast %get3A_103 : i32 to index
        %get3A_105 = arith.index_cast %mul3A_102 : i32 to index
        %get3A_106 = tpu.vector_load %arg8[%get3A_104, %get3A_105] {strides = array<i32>} : memref<24x512xf32, #tpu.memory_space<vmem>>, vector<16xf32>,
        tpu.vector_store_idx %arg10[%broadcast_in_dim3A_100, %get3A_75], %get3A_106 {add = true} : memref<24x4096xf32, #tpu.memory_space<vmem>>[vector<16xi32>, vector<16xi32>], vector<16xf32>,
        %broadcast_in_dim3A_107 = arith.constant 4 : i32
        %broadcast_in_dim3A_108 = vector.broadcast %broadcast_in_dim3A_107 : i32 to vector<16xi32>
        %mul3A_109 = arith.constant 16 : i32
        %mul3A_110 = arith.muli %scan3A_72, %mul3A_109 : i32
        %get3A_111 = arith.constant 4 : i32
        %get3A_112 = arith.index_cast %get3A_111 : i32 to index
        %get3A_113 = arith.index_cast %mul3A_110 : i32 to index
        %get3A_114 = tpu.vector_load %arg8[%get3A_112, %get3A_113] {strides = array<i32>} : memref<24x512xf32, #tpu.memory_space<vmem>>, vector<16xf32>,
        tpu.vector_store_idx %arg10[%broadcast_in_dim3A_108, %get3A_75], %get3A_114 {add = true} : memref<24x4096xf32, #tpu.memory_space<vmem>>[vector<16xi32>, vector<16xi32>], vector<16xf32>,
        %broadcast_in_dim3A_115 = arith.constant 5 : i32
        %broadcast_in_dim3A_116 = vector.broadcast %broadcast_in_dim3A_115 : i32 to vector<16xi32>
        %mul3A_117 = arith.constant 16 : i32
        %mul3A_118 = arith.muli %scan3A_72, %mul3A_117 : i32
        %get3A_119 = arith.constant 5 : i32
        %get3A_120 = arith.index_cast %get3A_119 : i32 to index
        %get3A_121 = arith.index_cast %mul3A_118 : i32 to index
        %get3A_122 = tpu.vector_load %arg8[%get3A_120, %get3A_121] {strides = array<i32>} : memref<24x512xf32, #tpu.memory_space<vmem>>, vector<16xf32>,
        tpu.vector_store_idx %arg10[%broadcast_in_dim3A_116, %get3A_75], %get3A_122 {add = true} : memref<24x4096xf32, #tpu.memory_space<vmem>>[vector<16xi32>, vector<16xi32>], vector<16xf32>,
        %broadcast_in_dim3A_123 = arith.constant 6 : i32
        %broadcast_in_dim3A_124 = vector.broadcast %broadcast_in_dim3A_123 : i32 to vector<16xi32>
        %mul3A_125 = arith.constant 16 : i32
        %mul3A_126 = arith.muli %scan3A_72, %mul3A_125 : i32
        %get3A_127 = arith.constant 6 : i32
        %get3A_128 = arith.index_cast %get3A_127 : i32 to index
        %get3A_129 = arith.index_cast %mul3A_126 : i32 to index
        %get3A_130 = tpu.vector_load %arg8[%get3A_128, %get3A_129] {strides = array<i32>} : memref<24x512xf32, #tpu.memory_space<vmem>>, vector<16xf32>,
        tpu.vector_store_idx %arg10[%broadcast_in_dim3A_124, %get3A_75], %get3A_130 {add = true} : memref<24x4096xf32, #tpu.memory_space<vmem>>[vector<16xi32>, vector<16xi32>], vector<16xf32>,
        %broadcast_in_dim3A_131 = arith.constant 7 : i32
        %broadcast_in_dim3A_132 = vector.broadcast %broadcast_in_dim3A_131 : i32 to vector<16xi32>
        %mul3A_133 = arith.constant 16 : i32
        %mul3A_134 = arith.muli %scan3A_72, %mul3A_133 : i32
        %get3A_135 = arith.constant 7 : i32
        %get3A_136 = arith.index_cast %get3A_135 : i32 to index
        %get3A_137 = arith.index_cast %mul3A_134 : i32 to index
        %get3A_138 = tpu.vector_load %arg8[%get3A_136, %get3A_137] {strides = array<i32>} : memref<24x512xf32, #tpu.memory_space<vmem>>, vector<16xf32>,
        tpu.vector_store_idx %arg10[%broadcast_in_dim3A_132, %get3A_75], %get3A_138 {add = true} : memref<24x4096xf32, #tpu.memory_space<vmem>>[vector<16xi32>, vector<16xi32>], vector<16xf32>,
        %broadcast_in_dim3A_139 = arith.constant 8 : i32
        %broadcast_in_dim3A_140 = vector.broadcast %broadcast_in_dim3A_139 : i32 to vector<16xi32>
        %mul3A_141 = arith.constant 16 : i32
        %mul3A_142 = arith.muli %scan3A_72, %mul3A_141 : i32
        %get3A_143 = arith.constant 8 : i32
        %get3A_144 = arith.index_cast %get3A_143 : i32 to index
        %get3A_145 = arith.index_cast %mul3A_142 : i32 to index
        %get3A_146 = tpu.vector_load %arg8[%get3A_144, %get3A_145] {strides = array<i32>} : memref<24x512xf32, #tpu.memory_space<vmem>>, vector<16xf32>,
        tpu.vector_store_idx %arg10[%broadcast_in_dim3A_140, %get3A_75], %get3A_146 {add = true} : memref<24x4096xf32, #tpu.memory_space<vmem>>[vector<16xi32>, vector<16xi32>], vector<16xf32>,
        %broadcast_in_dim3A_147 = arith.constant 9 : i32
        %broadcast_in_dim3A_148 = vector.broadcast %broadcast_in_dim3A_147 : i32 to vector<16xi32>
        %mul3A_149 = arith.constant 16 : i32
        %mul3A_150 = arith.muli %scan3A_72, %mul3A_149 : i32
        %get3A_151 = arith.constant 9 : i32
        %get3A_152 = arith.index_cast %get3A_151 : i32 to index
        %get3A_153 = arith.index_cast %mul3A_150 : i32 to index
        %get3A_154 = tpu.vector_load %arg8[%get3A_152, %get3A_153] {strides = array<i32>} : memref<24x512xf32, #tpu.memory_space<vmem>>, vector<16xf32>,
        tpu.vector_store_idx %arg10[%broadcast_in_dim3A_148, %get3A_75], %get3A_154 {add = true} : memref<24x4096xf32, #tpu.memory_space<vmem>>[vector<16xi32>, vector<16xi32>], vector<16xf32>,
        %broadcast_in_dim3A_155 = arith.constant 10 : i32
        %broadcast_in_dim3A_156 = vector.broadcast %broadcast_in_dim3A_155 : i32 to vector<16xi32>
        %mul3A_157 = arith.constant 16 : i32
        %mul3A_158 = arith.muli %scan3A_72, %mul3A_157 : i32
        %get3A_159 = arith.constant 10 : i32
        %get3A_160 = arith.index_cast %get3A_159 : i32 to index
        %get3A_161 = arith.index_cast %mul3A_158 : i32 to index
        %get3A_162 = tpu.vector_load %arg8[%get3A_160, %get3A_161] {strides = array<i32>} : memref<24x512xf32, #tpu.memory_space<vmem>>, vector<16xf32>,
        tpu.vector_store_idx %arg10[%broadcast_in_dim3A_156, %get3A_75], %get3A_162 {add = true} : memref<24x4096xf32, #tpu.memory_space<vmem>>[vector<16xi32>, vector<16xi32>], vector<16xf32>,
        %broadcast_in_dim3A_163 = arith.constant 11 : i32
        %broadcast_in_dim3A_164 = vector.broadcast %broadcast_in_dim3A_163 : i32 to vector<16xi32>
        %mul3A_165 = arith.constant 16 : i32
        %mul3A_166 = arith.muli %scan3A_72, %mul3A_165 : i32
        %get3A_167 = arith.constant 11 : i32
        %get3A_168 = arith.index_cast %get3A_167 : i32 to index
        %get3A_169 = arith.index_cast %mul3A_166 : i32 to index
        %get3A_170 = tpu.vector_load %arg8[%get3A_168, %get3A_169] {strides = array<i32>} : memref<24x512xf32, #tpu.memory_space<vmem>>, vector<16xf32>,
        tpu.vector_store_idx %arg10[%broadcast_in_dim3A_164, %get3A_75], %get3A_170 {add = true} : memref<24x4096xf32, #tpu.memory_space<vmem>>[vector<16xi32>, vector<16xi32>], vector<16xf32>,
        %broadcast_in_dim3A_171 = arith.constant 12 : i32
        %broadcast_in_dim3A_172 = vector.broadcast %broadcast_in_dim3A_171 : i32 to vector<16xi32>
        %mul3A_173 = arith.constant 16 : i32
        %mul3A_174 = arith.muli %scan3A_72, %mul3A_173 : i32
        %get3A_175 = arith.constant 12 : i32
        %get3A_176 = arith.index_cast %get3A_175 : i32 to index
        %get3A_177 = arith.index_cast %mul3A_174 : i32 to index
        %get3A_178 = tpu.vector_load %arg8[%get3A_176, %get3A_177] {strides = array<i32>} : memref<24x512xf32, #tpu.memory_space<vmem>>, vector<16xf32>,
        tpu.vector_store_idx %arg10[%broadcast_in_dim3A_172, %get3A_75], %get3A_178 {add = true} : memref<24x4096xf32, #tpu.memory_space<vmem>>[vector<16xi32>, vector<16xi32>], vector<16xf32>,
        %broadcast_in_dim3A_179 = arith.constant 13 : i32
        %broadcast_in_dim3A_180 = vector.broadcast %broadcast_in_dim3A_179 : i32 to vector<16xi32>
        %mul3A_181 = arith.constant 16 : i32
        %mul3A_182 = arith.muli %scan3A_72, %mul3A_181 : i32
        %get3A_183 = arith.constant 13 : i32
        %get3A_184 = arith.index_cast %get3A_183 : i32 to index
        %get3A_185 = arith.index_cast %mul3A_182 : i32 to index
        %get3A_186 = tpu.vector_load %arg8[%get3A_184, %get3A_185] {strides = array<i32>} : memref<24x512xf32, #tpu.memory_space<vmem>>, vector<16xf32>,
        tpu.vector_store_idx %arg10[%broadcast_in_dim3A_180, %get3A_75], %get3A_186 {add = true} : memref<24x4096xf32, #tpu.memory_space<vmem>>[vector<16xi32>, vector<16xi32>], vector<16xf32>,
        %broadcast_in_dim3A_187 = arith.constant 14 : i32
        %broadcast_in_dim3A_188 = vector.broadcast %broadcast_in_dim3A_187 : i32 to vector<16xi32>
        %mul3A_189 = arith.constant 16 : i32
        %mul3A_190 = arith.muli %scan3A_72, %mul3A_189 : i32
        %get3A_191 = arith.constant 14 : i32
        %get3A_192 = arith.index_cast %get3A_191 : i32 to index
        %get3A_193 = arith.index_cast %mul3A_190 : i32 to index
        %get3A_194 = tpu.vector_load %arg8[%get3A_192, %get3A_193] {strides = array<i32>} : memref<24x512xf32, #tpu.memory_space<vmem>>, vector<16xf32>,
        tpu.vector_store_idx %arg10[%broadcast_in_dim3A_188, %get3A_75], %get3A_194 {add = true} : memref<24x4096xf32, #tpu.memory_space<vmem>>[vector<16xi32>, vector<16xi32>], vector<16xf32>,
        %broadcast_in_dim3A_195 = arith.constant 15 : i32
        %broadcast_in_dim3A_196 = vector.broadcast %broadcast_in_dim3A_195 : i32 to vector<16xi32>
        %mul3A_197 = arith.constant 16 : i32
        %mul3A_198 = arith.muli %scan3A_72, %mul3A_197 : i32
        %get3A_199 = arith.constant 15 : i32
        %get3A_200 = arith.index_cast %get3A_199 : i32 to index
        %get3A_201 = arith.index_cast %mul3A_198 : i32 to index
        %get3A_202 = tpu.vector_load %arg8[%get3A_200, %get3A_201] {strides = array<i32>} : memref<24x512xf32, #tpu.memory_space<vmem>>, vector<16xf32>,
        tpu.vector_store_idx %arg10[%broadcast_in_dim3A_196, %get3A_75], %get3A_202 {add = true} : memref<24x4096xf32, #tpu.memory_space<vmem>>[vector<16xi32>, vector<16xi32>], vector<16xf32>,
        %broadcast_in_dim3A_203 = arith.constant 16 : i32
        %broadcast_in_dim3A_204 = vector.broadcast %broadcast_in_dim3A_203 : i32 to vector<16xi32>
        %mul3A_205 = arith.constant 16 : i32
        %mul3A_206 = arith.muli %scan3A_72, %mul3A_205 : i32
        %get3A_207 = arith.constant 16 : i32
        %get3A_208 = arith.index_cast %get3A_207 : i32 to index
        %get3A_209 = arith.index_cast %mul3A_206 : i32 to index
        %get3A_210 = tpu.vector_load %arg8[%get3A_208, %get3A_209] {strides = array<i32>} : memref<24x512xf32, #tpu.memory_space<vmem>>, vector<16xf32>,
        tpu.vector_store_idx %arg10[%broadcast_in_dim3A_204, %get3A_75], %get3A_210 {add = true} : memref<24x4096xf32, #tpu.memory_space<vmem>>[vector<16xi32>, vector<16xi32>], vector<16xf32>,
        %broadcast_in_dim3A_211 = arith.constant 17 : i32
        %broadcast_in_dim3A_212 = vector.broadcast %broadcast_in_dim3A_211 : i32 to vector<16xi32>
        %mul3A_213 = arith.constant 16 : i32
        %mul3A_214 = arith.muli %scan3A_72, %mul3A_213 : i32
        %get3A_215 = arith.constant 17 : i32
        %get3A_216 = arith.index_cast %get3A_215 : i32 to index
        %get3A_217 = arith.index_cast %mul3A_214 : i32 to index
        %get3A_218 = tpu.vector_load %arg8[%get3A_216, %get3A_217] {strides = array<i32>} : memref<24x512xf32, #tpu.memory_space<vmem>>, vector<16xf32>,
        tpu.vector_store_idx %arg10[%broadcast_in_dim3A_212, %get3A_75], %get3A_218 {add = true} : memref<24x4096xf32, #tpu.memory_space<vmem>>[vector<16xi32>, vector<16xi32>], vector<16xf32>,
        %broadcast_in_dim3A_219 = arith.constant 18 : i32
        %broadcast_in_dim3A_220 = vector.broadcast %broadcast_in_dim3A_219 : i32 to vector<16xi32>
        %mul3A_221 = arith.constant 16 : i32
        %mul3A_222 = arith.muli %scan3A_72, %mul3A_221 : i32
        %get3A_223 = arith.constant 18 : i32
        %get3A_224 = arith.index_cast %get3A_223 : i32 to index
        %get3A_225 = arith.index_cast %mul3A_222 : i32 to index
        %get3A_226 = tpu.vector_load %arg8[%get3A_224, %get3A_225] {strides = array<i32>} : memref<24x512xf32, #tpu.memory_space<vmem>>, vector<16xf32>,
        tpu.vector_store_idx %arg10[%broadcast_in_dim3A_220, %get3A_75], %get3A_226 {add = true} : memref<24x4096xf32, #tpu.memory_space<vmem>>[vector<16xi32>, vector<16xi32>], vector<16xf32>,
        %broadcast_in_dim3A_227 = arith.constant 19 : i32
        %broadcast_in_dim3A_228 = vector.broadcast %broadcast_in_dim3A_227 : i32 to vector<16xi32>
        %mul3A_229 = arith.constant 16 : i32
        %mul3A_230 = arith.muli %scan3A_72, %mul3A_229 : i32
        %get3A_231 = arith.constant 19 : i32
        %get3A_232 = arith.index_cast %get3A_231 : i32 to index
        %get3A_233 = arith.index_cast %mul3A_230 : i32 to index
        %get3A_234 = tpu.vector_load %arg8[%get3A_232, %get3A_233] {strides = array<i32>} : memref<24x512xf32, #tpu.memory_space<vmem>>, vector<16xf32>,
        tpu.vector_store_idx %arg10[%broadcast_in_dim3A_228, %get3A_75], %get3A_234 {add = true} : memref<24x4096xf32, #tpu.memory_space<vmem>>[vector<16xi32>, vector<16xi32>], vector<16xf32>,
        %broadcast_in_dim3A_235 = arith.constant 20 : i32
        %broadcast_in_dim3A_236 = vector.broadcast %broadcast_in_dim3A_235 : i32 to vector<16xi32>
        %mul3A_237 = arith.constant 16 : i32
        %mul3A_238 = arith.muli %scan3A_72, %mul3A_237 : i32
        %get3A_239 = arith.constant 20 : i32
        %get3A_240 = arith.index_cast %get3A_239 : i32 to index
        %get3A_241 = arith.index_cast %mul3A_238 : i32 to index
        %get3A_242 = tpu.vector_load %arg8[%get3A_240, %get3A_241] {strides = array<i32>} : memref<24x512xf32, #tpu.memory_space<vmem>>, vector<16xf32>,
        tpu.vector_store_idx %arg10[%broadcast_in_dim3A_236, %get3A_75], %get3A_242 {add = true} : memref<24x4096xf32, #tpu.memory_space<vmem>>[vector<16xi32>, vector<16xi32>], vector<16xf32>,
        %broadcast_in_dim3A_243 = arith.constant 21 : i32
        %broadcast_in_dim3A_244 = vector.broadcast %broadcast_in_dim3A_243 : i32 to vector<16xi32>
        %mul3A_245 = arith.constant 16 : i32
        %mul3A_246 = arith.muli %scan3A_72, %mul3A_245 : i32
        %get3A_247 = arith.constant 21 : i32
        %get3A_248 = arith.index_cast %get3A_247 : i32 to index
        %get3A_249 = arith.index_cast %mul3A_246 : i32 to index
        %get3A_250 = tpu.vector_load %arg8[%get3A_248, %get3A_249] {strides = array<i32>} : memref<24x512xf32, #tpu.memory_space<vmem>>, vector<16xf32>,
        tpu.vector_store_idx %arg10[%broadcast_in_dim3A_244, %get3A_75], %get3A_250 {add = true} : memref<24x4096xf32, #tpu.memory_space<vmem>>[vector<16xi32>, vector<16xi32>], vector<16xf32>,
        %broadcast_in_dim3A_251 = arith.constant 22 : i32
        %broadcast_in_dim3A_252 = vector.broadcast %broadcast_in_dim3A_251 : i32 to vector<16xi32>
        %mul3A_253 = arith.constant 16 : i32
        %mul3A_254 = arith.muli %scan3A_72, %mul3A_253 : i32
        %get3A_255 = arith.constant 22 : i32
        %get3A_256 = arith.index_cast %get3A_255 : i32 to index
        %get3A_257 = arith.index_cast %mul3A_254 : i32 to index
        %get3A_258 = tpu.vector_load %arg8[%get3A_256, %get3A_257] {strides = array<i32>} : memref<24x512xf32, #tpu.memory_space<vmem>>, vector<16xf32>,
        tpu.vector_store_idx %arg10[%broadcast_in_dim3A_252, %get3A_75], %get3A_258 {add = true} : memref<24x4096xf32, #tpu.memory_space<vmem>>[vector<16xi32>, vector<16xi32>], vector<16xf32>,
        %broadcast_in_dim3A_259 = arith.constant 23 : i32
        %broadcast_in_dim3A_260 = vector.broadcast %broadcast_in_dim3A_259 : i32 to vector<16xi32>
        %mul3A_261 = arith.constant 16 : i32
        %mul3A_262 = arith.muli %scan3A_72, %mul3A_261 : i32
        %get3A_263 = arith.constant 23 : i32
        %get3A_264 = arith.index_cast %get3A_263 : i32 to index
        %get3A_265 = arith.index_cast %mul3A_262 : i32 to index
        %get3A_266 = tpu.vector_load %arg8[%get3A_264, %get3A_265] {strides = array<i32>} : memref<24x512xf32, #tpu.memory_space<vmem>>, vector<16xf32>,
        tpu.vector_store_idx %arg10[%broadcast_in_dim3A_260, %get3A_75], %get3A_266 {add = true} : memref<24x4096xf32, #tpu.memory_space<vmem>>[vector<16xi32>, vector<16xi32>], vector<16xf32>,
      }
      %scan3A_49 = arith.constant 32 : i32
      %mul3A_50 = arith.constant 2 : i32
      %mul3A_51 = arith.muli %mul3A_50, %scan3A_19 : i32
      %add3A_52 = arith.constant 2 : i32
      %add3A_53 = arith.addi %mul3A_51, %add3A_52 : i32
      %lt3A = arith.constant 128 : i32
      %lt3A_54 = arith.cmpi slt, %add3A_53, %lt3A : i32
      %convert_element_type3A = arith.extui %lt3A_54 : i1 to i32
      %cond3A = arith.constant 0 : i32
      %cond3A_55 = arith.cmpi ne, %convert_element_type3A, %cond3A : i32
      scf.if %cond3A_55 {
        %mul3A_72 = arith.constant 2 : i32
        %mul3A_73 = arith.muli %mul3A_72, %scan3A_19 : i32
        %add3A_74 = arith.constant 2 : i32
        %add3A_75 = arith.addi %mul3A_73, %add3A_74 : i32
        %mul3A_76 = arith.constant 65536 : i32
        %mul3A_77 = arith.muli %arg0, %mul3A_76 : i32
        %mul3A_78 = arith.constant 512 : i32
        %mul3A_79 = arith.muli %add3A_75, %mul3A_78 : i32
        %add3A_80 = arith.addi %mul3A_77, %mul3A_79 : i32
        %dma_start3A_81 = tpu.memref_slice %arg3[%add3A_80] : memref<131072xi32, #tpu.memory_space<hbm>> -> memref<512xi32, #tpu.memory_space<hbm>>
        %dma_start3A_82 = tpu.memref_slice %arg3[%add3A_80] : memref<131072xi32, #tpu.memory_space<hbm>> -> memref<512xi32, #tpu.memory_space<hbm>>
        tpu.enqueue_dma source(%dma_start3A_82 : memref<512xi32, #tpu.memory_space<hbm>>) target(%arg6 : memref<512xi32, #tpu.memory_space<vmem>>) target_semaphore(%arg11 : memref<!tpu.dma_semaphore, #tpu.memory_space<semaphore_mem>>)
        %mul3A_83 = arith.constant 24 : i32
        %mul3A_84 = arith.muli %arg1, %mul3A_83 : i32
        %dma_start3A_85 = tpu.memref_slice %arg2[%mul3A_84, %add3A_80] : memref<384x131072xf32, #tpu.memory_space<hbm>> -> memref<24x512xf32, #tpu.memory_space<hbm>>
        %dma_start3A_86 = tpu.memref_slice %arg2[%mul3A_84, %add3A_80] : memref<384x131072xf32, #tpu.memory_space<hbm>> -> memref<24x512xf32, #tpu.memory_space<hbm>>
        tpu.enqueue_dma source(%dma_start3A_86 : memref<24x512xf32, #tpu.memory_space<hbm>>) target(%arg8 : memref<24x512xf32, #tpu.memory_space<vmem>>) target_semaphore(%arg12 : memref<!tpu.dma_semaphore, #tpu.memory_space<semaphore_mem>>)
      } else {
      }
      %dma_wait3A_56 = arith.constant 0 : i32
      %dma_wait3A_57 = tpu.memref_slice %arg3[%dma_wait3A_56] : memref<131072xi32, #tpu.memory_space<hbm>> -> memref<512xi32, #tpu.memory_space<hbm>>
      %dma_wait3A_58 = arith.constant 0 : i32
      %dma_wait3A_59 = tpu.memref_slice %arg3[%dma_wait3A_58] : memref<131072xi32, #tpu.memory_space<hbm>> -> memref<512xi32, #tpu.memory_space<hbm>>
      tpu.wait_dma2 semaphore(%arg13 : memref<!tpu.dma_semaphore, #tpu.memory_space<semaphore_mem>>) src(%dma_wait3A_59 : memref<512xi32, #tpu.memory_space<hbm>>) dst(%arg7 : memref<512xi32, #tpu.memory_space<vmem>>)
      %dma_wait3A_60 = arith.constant 0 : i32
      %dma_wait3A_61 = arith.constant 0 : i32
      %dma_wait3A_62 = tpu.memref_slice %arg2[%dma_wait3A_60, %dma_wait3A_61] : memref<384x131072xf32, #tpu.memory_space<hbm>> -> memref<24x512xf32, #tpu.memory_space<hbm>>
      %dma_wait3A_63 = arith.constant 0 : i32
      %dma_wait3A_64 = arith.constant 0 : i32
      %dma_wait3A_65 = tpu.memref_slice %arg2[%dma_wait3A_63, %dma_wait3A_64] : memref<384x131072xf32, #tpu.memory_space<hbm>> -> memref<24x512xf32, #tpu.memory_space<hbm>>
      tpu.wait_dma2 semaphore(%arg14 : memref<!tpu.dma_semaphore, #tpu.memory_space<semaphore_mem>>) src(%dma_wait3A_65 : memref<24x512xf32, #tpu.memory_space<hbm>>) dst(%arg9 : memref<24x512xf32, #tpu.memory_space<vmem>>)
      %scan3A_66 = arith.constant 0 : i32
      %scan3A_67 = arith.constant 0 : i32
      %scan3A_68 = arith.constant 32 : i32
      %scan3A_69 = arith.addi %scan3A_67, %scan3A_68 : i32
      %scan3A_70 = arith.constant 1 : i32
      scf.for %scan3A_72 = %scan3A_67 to %scan3A_69 step %scan3A_70  : i32 {
        %mul3A_73 = arith.constant 16 : i32
        %mul3A_74 = arith.muli %scan3A_72, %mul3A_73 : i32
        %get3A = arith.index_cast %mul3A_74 : i32 to index
        %get3A_75 = tpu.vector_load %arg7[%get3A] {strides = array<i32>} : memref<512xi32, #tpu.memory_space<vmem>>, vector<16xi32>,
        %broadcast_in_dim3A = arith.constant 0 : i32
        %broadcast_in_dim3A_76 = vector.broadcast %broadcast_in_dim3A : i32 to vector<16xi32>
        %mul3A_77 = arith.constant 16 : i32
        %mul3A_78 = arith.muli %scan3A_72, %mul3A_77 : i32
        %get3A_79 = arith.constant 0 : i32
        %get3A_80 = arith.index_cast %get3A_79 : i32 to index
        %get3A_81 = arith.index_cast %mul3A_78 : i32 to index
        %get3A_82 = tpu.vector_load %arg9[%get3A_80, %get3A_81] {strides = array<i32>} : memref<24x512xf32, #tpu.memory_space<vmem>>, vector<16xf32>,
        tpu.vector_store_idx %arg10[%broadcast_in_dim3A_76, %get3A_75], %get3A_82 {add = true} : memref<24x4096xf32, #tpu.memory_space<vmem>>[vector<16xi32>, vector<16xi32>], vector<16xf32>,
        %broadcast_in_dim3A_83 = arith.constant 1 : i32
        %broadcast_in_dim3A_84 = vector.broadcast %broadcast_in_dim3A_83 : i32 to vector<16xi32>
        %mul3A_85 = arith.constant 16 : i32
        %mul3A_86 = arith.muli %scan3A_72, %mul3A_85 : i32
        %get3A_87 = arith.constant 1 : i32
        %get3A_88 = arith.index_cast %get3A_87 : i32 to index
        %get3A_89 = arith.index_cast %mul3A_86 : i32 to index
        %get3A_90 = tpu.vector_load %arg9[%get3A_88, %get3A_89] {strides = array<i32>} : memref<24x512xf32, #tpu.memory_space<vmem>>, vector<16xf32>,
        tpu.vector_store_idx %arg10[%broadcast_in_dim3A_84, %get3A_75], %get3A_90 {add = true} : memref<24x4096xf32, #tpu.memory_space<vmem>>[vector<16xi32>, vector<16xi32>], vector<16xf32>,
        %broadcast_in_dim3A_91 = arith.constant 2 : i32
        %broadcast_in_dim3A_92 = vector.broadcast %broadcast_in_dim3A_91 : i32 to vector<16xi32>
        %mul3A_93 = arith.constant 16 : i32
        %mul3A_94 = arith.muli %scan3A_72, %mul3A_93 : i32
        %get3A_95 = arith.constant 2 : i32
        %get3A_96 = arith.index_cast %get3A_95 : i32 to index
        %get3A_97 = arith.index_cast %mul3A_94 : i32 to index
        %get3A_98 = tpu.vector_load %arg9[%get3A_96, %get3A_97] {strides = array<i32>} : memref<24x512xf32, #tpu.memory_space<vmem>>, vector<16xf32>,
        tpu.vector_store_idx %arg10[%broadcast_in_dim3A_92, %get3A_75], %get3A_98 {add = true} : memref<24x4096xf32, #tpu.memory_space<vmem>>[vector<16xi32>, vector<16xi32>], vector<16xf32>,
        %broadcast_in_dim3A_99 = arith.constant 3 : i32
        %broadcast_in_dim3A_100 = vector.broadcast %broadcast_in_dim3A_99 : i32 to vector<16xi32>
        %mul3A_101 = arith.constant 16 : i32
        %mul3A_102 = arith.muli %scan3A_72, %mul3A_101 : i32
        %get3A_103 = arith.constant 3 : i32
        %get3A_104 = arith.index_cast %get3A_103 : i32 to index
        %get3A_105 = arith.index_cast %mul3A_102 : i32 to index
        %get3A_106 = tpu.vector_load %arg9[%get3A_104, %get3A_105] {strides = array<i32>} : memref<24x512xf32, #tpu.memory_space<vmem>>, vector<16xf32>,
        tpu.vector_store_idx %arg10[%broadcast_in_dim3A_100, %get3A_75], %get3A_106 {add = true} : memref<24x4096xf32, #tpu.memory_space<vmem>>[vector<16xi32>, vector<16xi32>], vector<16xf32>,
        %broadcast_in_dim3A_107 = arith.constant 4 : i32
        %broadcast_in_dim3A_108 = vector.broadcast %broadcast_in_dim3A_107 : i32 to vector<16xi32>
        %mul3A_109 = arith.constant 16 : i32
        %mul3A_110 = arith.muli %scan3A_72, %mul3A_109 : i32
        %get3A_111 = arith.constant 4 : i32
        %get3A_112 = arith.index_cast %get3A_111 : i32 to index
        %get3A_113 = arith.index_cast %mul3A_110 : i32 to index
        %get3A_114 = tpu.vector_load %arg9[%get3A_112, %get3A_113] {strides = array<i32>} : memref<24x512xf32, #tpu.memory_space<vmem>>, vector<16xf32>,
        tpu.vector_store_idx %arg10[%broadcast_in_dim3A_108, %get3A_75], %get3A_114 {add = true} : memref<24x4096xf32, #tpu.memory_space<vmem>>[vector<16xi32>, vector<16xi32>], vector<16xf32>,
        %broadcast_in_dim3A_115 = arith.constant 5 : i32
        %broadcast_in_dim3A_116 = vector.broadcast %broadcast_in_dim3A_115 : i32 to vector<16xi32>
        %mul3A_117 = arith.constant 16 : i32
        %mul3A_118 = arith.muli %scan3A_72, %mul3A_117 : i32
        %get3A_119 = arith.constant 5 : i32
        %get3A_120 = arith.index_cast %get3A_119 : i32 to index
        %get3A_121 = arith.index_cast %mul3A_118 : i32 to index
        %get3A_122 = tpu.vector_load %arg9[%get3A_120, %get3A_121] {strides = array<i32>} : memref<24x512xf32, #tpu.memory_space<vmem>>, vector<16xf32>,
        tpu.vector_store_idx %arg10[%broadcast_in_dim3A_116, %get3A_75], %get3A_122 {add = true} : memref<24x4096xf32, #tpu.memory_space<vmem>>[vector<16xi32>, vector<16xi32>], vector<16xf32>,
        %broadcast_in_dim3A_123 = arith.constant 6 : i32
        %broadcast_in_dim3A_124 = vector.broadcast %broadcast_in_dim3A_123 : i32 to vector<16xi32>
        %mul3A_125 = arith.constant 16 : i32
        %mul3A_126 = arith.muli %scan3A_72, %mul3A_125 : i32
        %get3A_127 = arith.constant 6 : i32
        %get3A_128 = arith.index_cast %get3A_127 : i32 to index
        %get3A_129 = arith.index_cast %mul3A_126 : i32 to index
        %get3A_130 = tpu.vector_load %arg9[%get3A_128, %get3A_129] {strides = array<i32>} : memref<24x512xf32, #tpu.memory_space<vmem>>, vector<16xf32>,
        tpu.vector_store_idx %arg10[%broadcast_in_dim3A_124, %get3A_75], %get3A_130 {add = true} : memref<24x4096xf32, #tpu.memory_space<vmem>>[vector<16xi32>, vector<16xi32>], vector<16xf32>,
        %broadcast_in_dim3A_131 = arith.constant 7 : i32
        %broadcast_in_dim3A_132 = vector.broadcast %broadcast_in_dim3A_131 : i32 to vector<16xi32>
        %mul3A_133 = arith.constant 16 : i32
        %mul3A_134 = arith.muli %scan3A_72, %mul3A_133 : i32
        %get3A_135 = arith.constant 7 : i32
        %get3A_136 = arith.index_cast %get3A_135 : i32 to index
        %get3A_137 = arith.index_cast %mul3A_134 : i32 to index
        %get3A_138 = tpu.vector_load %arg9[%get3A_136, %get3A_137] {strides = array<i32>} : memref<24x512xf32, #tpu.memory_space<vmem>>, vector<16xf32>,
        tpu.vector_store_idx %arg10[%broadcast_in_dim3A_132, %get3A_75], %get3A_138 {add = true} : memref<24x4096xf32, #tpu.memory_space<vmem>>[vector<16xi32>, vector<16xi32>], vector<16xf32>,
        %broadcast_in_dim3A_139 = arith.constant 8 : i32
        %broadcast_in_dim3A_140 = vector.broadcast %broadcast_in_dim3A_139 : i32 to vector<16xi32>
        %mul3A_141 = arith.constant 16 : i32
        %mul3A_142 = arith.muli %scan3A_72, %mul3A_141 : i32
        %get3A_143 = arith.constant 8 : i32
        %get3A_144 = arith.index_cast %get3A_143 : i32 to index
        %get3A_145 = arith.index_cast %mul3A_142 : i32 to index
        %get3A_146 = tpu.vector_load %arg9[%get3A_144, %get3A_145] {strides = array<i32>} : memref<24x512xf32, #tpu.memory_space<vmem>>, vector<16xf32>,
        tpu.vector_store_idx %arg10[%broadcast_in_dim3A_140, %get3A_75], %get3A_146 {add = true} : memref<24x4096xf32, #tpu.memory_space<vmem>>[vector<16xi32>, vector<16xi32>], vector<16xf32>,
        %broadcast_in_dim3A_147 = arith.constant 9 : i32
        %broadcast_in_dim3A_148 = vector.broadcast %broadcast_in_dim3A_147 : i32 to vector<16xi32>
        %mul3A_149 = arith.constant 16 : i32
        %mul3A_150 = arith.muli %scan3A_72, %mul3A_149 : i32
        %get3A_151 = arith.constant 9 : i32
        %get3A_152 = arith.index_cast %get3A_151 : i32 to index
        %get3A_153 = arith.index_cast %mul3A_150 : i32 to index
        %get3A_154 = tpu.vector_load %arg9[%get3A_152, %get3A_153] {strides = array<i32>} : memref<24x512xf32, #tpu.memory_space<vmem>>, vector<16xf32>,
        tpu.vector_store_idx %arg10[%broadcast_in_dim3A_148, %get3A_75], %get3A_154 {add = true} : memref<24x4096xf32, #tpu.memory_space<vmem>>[vector<16xi32>, vector<16xi32>], vector<16xf32>,
        %broadcast_in_dim3A_155 = arith.constant 10 : i32
        %broadcast_in_dim3A_156 = vector.broadcast %broadcast_in_dim3A_155 : i32 to vector<16xi32>
        %mul3A_157 = arith.constant 16 : i32
        %mul3A_158 = arith.muli %scan3A_72, %mul3A_157 : i32
        %get3A_159 = arith.constant 10 : i32
        %get3A_160 = arith.index_cast %get3A_159 : i32 to index
        %get3A_161 = arith.index_cast %mul3A_158 : i32 to index
        %get3A_162 = tpu.vector_load %arg9[%get3A_160, %get3A_161] {strides = array<i32>} : memref<24x512xf32, #tpu.memory_space<vmem>>, vector<16xf32>,
        tpu.vector_store_idx %arg10[%broadcast_in_dim3A_156, %get3A_75], %get3A_162 {add = true} : memref<24x4096xf32, #tpu.memory_space<vmem>>[vector<16xi32>, vector<16xi32>], vector<16xf32>,
        %broadcast_in_dim3A_163 = arith.constant 11 : i32
        %broadcast_in_dim3A_164 = vector.broadcast %broadcast_in_dim3A_163 : i32 to vector<16xi32>
        %mul3A_165 = arith.constant 16 : i32
        %mul3A_166 = arith.muli %scan3A_72, %mul3A_165 : i32
        %get3A_167 = arith.constant 11 : i32
        %get3A_168 = arith.index_cast %get3A_167 : i32 to index
        %get3A_169 = arith.index_cast %mul3A_166 : i32 to index
        %get3A_170 = tpu.vector_load %arg9[%get3A_168, %get3A_169] {strides = array<i32>} : memref<24x512xf32, #tpu.memory_space<vmem>>, vector<16xf32>,
        tpu.vector_store_idx %arg10[%broadcast_in_dim3A_164, %get3A_75], %get3A_170 {add = true} : memref<24x4096xf32, #tpu.memory_space<vmem>>[vector<16xi32>, vector<16xi32>], vector<16xf32>,
        %broadcast_in_dim3A_171 = arith.constant 12 : i32
        %broadcast_in_dim3A_172 = vector.broadcast %broadcast_in_dim3A_171 : i32 to vector<16xi32>
        %mul3A_173 = arith.constant 16 : i32
        %mul3A_174 = arith.muli %scan3A_72, %mul3A_173 : i32
        %get3A_175 = arith.constant 12 : i32
        %get3A_176 = arith.index_cast %get3A_175 : i32 to index
        %get3A_177 = arith.index_cast %mul3A_174 : i32 to index
        %get3A_178 = tpu.vector_load %arg9[%get3A_176, %get3A_177] {strides = array<i32>} : memref<24x512xf32, #tpu.memory_space<vmem>>, vector<16xf32>,
        tpu.vector_store_idx %arg10[%broadcast_in_dim3A_172, %get3A_75], %get3A_178 {add = true} : memref<24x4096xf32, #tpu.memory_space<vmem>>[vector<16xi32>, vector<16xi32>], vector<16xf32>,
        %broadcast_in_dim3A_179 = arith.constant 13 : i32
        %broadcast_in_dim3A_180 = vector.broadcast %broadcast_in_dim3A_179 : i32 to vector<16xi32>
        %mul3A_181 = arith.constant 16 : i32
        %mul3A_182 = arith.muli %scan3A_72, %mul3A_181 : i32
        %get3A_183 = arith.constant 13 : i32
        %get3A_184 = arith.index_cast %get3A_183 : i32 to index
        %get3A_185 = arith.index_cast %mul3A_182 : i32 to index
        %get3A_186 = tpu.vector_load %arg9[%get3A_184, %get3A_185] {strides = array<i32>} : memref<24x512xf32, #tpu.memory_space<vmem>>, vector<16xf32>,
        tpu.vector_store_idx %arg10[%broadcast_in_dim3A_180, %get3A_75], %get3A_186 {add = true} : memref<24x4096xf32, #tpu.memory_space<vmem>>[vector<16xi32>, vector<16xi32>], vector<16xf32>,
        %broadcast_in_dim3A_187 = arith.constant 14 : i32
        %broadcast_in_dim3A_188 = vector.broadcast %broadcast_in_dim3A_187 : i32 to vector<16xi32>
        %mul3A_189 = arith.constant 16 : i32
        %mul3A_190 = arith.muli %scan3A_72, %mul3A_189 : i32
        %get3A_191 = arith.constant 14 : i32
        %get3A_192 = arith.index_cast %get3A_191 : i32 to index
        %get3A_193 = arith.index_cast %mul3A_190 : i32 to index
        %get3A_194 = tpu.vector_load %arg9[%get3A_192, %get3A_193] {strides = array<i32>} : memref<24x512xf32, #tpu.memory_space<vmem>>, vector<16xf32>,
        tpu.vector_store_idx %arg10[%broadcast_in_dim3A_188, %get3A_75], %get3A_194 {add = true} : memref<24x4096xf32, #tpu.memory_space<vmem>>[vector<16xi32>, vector<16xi32>], vector<16xf32>,
        %broadcast_in_dim3A_195 = arith.constant 15 : i32
        %broadcast_in_dim3A_196 = vector.broadcast %broadcast_in_dim3A_195 : i32 to vector<16xi32>
        %mul3A_197 = arith.constant 16 : i32
        %mul3A_198 = arith.muli %scan3A_72, %mul3A_197 : i32
        %get3A_199 = arith.constant 15 : i32
        %get3A_200 = arith.index_cast %get3A_199 : i32 to index
        %get3A_201 = arith.index_cast %mul3A_198 : i32 to index
        %get3A_202 = tpu.vector_load %arg9[%get3A_200, %get3A_201] {strides = array<i32>} : memref<24x512xf32, #tpu.memory_space<vmem>>, vector<16xf32>,
        tpu.vector_store_idx %arg10[%broadcast_in_dim3A_196, %get3A_75], %get3A_202 {add = true} : memref<24x4096xf32, #tpu.memory_space<vmem>>[vector<16xi32>, vector<16xi32>], vector<16xf32>,
        %broadcast_in_dim3A_203 = arith.constant 16 : i32
        %broadcast_in_dim3A_204 = vector.broadcast %broadcast_in_dim3A_203 : i32 to vector<16xi32>
        %mul3A_205 = arith.constant 16 : i32
        %mul3A_206 = arith.muli %scan3A_72, %mul3A_205 : i32
        %get3A_207 = arith.constant 16 : i32
        %get3A_208 = arith.index_cast %get3A_207 : i32 to index
        %get3A_209 = arith.index_cast %mul3A_206 : i32 to index
        %get3A_210 = tpu.vector_load %arg9[%get3A_208, %get3A_209] {strides = array<i32>} : memref<24x512xf32, #tpu.memory_space<vmem>>, vector<16xf32>,
        tpu.vector_store_idx %arg10[%broadcast_in_dim3A_204, %get3A_75], %get3A_210 {add = true} : memref<24x4096xf32, #tpu.memory_space<vmem>>[vector<16xi32>, vector<16xi32>], vector<16xf32>,
        %broadcast_in_dim3A_211 = arith.constant 17 : i32
        %broadcast_in_dim3A_212 = vector.broadcast %broadcast_in_dim3A_211 : i32 to vector<16xi32>
        %mul3A_213 = arith.constant 16 : i32
        %mul3A_214 = arith.muli %scan3A_72, %mul3A_213 : i32
        %get3A_215 = arith.constant 17 : i32
        %get3A_216 = arith.index_cast %get3A_215 : i32 to index
        %get3A_217 = arith.index_cast %mul3A_214 : i32 to index
        %get3A_218 = tpu.vector_load %arg9[%get3A_216, %get3A_217] {strides = array<i32>} : memref<24x512xf32, #tpu.memory_space<vmem>>, vector<16xf32>,
        tpu.vector_store_idx %arg10[%broadcast_in_dim3A_212, %get3A_75], %get3A_218 {add = true} : memref<24x4096xf32, #tpu.memory_space<vmem>>[vector<16xi32>, vector<16xi32>], vector<16xf32>,
        %broadcast_in_dim3A_219 = arith.constant 18 : i32
        %broadcast_in_dim3A_220 = vector.broadcast %broadcast_in_dim3A_219 : i32 to vector<16xi32>
        %mul3A_221 = arith.constant 16 : i32
        %mul3A_222 = arith.muli %scan3A_72, %mul3A_221 : i32
        %get3A_223 = arith.constant 18 : i32
        %get3A_224 = arith.index_cast %get3A_223 : i32 to index
        %get3A_225 = arith.index_cast %mul3A_222 : i32 to index
        %get3A_226 = tpu.vector_load %arg9[%get3A_224, %get3A_225] {strides = array<i32>} : memref<24x512xf32, #tpu.memory_space<vmem>>, vector<16xf32>,
        tpu.vector_store_idx %arg10[%broadcast_in_dim3A_220, %get3A_75], %get3A_226 {add = true} : memref<24x4096xf32, #tpu.memory_space<vmem>>[vector<16xi32>, vector<16xi32>], vector<16xf32>,
        %broadcast_in_dim3A_227 = arith.constant 19 : i32
        %broadcast_in_dim3A_228 = vector.broadcast %broadcast_in_dim3A_227 : i32 to vector<16xi32>
        %mul3A_229 = arith.constant 16 : i32
        %mul3A_230 = arith.muli %scan3A_72, %mul3A_229 : i32
        %get3A_231 = arith.constant 19 : i32
        %get3A_232 = arith.index_cast %get3A_231 : i32 to index
        %get3A_233 = arith.index_cast %mul3A_230 : i32 to index
        %get3A_234 = tpu.vector_load %arg9[%get3A_232, %get3A_233] {strides = array<i32>} : memref<24x512xf32, #tpu.memory_space<vmem>>, vector<16xf32>,
        tpu.vector_store_idx %arg10[%broadcast_in_dim3A_228, %get3A_75], %get3A_234 {add = true} : memref<24x4096xf32, #tpu.memory_space<vmem>>[vector<16xi32>, vector<16xi32>], vector<16xf32>,
        %broadcast_in_dim3A_235 = arith.constant 20 : i32
        %broadcast_in_dim3A_236 = vector.broadcast %broadcast_in_dim3A_235 : i32 to vector<16xi32>
        %mul3A_237 = arith.constant 16 : i32
        %mul3A_238 = arith.muli %scan3A_72, %mul3A_237 : i32
        %get3A_239 = arith.constant 20 : i32
        %get3A_240 = arith.index_cast %get3A_239 : i32 to index
        %get3A_241 = arith.index_cast %mul3A_238 : i32 to index
        %get3A_242 = tpu.vector_load %arg9[%get3A_240, %get3A_241] {strides = array<i32>} : memref<24x512xf32, #tpu.memory_space<vmem>>, vector<16xf32>,
        tpu.vector_store_idx %arg10[%broadcast_in_dim3A_236, %get3A_75], %get3A_242 {add = true} : memref<24x4096xf32, #tpu.memory_space<vmem>>[vector<16xi32>, vector<16xi32>], vector<16xf32>,
        %broadcast_in_dim3A_243 = arith.constant 21 : i32
        %broadcast_in_dim3A_244 = vector.broadcast %broadcast_in_dim3A_243 : i32 to vector<16xi32>
        %mul3A_245 = arith.constant 16 : i32
        %mul3A_246 = arith.muli %scan3A_72, %mul3A_245 : i32
        %get3A_247 = arith.constant 21 : i32
        %get3A_248 = arith.index_cast %get3A_247 : i32 to index
        %get3A_249 = arith.index_cast %mul3A_246 : i32 to index
        %get3A_250 = tpu.vector_load %arg9[%get3A_248, %get3A_249] {strides = array<i32>} : memref<24x512xf32, #tpu.memory_space<vmem>>, vector<16xf32>,
        tpu.vector_store_idx %arg10[%broadcast_in_dim3A_244, %get3A_75], %get3A_250 {add = true} : memref<24x4096xf32, #tpu.memory_space<vmem>>[vector<16xi32>, vector<16xi32>], vector<16xf32>,
        %broadcast_in_dim3A_251 = arith.constant 22 : i32
        %broadcast_in_dim3A_252 = vector.broadcast %broadcast_in_dim3A_251 : i32 to vector<16xi32>
        %mul3A_253 = arith.constant 16 : i32
        %mul3A_254 = arith.muli %scan3A_72, %mul3A_253 : i32
        %get3A_255 = arith.constant 22 : i32
        %get3A_256 = arith.index_cast %get3A_255 : i32 to index
        %get3A_257 = arith.index_cast %mul3A_254 : i32 to index
        %get3A_258 = tpu.vector_load %arg9[%get3A_256, %get3A_257] {strides = array<i32>} : memref<24x512xf32, #tpu.memory_space<vmem>>, vector<16xf32>,
        tpu.vector_store_idx %arg10[%broadcast_in_dim3A_252, %get3A_75], %get3A_258 {add = true} : memref<24x4096xf32, #tpu.memory_space<vmem>>[vector<16xi32>, vector<16xi32>], vector<16xf32>,
        %broadcast_in_dim3A_259 = arith.constant 23 : i32
        %broadcast_in_dim3A_260 = vector.broadcast %broadcast_in_dim3A_259 : i32 to vector<16xi32>
        %mul3A_261 = arith.constant 16 : i32
        %mul3A_262 = arith.muli %scan3A_72, %mul3A_261 : i32
        %get3A_263 = arith.constant 23 : i32
        %get3A_264 = arith.index_cast %get3A_263 : i32 to index
        %get3A_265 = arith.index_cast %mul3A_262 : i32 to index
        %get3A_266 = tpu.vector_load %arg9[%get3A_264, %get3A_265] {strides = array<i32>} : memref<24x512xf32, #tpu.memory_space<vmem>>, vector<16xf32>,
        tpu.vector_store_idx %arg10[%broadcast_in_dim3A_260, %get3A_75], %get3A_266 {add = true} : memref<24x4096xf32, #tpu.memory_space<vmem>>[vector<16xi32>, vector<16xi32>], vector<16xf32>,
      }
      %scan3A_71 = arith.constant 32 : i32
    }
    %scan3A_11 = arith.constant 64 : i32
    %mul3A_12 = arith.constant 3 : i32
    %mul3A_13 = arith.muli %arg0, %mul3A_12 : i32
    %mul3A_14 = arith.constant 128 : i32
    %mul3A_15 = arith.muli %mul3A_13, %mul3A_14 : i32
    %mul3A_16 = arith.constant 24 : i32
    %mul3A_17 = arith.muli %arg1, %mul3A_16 : i32
    %add3A_18 = arith.addi %mul3A_15, %mul3A_17 : i32
    "tpu.region"() ({
      %run_scoped3A = tpu.sem_alloc : memref<!tpu.dma_semaphore, #tpu.memory_space<semaphore_mem>>
      %dma_start3A_19 = arith.constant 0 : i32
      %dma_start3A_20 = tpu.memref_slice %arg5[%add3A_18, %dma_start3A_19] : memref<768x4096xf32, #tpu.memory_space<hbm>> -> memref<24x4096xf32, #tpu.memory_space<hbm>>
      %dma_start3A_21 = arith.constant 0 : i32
      %dma_start3A_22 = tpu.memref_slice %arg5[%add3A_18, %dma_start3A_21] : memref<768x4096xf32, #tpu.memory_space<hbm>> -> memref<24x4096xf32, #tpu.memory_space<hbm>>
      tpu.enqueue_dma source(%arg10 : memref<24x4096xf32, #tpu.memory_space<vmem>>) target(%dma_start3A_22 : memref<24x4096xf32, #tpu.memory_space<hbm>>) target_semaphore(%run_scoped3A : memref<!tpu.dma_semaphore, #tpu.memory_space<semaphore_mem>>)
      %dma_wait3A = arith.constant 0 : i32
      %dma_wait3A_23 = tpu.memref_slice %arg5[%add3A_18, %dma_wait3A] : memref<768x4096xf32, #tpu.memory_space<hbm>> -> memref<24x4096xf32, #tpu.memory_space<hbm>>
      %dma_wait3A_24 = arith.constant 0 : i32
      %dma_wait3A_25 = tpu.memref_slice %arg5[%add3A_18, %dma_wait3A_24] : memref<768x4096xf32, #tpu.memory_space<hbm>> -> memref<24x4096xf32, #tpu.memory_space<hbm>>
      tpu.wait_dma2 semaphore(%run_scoped3A : memref<!tpu.dma_semaphore, #tpu.memory_space<semaphore_mem>>) src(%arg10 : memref<24x4096xf32, #tpu.memory_space<vmem>>) dst(%dma_wait3A_25 : memref<24x4096xf32, #tpu.memory_space<hbm>>)
      tpu.yield
    }) : () -> ()
    return
  }
}

#map = affine_map<(d0, d1) -> (0, 0)>
#map1 = affine_map<(d0, d1) -> (0)>
module attributes {stable_mosaic.version = 14 : i64} {
  func.func @_c1_body(%arg0: i32, %arg1: i32, %arg2: memref<4096x256xf32, #tpu.memory_space<hbm>>, %arg3: memref<131072xi32, #tpu.memory_space<hbm>>, %arg4: memref<131072xi32, #tpu.memory_space<hbm>>, %arg5: memref<131072x256xf32, #tpu.memory_space<hbm>>, %arg6: memref<131072x256xf32, #tpu.memory_space<hbm>>, %arg7: memref<128xi32, #tpu.memory_space<vmem>>, %arg8: memref<128xi32, #tpu.memory_space<vmem>>, %arg9: memref<128x256xf32, #tpu.memory_space<vmem>>, %arg10: memref<128x256xf32, #tpu.memory_space<vmem>>, %arg11: memref<!tpu.dma_semaphore, #tpu.memory_space<semaphore_mem>>) attributes {dimension_semantics = [#tpu.dimension_semantics<core_parallel>, #tpu.dimension_semantics<subcore_parallel>], iteration_bounds = array<i64: 2, 16>, scalar_prefetch = 0 : i64, scratch_operands = 5 : i64, tpu.core_type = #tpu.core_type<sc_vector_subcore>, window_params = [{transform_indices = #map}, {transform_indices = #map1}, {transform_indices = #map1}, {transform_indices = #map}, {transform_indices = #map}]} {
    %mul3A = arith.constant 2 : i32
    %mul3A_0 = arith.muli %arg1, %mul3A : i32
    %add3A = arith.addi %mul3A_0, %arg0 : i32
    %mul3A_1 = arith.constant 4096 : i32
    %mul3A_2 = arith.muli %add3A, %mul3A_1 : i32
    %scan3A = arith.constant 0 : i32
    %scan3A_3 = arith.constant 0 : i32
    %scan3A_4 = arith.constant 32 : i32
    %scan3A_5 = arith.addi %scan3A_3, %scan3A_4 : i32
    %scan3A_6 = arith.constant 1 : i32
    scf.for %scan3A_8 = %scan3A_3 to %scan3A_5 step %scan3A_6  : i32 {
      %mul3A_9 = arith.constant 128 : i32
      %mul3A_10 = arith.muli %scan3A_8, %mul3A_9 : i32
      %add3A_11 = arith.addi %mul3A_2, %mul3A_10 : i32
      "tpu.region"() ({
        %run_scoped3A = tpu.sem_alloc : memref<!tpu.dma_semaphore, #tpu.memory_space<semaphore_mem>>
        %dma_start3A_22 = tpu.memref_slice %arg3[%add3A_11] : memref<131072xi32, #tpu.memory_space<hbm>> -> memref<128xi32, #tpu.memory_space<hbm>>
        %dma_start3A_23 = tpu.memref_slice %arg3[%add3A_11] : memref<131072xi32, #tpu.memory_space<hbm>> -> memref<128xi32, #tpu.memory_space<hbm>>
        tpu.enqueue_dma source(%dma_start3A_23 : memref<128xi32, #tpu.memory_space<hbm>>) target(%arg7 : memref<128xi32, #tpu.memory_space<vmem>>) target_semaphore(%run_scoped3A : memref<!tpu.dma_semaphore, #tpu.memory_space<semaphore_mem>>)
        %dma_wait3A_24 = tpu.memref_slice %arg3[%add3A_11] : memref<131072xi32, #tpu.memory_space<hbm>> -> memref<128xi32, #tpu.memory_space<hbm>>
        %dma_wait3A_25 = tpu.memref_slice %arg3[%add3A_11] : memref<131072xi32, #tpu.memory_space<hbm>> -> memref<128xi32, #tpu.memory_space<hbm>>
        tpu.wait_dma2 semaphore(%run_scoped3A : memref<!tpu.dma_semaphore, #tpu.memory_space<semaphore_mem>>) src(%dma_wait3A_25 : memref<128xi32, #tpu.memory_space<hbm>>) dst(%arg7 : memref<128xi32, #tpu.memory_space<vmem>>)
        tpu.yield
      }) : () -> ()
      "tpu.region"() ({
        %run_scoped3A = tpu.sem_alloc : memref<!tpu.dma_semaphore, #tpu.memory_space<semaphore_mem>>
        %dma_start3A_22 = tpu.memref_slice %arg4[%add3A_11] : memref<131072xi32, #tpu.memory_space<hbm>> -> memref<128xi32, #tpu.memory_space<hbm>>
        %dma_start3A_23 = tpu.memref_slice %arg4[%add3A_11] : memref<131072xi32, #tpu.memory_space<hbm>> -> memref<128xi32, #tpu.memory_space<hbm>>
        tpu.enqueue_dma source(%dma_start3A_23 : memref<128xi32, #tpu.memory_space<hbm>>) target(%arg8 : memref<128xi32, #tpu.memory_space<vmem>>) target_semaphore(%run_scoped3A : memref<!tpu.dma_semaphore, #tpu.memory_space<semaphore_mem>>)
        %dma_wait3A_24 = tpu.memref_slice %arg4[%add3A_11] : memref<131072xi32, #tpu.memory_space<hbm>> -> memref<128xi32, #tpu.memory_space<hbm>>
        %dma_wait3A_25 = tpu.memref_slice %arg4[%add3A_11] : memref<131072xi32, #tpu.memory_space<hbm>> -> memref<128xi32, #tpu.memory_space<hbm>>
        tpu.wait_dma2 semaphore(%run_scoped3A : memref<!tpu.dma_semaphore, #tpu.memory_space<semaphore_mem>>) src(%dma_wait3A_25 : memref<128xi32, #tpu.memory_space<hbm>>) dst(%arg8 : memref<128xi32, #tpu.memory_space<vmem>>)
        tpu.yield
      }) : () -> ()
      %dma_start3A = arith.constant 0 : i32
      %dma_start3A_12 = arith.constant 0 : i32
      %dma_start3A_13 = tpu.memref_slice %arg2[%dma_start3A, %dma_start3A_12] : memref<4096x256xf32, #tpu.memory_space<hbm>> -> memref<4096x256xf32, #tpu.memory_space<hbm>>
      tpu.enqueue_indirect_dma source(%dma_start3A_13 : memref<4096x256xf32, #tpu.memory_space<hbm>>) target(%arg9 : memref<128x256xf32, #tpu.memory_space<vmem>>) offsets(%arg7 : memref<128xi32, #tpu.memory_space<vmem>>) semaphore(%arg11 : memref<!tpu.dma_semaphore, #tpu.memory_space<semaphore_mem>>)
      %dma_wait3A = arith.constant 0 : i32
      %dma_wait3A_14 = arith.constant 0 : i32
      %dma_wait3A_15 = tpu.memref_slice %arg2[%dma_wait3A, %dma_wait3A_14] : memref<4096x256xf32, #tpu.memory_space<hbm>> -> memref<4096x256xf32, #tpu.memory_space<hbm>>
      tpu.wait_indirect_dma semaphore(%arg11 : memref<!tpu.dma_semaphore, #tpu.memory_space<semaphore_mem>>) src(%dma_wait3A_15 : memref<4096x256xf32, #tpu.memory_space<hbm>>) dst(%arg9 : memref<128x256xf32, #tpu.memory_space<vmem>>)
      %dma_start3A_16 = arith.constant 0 : i32
      %dma_start3A_17 = arith.constant 0 : i32
      %dma_start3A_18 = tpu.memref_slice %arg2[%dma_start3A_16, %dma_start3A_17] : memref<4096x256xf32, #tpu.memory_space<hbm>> -> memref<4096x256xf32, #tpu.memory_space<hbm>>
      tpu.enqueue_indirect_dma source(%dma_start3A_18 : memref<4096x256xf32, #tpu.memory_space<hbm>>) target(%arg10 : memref<128x256xf32, #tpu.memory_space<vmem>>) offsets(%arg8 : memref<128xi32, #tpu.memory_space<vmem>>) semaphore(%arg11 : memref<!tpu.dma_semaphore, #tpu.memory_space<semaphore_mem>>)
      %dma_wait3A_19 = arith.constant 0 : i32
      %dma_wait3A_20 = arith.constant 0 : i32
      %dma_wait3A_21 = tpu.memref_slice %arg2[%dma_wait3A_19, %dma_wait3A_20] : memref<4096x256xf32, #tpu.memory_space<hbm>> -> memref<4096x256xf32, #tpu.memory_space<hbm>>
      tpu.wait_indirect_dma semaphore(%arg11 : memref<!tpu.dma_semaphore, #tpu.memory_space<semaphore_mem>>) src(%dma_wait3A_21 : memref<4096x256xf32, #tpu.memory_space<hbm>>) dst(%arg10 : memref<128x256xf32, #tpu.memory_space<vmem>>)
      "tpu.region"() ({
        %run_scoped3A = tpu.sem_alloc : memref<!tpu.dma_semaphore, #tpu.memory_space<semaphore_mem>>
        %dma_start3A_22 = arith.constant 0 : i32
        %dma_start3A_23 = tpu.memref_slice %arg5[%add3A_11, %dma_start3A_22] : memref<131072x256xf32, #tpu.memory_space<hbm>> -> memref<128x256xf32, #tpu.memory_space<hbm>>
        %dma_start3A_24 = arith.constant 0 : i32
        %dma_start3A_25 = tpu.memref_slice %arg5[%add3A_11, %dma_start3A_24] : memref<131072x256xf32, #tpu.memory_space<hbm>> -> memref<128x256xf32, #tpu.memory_space<hbm>>
        tpu.enqueue_dma source(%arg9 : memref<128x256xf32, #tpu.memory_space<vmem>>) target(%dma_start3A_25 : memref<128x256xf32, #tpu.memory_space<hbm>>) target_semaphore(%run_scoped3A : memref<!tpu.dma_semaphore, #tpu.memory_space<semaphore_mem>>)
        %dma_wait3A_26 = arith.constant 0 : i32
        %dma_wait3A_27 = tpu.memref_slice %arg5[%add3A_11, %dma_wait3A_26] : memref<131072x256xf32, #tpu.memory_space<hbm>> -> memref<128x256xf32, #tpu.memory_space<hbm>>
        %dma_wait3A_28 = arith.constant 0 : i32
        %dma_wait3A_29 = tpu.memref_slice %arg5[%add3A_11, %dma_wait3A_28] : memref<131072x256xf32, #tpu.memory_space<hbm>> -> memref<128x256xf32, #tpu.memory_space<hbm>>
        tpu.wait_dma2 semaphore(%run_scoped3A : memref<!tpu.dma_semaphore, #tpu.memory_space<semaphore_mem>>) src(%arg9 : memref<128x256xf32, #tpu.memory_space<vmem>>) dst(%dma_wait3A_29 : memref<128x256xf32, #tpu.memory_space<hbm>>)
        tpu.yield
      }) : () -> ()
      "tpu.region"() ({
        %run_scoped3A = tpu.sem_alloc : memref<!tpu.dma_semaphore, #tpu.memory_space<semaphore_mem>>
        %dma_start3A_22 = arith.constant 0 : i32
        %dma_start3A_23 = tpu.memref_slice %arg6[%add3A_11, %dma_start3A_22] : memref<131072x256xf32, #tpu.memory_space<hbm>> -> memref<128x256xf32, #tpu.memory_space<hbm>>
        %dma_start3A_24 = arith.constant 0 : i32
        %dma_start3A_25 = tpu.memref_slice %arg6[%add3A_11, %dma_start3A_24] : memref<131072x256xf32, #tpu.memory_space<hbm>> -> memref<128x256xf32, #tpu.memory_space<hbm>>
        tpu.enqueue_dma source(%arg10 : memref<128x256xf32, #tpu.memory_space<vmem>>) target(%dma_start3A_25 : memref<128x256xf32, #tpu.memory_space<hbm>>) target_semaphore(%run_scoped3A : memref<!tpu.dma_semaphore, #tpu.memory_space<semaphore_mem>>)
        %dma_wait3A_26 = arith.constant 0 : i32
        %dma_wait3A_27 = tpu.memref_slice %arg6[%add3A_11, %dma_wait3A_26] : memref<131072x256xf32, #tpu.memory_space<hbm>> -> memref<128x256xf32, #tpu.memory_space<hbm>>
        %dma_wait3A_28 = arith.constant 0 : i32
        %dma_wait3A_29 = tpu.memref_slice %arg6[%add3A_11, %dma_wait3A_28] : memref<131072x256xf32, #tpu.memory_space<hbm>> -> memref<128x256xf32, #tpu.memory_space<hbm>>
        tpu.wait_dma2 semaphore(%run_scoped3A : memref<!tpu.dma_semaphore, #tpu.memory_space<semaphore_mem>>) src(%arg10 : memref<128x256xf32, #tpu.memory_space<vmem>>) dst(%dma_wait3A_29 : memref<128x256xf32, #tpu.memory_space<hbm>>)
        tpu.yield
      }) : () -> ()
    }
    %scan3A_7 = arith.constant 32 : i32
    return
  }
}

module attributes {stable_mosaic.version = 14 : i64} {
  func.func @_m_body(%arg0: i32, %arg1: memref<1024x256xf32, #tpu.memory_space<vmem>>, %arg2: memref<1024x256xf32, #tpu.memory_space<vmem>>, %arg3: memref<1024x1xf32, #tpu.memory_space<vmem>>, %arg4: memref<256x128xbf16, #tpu.memory_space<vmem>>, %arg5: memref<256x128xbf16, #tpu.memory_space<vmem>>, %arg6: memref<256x128xbf16, #tpu.memory_space<vmem>>, %arg7: memref<1x128xf32, #tpu.memory_space<vmem>>, %arg8: memref<1x128xf32, #tpu.memory_space<vmem>>, %arg9: memref<1x128xf32, #tpu.memory_space<vmem>>, %arg10: memref<384x1024xf32, #tpu.memory_space<vmem>>) attributes {dimension_semantics = [#tpu.dimension_semantics<arbitrary>], iteration_bounds = array<i64: 128>, scalar_prefetch = 0 : i64, scratch_operands = 0 : i64, tpu.core_type = #tpu.core_type<tc>, window_params = [{transform_indices = @transform_0, window_bounds = array<i64: 1024, 256>}, {transform_indices = @transform_1, window_bounds = array<i64: 1024, 256>}, {transform_indices = @transform_2, window_bounds = array<i64: 1024, 1>}, {pipeline_mode = #tpu.pipeline_mode<synchronous>, transform_indices = @transform_3, window_bounds = array<i64: 256, 128>}, {pipeline_mode = #tpu.pipeline_mode<synchronous>, transform_indices = @transform_4, window_bounds = array<i64: 256, 128>}, {pipeline_mode = #tpu.pipeline_mode<synchronous>, transform_indices = @transform_5, window_bounds = array<i64: 256, 128>}, {pipeline_mode = #tpu.pipeline_mode<synchronous>, transform_indices = @transform_6, window_bounds = array<i64: 1, 128>}, {pipeline_mode = #tpu.pipeline_mode<synchronous>, transform_indices = @transform_7, window_bounds = array<i64: 1, 128>}, {pipeline_mode = #tpu.pipeline_mode<synchronous>, transform_indices = @transform_8, window_bounds = array<i64: 1, 128>}, {transform_indices = @transform_9, window_bounds = array<i64: 384, 1024>}]} {
    %get3A = arith.constant 0 : index
    %get3A_0 = arith.constant 0 : index
    %get3A_1 = vector.load %arg1[%get3A, %get3A_0] : memref<1024x256xf32, #tpu.memory_space<vmem>>, vector<1024x256xf32>
    %get3A_2 = arith.constant 0 : index
    %get3A_3 = arith.constant 0 : index
    %get3A_4 = vector.load %arg2[%get3A_2, %get3A_3] : memref<1024x256xf32, #tpu.memory_space<vmem>>, vector<1024x256xf32>
    %slice3A = vector.extract_strided_slice %get3A_1 {offsets = [0, 0], sizes = [1024, 128], strides = [1, 1]} : vector<1024x256xf32> to vector<1024x128xf32>
    %slice3A_5 = vector.extract_strided_slice %get3A_4 {offsets = [0, 0], sizes = [1024, 128], strides = [1, 1]} : vector<1024x256xf32> to vector<1024x128xf32>
    %concatenate3A = tpu.concatenate %slice3A, %slice3A_5 in 1 : vector<1024x128xf32>, vector<1024x128xf32> -> vector<1024x256xf32>
    %slice3A_6 = vector.extract_strided_slice %get3A_4 {offsets = [0, 128], sizes = [1024, 3], strides = [1, 1]} : vector<1024x256xf32> to vector<1024x3xf32>
    %slice3A_7 = vector.extract_strided_slice %get3A_1 {offsets = [0, 128], sizes = [1024, 3], strides = [1, 1]} : vector<1024x256xf32> to vector<1024x3xf32>
    %sub3A = arith.subf %slice3A_6, %slice3A_7 : vector<1024x3xf32>
    %mul3A = arith.mulf %sub3A, %sub3A : vector<1024x3xf32>
    %reduce_sum3A = arith.constant dense<0.000000e+00> : vector<1024xf32>
    %reduce_sum3A_8 = vector.multi_reduction <add>, %mul3A, %reduce_sum3A [1] : vector<1024x3xf32> to vector<1024xf32>
    %broadcast_in_dim3A = vector.shape_cast %reduce_sum3A_8 : vector<1024xf32> to vector<1024x1xf32>
    %get3A_9 = arith.constant 0 : index
    %get3A_10 = arith.constant 0 : index
    %get3A_11 = vector.load %arg3[%get3A_9, %get3A_10] : memref<1024x1xf32, #tpu.memory_space<vmem>>, vector<1024x1xf32>
    %convert_element_type3A = arith.truncf %concatenate3A : vector<1024x256xf32> to vector<1024x256xbf16>
    %get3A_12 = arith.constant 0 : index
    %get3A_13 = arith.constant 0 : index
    %get3A_14 = vector.load %arg4[%get3A_12, %get3A_13] : memref<256x128xbf16, #tpu.memory_space<vmem>>, vector<256x128xbf16>
    %dot_general3A = arith.constant dense<0.000000e+00> : vector<1024x128xf32>
    %dot_general3A_15 = tpu.matmul %convert_element_type3A, %get3A_14, %dot_general3A {dimension_numbers = #tpu.dot_dimension_numbers<[1], [0], [0], [1], [0, 0, 1, 1], [], []>, transpose_lhs_hint = false} : vector<1024x256xbf16>, vector<256x128xbf16>, vector<1024x128xf32> -> vector<1024x128xf32>
    %get3A_16 = arith.constant 0 : index
    %get3A_17 = arith.constant 0 : index
    %get3A_18 = vector.load %arg7[%get3A_16, %get3A_17] : memref<1x128xf32, #tpu.memory_space<vmem>>, vector<1x128xf32>
    %add3A = vector.broadcast %get3A_18 : vector<1x128xf32> to vector<1024x128xf32>
    %add3A_19 = arith.addf %dot_general3A_15, %add3A : vector<1024x128xf32>
    %custom_jvp_call3A = arith.constant 0.000000e+00 : f32
    %max3A = vector.broadcast %custom_jvp_call3A : f32 to vector<1024x128xf32>
    %max3A_20 = arith.maximumf %add3A_19, %max3A : vector<1024x128xf32>
    %sub3A_21 = vector.broadcast %custom_jvp_call3A : f32 to vector<1024x128xf32>
    %sub3A_22 = arith.subf %add3A_19, %sub3A_21 : vector<1024x128xf32>
    %ne3A = arith.cmpf one, %sub3A_22, %sub3A_22 : vector<1024x128xf32>
    %add3A_23 = vector.broadcast %custom_jvp_call3A : f32 to vector<1024x128xf32>
    %add3A_24 = arith.addf %add3A_19, %add3A_23 : vector<1024x128xf32>
    %abs3A = math.absf %sub3A_22 : vector<1024x128xf32>
    %neg3A = arith.constant 0.000000e+00 : f32
    %neg3A_25 = vector.broadcast %neg3A : f32 to vector<1024x128xf32>
    %neg3A_26 = arith.subf %neg3A_25, %abs3A : vector<1024x128xf32>
    %exp3A = math.exp %neg3A_26 : vector<1024x128xf32>
    %log1p3A = math.log1p %exp3A : vector<1024x128xf32>
    %add3A_27 = arith.addf %max3A_20, %log1p3A : vector<1024x128xf32>
    %select_n3A = arith.select %ne3A, %add3A_24, %add3A_27 : vector<1024x128xi1>, vector<1024x128xf32>
    %tanh3A = math.tanh %select_n3A : vector<1024x128xf32>
    %mul3A_28 = arith.mulf %add3A_19, %tanh3A : vector<1024x128xf32>
    %mul3A_29 = vector.broadcast %get3A_11 : vector<1024x1xf32> to vector<1024x256xf32>
    %mul3A_30 = arith.mulf %mul3A_29, %concatenate3A : vector<1024x256xf32>
    %convert_element_type3A_31 = arith.truncf %mul3A_30 : vector<1024x256xf32> to vector<1024x256xbf16>
    %get3A_32 = arith.constant 0 : index
    %get3A_33 = arith.constant 0 : index
    %get3A_34 = vector.load %arg5[%get3A_32, %get3A_33] : memref<256x128xbf16, #tpu.memory_space<vmem>>, vector<256x128xbf16>
    %dot_general3A_35 = arith.constant dense<0.000000e+00> : vector<1024x128xf32>
    %dot_general3A_36 = tpu.matmul %convert_element_type3A_31, %get3A_34, %dot_general3A_35 {dimension_numbers = #tpu.dot_dimension_numbers<[1], [0], [0], [1], [0, 0, 1, 1], [], []>, transpose_lhs_hint = false} : vector<1024x256xbf16>, vector<256x128xbf16>, vector<1024x128xf32> -> vector<1024x128xf32>
    %get3A_37 = arith.constant 0 : index
    %get3A_38 = arith.constant 0 : index
    %get3A_39 = vector.load %arg8[%get3A_37, %get3A_38] : memref<1x128xf32, #tpu.memory_space<vmem>>, vector<1x128xf32>
    %add3A_40 = vector.broadcast %get3A_39 : vector<1x128xf32> to vector<1024x128xf32>
    %add3A_41 = arith.addf %dot_general3A_36, %add3A_40 : vector<1024x128xf32>
    %custom_jvp_call3A_42 = arith.constant 0.000000e+00 : f32
    %max3A_43 = vector.broadcast %custom_jvp_call3A_42 : f32 to vector<1024x128xf32>
    %max3A_44 = arith.maximumf %add3A_41, %max3A_43 : vector<1024x128xf32>
    %sub3A_45 = vector.broadcast %custom_jvp_call3A_42 : f32 to vector<1024x128xf32>
    %sub3A_46 = arith.subf %add3A_41, %sub3A_45 : vector<1024x128xf32>
    %ne3A_47 = arith.cmpf one, %sub3A_46, %sub3A_46 : vector<1024x128xf32>
    %add3A_48 = vector.broadcast %custom_jvp_call3A_42 : f32 to vector<1024x128xf32>
    %add3A_49 = arith.addf %add3A_41, %add3A_48 : vector<1024x128xf32>
    %abs3A_50 = math.absf %sub3A_46 : vector<1024x128xf32>
    %neg3A_51 = arith.constant 0.000000e+00 : f32
    %neg3A_52 = vector.broadcast %neg3A_51 : f32 to vector<1024x128xf32>
    %neg3A_53 = arith.subf %neg3A_52, %abs3A_50 : vector<1024x128xf32>
    %exp3A_54 = math.exp %neg3A_53 : vector<1024x128xf32>
    %log1p3A_55 = math.log1p %exp3A_54 : vector<1024x128xf32>
    %add3A_56 = arith.addf %max3A_44, %log1p3A_55 : vector<1024x128xf32>
    %select_n3A_57 = arith.select %ne3A_47, %add3A_49, %add3A_56 : vector<1024x128xi1>, vector<1024x128xf32>
    %tanh3A_58 = math.tanh %select_n3A_57 : vector<1024x128xf32>
    %mul3A_59 = arith.mulf %add3A_41, %tanh3A_58 : vector<1024x128xf32>
    %mul3A_60 = vector.broadcast %broadcast_in_dim3A : vector<1024x1xf32> to vector<1024x256xf32>
    %mul3A_61 = arith.mulf %mul3A_60, %concatenate3A : vector<1024x256xf32>
    %convert_element_type3A_62 = arith.truncf %mul3A_61 : vector<1024x256xf32> to vector<1024x256xbf16>
    %get3A_63 = arith.constant 0 : index
    %get3A_64 = arith.constant 0 : index
    %get3A_65 = vector.load %arg6[%get3A_63, %get3A_64] : memref<256x128xbf16, #tpu.memory_space<vmem>>, vector<256x128xbf16>
    %dot_general3A_66 = arith.constant dense<0.000000e+00> : vector<1024x128xf32>
    %dot_general3A_67 = tpu.matmul %convert_element_type3A_62, %get3A_65, %dot_general3A_66 {dimension_numbers = #tpu.dot_dimension_numbers<[1], [0], [0], [1], [0, 0, 1, 1], [], []>, transpose_lhs_hint = false} : vector<1024x256xbf16>, vector<256x128xbf16>, vector<1024x128xf32> -> vector<1024x128xf32>
    %get3A_68 = arith.constant 0 : index
    %get3A_69 = arith.constant 0 : index
    %get3A_70 = vector.load %arg9[%get3A_68, %get3A_69] : memref<1x128xf32, #tpu.memory_space<vmem>>, vector<1x128xf32>
    %add3A_71 = vector.broadcast %get3A_70 : vector<1x128xf32> to vector<1024x128xf32>
    %add3A_72 = arith.addf %dot_general3A_67, %add3A_71 : vector<1024x128xf32>
    %concatenate3A_73 = tpu.concatenate %mul3A_28, %mul3A_59, %add3A_72 in 1 : vector<1024x128xf32>, vector<1024x128xf32>, vector<1024x128xf32> -> vector<1024x384xf32>
    %transpose3A = tpu.transpose %concatenate3A_73, [1, 0] : vector<1024x384xf32> -> vector<384x1024xf32>
    %swap3A = arith.constant 0 : index
    %swap3A_74 = arith.constant 0 : index
    %swap3A_75 = vector.load %arg10[%swap3A, %swap3A_74] : memref<384x1024xf32, #tpu.memory_space<vmem>>, vector<384x1024xf32>
    tpu.vector_store %arg10[%swap3A, %swap3A_74], %transpose3A {strides = array<i32>} : memref<384x1024xf32, #tpu.memory_space<vmem>>, vector<384x1024xf32>,
    return
  }
  func.func @transform_0(%arg0: i32) -> (i32, i32) {
    %c0_i32 = arith.constant 0 : i32
    %c0_i32_0 = arith.constant 0 : i32
    return %arg0, %c0_i32 : i32, i32
  }
  func.func @transform_1(%arg0: i32) -> (i32, i32) {
    %c0_i32 = arith.constant 0 : i32
    %c0_i32_0 = arith.constant 0 : i32
    return %arg0, %c0_i32 : i32, i32
  }
  func.func @transform_2(%arg0: i32) -> (i32, i32) {
    %c0_i32 = arith.constant 0 : i32
    %c0_i32_0 = arith.constant 0 : i32
    return %arg0, %c0_i32 : i32, i32
  }
  func.func @transform_3(%arg0: i32) -> (i32, i32) {
    %c0_i32 = arith.constant 0 : i32
    %c0_i32_0 = arith.constant 0 : i32
    %c0_i32_1 = arith.constant 0 : i32
    return %c0_i32, %c0_i32_0 : i32, i32
  }
  func.func @transform_4(%arg0: i32) -> (i32, i32) {
    %c0_i32 = arith.constant 0 : i32
    %c0_i32_0 = arith.constant 0 : i32
    %c0_i32_1 = arith.constant 0 : i32
    return %c0_i32, %c0_i32_0 : i32, i32
  }
  func.func @transform_5(%arg0: i32) -> (i32, i32) {
    %c0_i32 = arith.constant 0 : i32
    %c0_i32_0 = arith.constant 0 : i32
    %c0_i32_1 = arith.constant 0 : i32
    return %c0_i32, %c0_i32_0 : i32, i32
  }
  func.func @transform_6(%arg0: i32) -> (i32, i32) {
    %c0_i32 = arith.constant 0 : i32
    %c0_i32_0 = arith.constant 0 : i32
    %c0_i32_1 = arith.constant 0 : i32
    return %c0_i32, %c0_i32_0 : i32, i32
  }
  func.func @transform_7(%arg0: i32) -> (i32, i32) {
    %c0_i32 = arith.constant 0 : i32
    %c0_i32_0 = arith.constant 0 : i32
    %c0_i32_1 = arith.constant 0 : i32
    return %c0_i32, %c0_i32_0 : i32, i32
  }
  func.func @transform_8(%arg0: i32) -> (i32, i32) {
    %c0_i32 = arith.constant 0 : i32
    %c0_i32_0 = arith.constant 0 : i32
    %c0_i32_1 = arith.constant 0 : i32
    return %c0_i32, %c0_i32_0 : i32, i32
  }
  func.func @transform_9(%arg0: i32) -> (i32, i32) {
    %c0_i32 = arith.constant 0 : i32
    %c0_i32_0 = arith.constant 0 : i32
    return %c0_i32, %arg0 : i32, i32
  }
}

module attributes {stable_mosaic.version = 14 : i64} {
  func.func @_tail_body(%arg0: memref<4096x128xf32, #tpu.memory_space<vmem>>, %arg1: memref<768x4096xf32, #tpu.memory_space<vmem>>, %arg2: memref<128x128xf32, #tpu.memory_space<vmem>>, %arg3: memref<1x128xf32, #tpu.memory_space<vmem>>, %arg4: memref<128x128xf32, #tpu.memory_space<vmem>>, %arg5: memref<1x128xf32, #tpu.memory_space<vmem>>, %arg6: memref<128x128xf32, #tpu.memory_space<vmem>>, %arg7: memref<1x128xf32, #tpu.memory_space<vmem>>, %arg8: memref<256x128xf32, #tpu.memory_space<vmem>>, %arg9: memref<1x128xf32, #tpu.memory_space<vmem>>, %arg10: memref<128x128xf32, #tpu.memory_space<vmem>>, %arg11: memref<3x128x128xf32, #tpu.memory_space<vmem>>, %arg12: memref<256x128xf32, #tpu.memory_space<vmem>>, %arg13: memref<128x128xf32, #tpu.memory_space<vmem>>, %arg14: memref<1x128xf32, #tpu.memory_space<vmem>>, %arg15: memref<1x128xf32, #tpu.memory_space<vmem>>, %arg16: memref<4096x128xf32, #tpu.memory_space<vmem>>) attributes {dimension_semantics = [], scalar_prefetch = 0 : i64, scratch_operands = 0 : i64, tpu.core_type = #tpu.core_type<tc>} {
    %get3A = arith.constant 0 : index
    %get3A_0 = arith.constant 0 : index
    %get3A_1 = vector.load %arg0[%get3A, %get3A_0] : memref<4096x128xf32, #tpu.memory_space<vmem>>, vector<4096x128xf32>
    %get3A_2 = arith.constant 0 : index
    %get3A_3 = arith.constant 0 : index
    %get3A_4 = vector.load %arg1[%get3A_2, %get3A_3] : memref<768x4096xf32, #tpu.memory_space<vmem>>, vector<384x4096xf32>
    %get3A_5 = arith.constant 384 : index
    %get3A_6 = arith.constant 0 : index
    %get3A_7 = vector.load %arg1[%get3A_5, %get3A_6] : memref<768x4096xf32, #tpu.memory_space<vmem>>, vector<384x4096xf32>
    %add3A = arith.addf %get3A_4, %get3A_7 : vector<384x4096xf32>
    %slice3A = vector.extract_strided_slice %add3A {offsets = [0, 0], sizes = [128, 4096], strides = [1, 1]} : vector<384x4096xf32> to vector<128x4096xf32>
    %transpose3A = tpu.transpose %slice3A, [1, 0] : vector<128x4096xf32> -> vector<4096x128xf32>
    %slice3A_8 = vector.extract_strided_slice %add3A {offsets = [128, 0], sizes = [128, 4096], strides = [1, 1]} : vector<384x4096xf32> to vector<128x4096xf32>
    %transpose3A_9 = tpu.transpose %slice3A_8, [1, 0] : vector<128x4096xf32> -> vector<4096x128xf32>
    %slice3A_10 = vector.extract_strided_slice %add3A {offsets = [256, 0], sizes = [128, 4096], strides = [1, 1]} : vector<384x4096xf32> to vector<128x4096xf32>
    %transpose3A_11 = tpu.transpose %slice3A_10, [1, 0] : vector<128x4096xf32> -> vector<4096x128xf32>
    %convert_element_type3A = arith.truncf %transpose3A : vector<4096x128xf32> to vector<4096x128xbf16>
    %get3A_12 = arith.constant 0 : index
    %get3A_13 = arith.constant 0 : index
    %get3A_14 = vector.load %arg2[%get3A_12, %get3A_13] : memref<128x128xf32, #tpu.memory_space<vmem>>, vector<128x128xf32>
    %convert_element_type3A_15 = arith.truncf %get3A_14 : vector<128x128xf32> to vector<128x128xbf16>
    %dot_general3A = arith.constant dense<0.000000e+00> : vector<4096x128xf32>
    %dot_general3A_16 = tpu.matmul %convert_element_type3A, %convert_element_type3A_15, %dot_general3A {dimension_numbers = #tpu.dot_dimension_numbers<[1], [0], [0], [1], [0, 0, 1, 1], [], []>, transpose_lhs_hint = false} : vector<4096x128xbf16>, vector<128x128xbf16>, vector<4096x128xf32> -> vector<4096x128xf32>
    %get3A_17 = arith.constant 0 : index
    %get3A_18 = arith.constant 0 : index
    %get3A_19 = vector.load %arg3[%get3A_17, %get3A_18] : memref<1x128xf32, #tpu.memory_space<vmem>>, vector<1x128xf32>
    %add3A_20 = vector.broadcast %get3A_19 : vector<1x128xf32> to vector<4096x128xf32>
    %add3A_21 = arith.addf %dot_general3A_16, %add3A_20 : vector<4096x128xf32>
    %custom_jvp_call3A = arith.constant 0.000000e+00 : f32
    %max3A = vector.broadcast %custom_jvp_call3A : f32 to vector<4096x128xf32>
    %max3A_22 = arith.maximumf %add3A_21, %max3A : vector<4096x128xf32>
    %sub3A = vector.broadcast %custom_jvp_call3A : f32 to vector<4096x128xf32>
    %sub3A_23 = arith.subf %add3A_21, %sub3A : vector<4096x128xf32>
    %ne3A = arith.cmpf one, %sub3A_23, %sub3A_23 : vector<4096x128xf32>
    %add3A_24 = vector.broadcast %custom_jvp_call3A : f32 to vector<4096x128xf32>
    %add3A_25 = arith.addf %add3A_21, %add3A_24 : vector<4096x128xf32>
    %abs3A = math.absf %sub3A_23 : vector<4096x128xf32>
    %neg3A = arith.constant 0.000000e+00 : f32
    %neg3A_26 = vector.broadcast %neg3A : f32 to vector<4096x128xf32>
    %neg3A_27 = arith.subf %neg3A_26, %abs3A : vector<4096x128xf32>
    %exp3A = math.exp %neg3A_27 : vector<4096x128xf32>
    %log1p3A = math.log1p %exp3A : vector<4096x128xf32>
    %add3A_28 = arith.addf %max3A_22, %log1p3A : vector<4096x128xf32>
    %select_n3A = arith.select %ne3A, %add3A_25, %add3A_28 : vector<4096x128xi1>, vector<4096x128xf32>
    %tanh3A = math.tanh %select_n3A : vector<4096x128xf32>
    %mul3A = arith.mulf %add3A_21, %tanh3A : vector<4096x128xf32>
    %convert_element_type3A_29 = arith.truncf %transpose3A_9 : vector<4096x128xf32> to vector<4096x128xbf16>
    %get3A_30 = arith.constant 0 : index
    %get3A_31 = arith.constant 0 : index
    %get3A_32 = vector.load %arg4[%get3A_30, %get3A_31] : memref<128x128xf32, #tpu.memory_space<vmem>>, vector<128x128xf32>
    %convert_element_type3A_33 = arith.truncf %get3A_32 : vector<128x128xf32> to vector<128x128xbf16>
    %dot_general3A_34 = arith.constant dense<0.000000e+00> : vector<4096x128xf32>
    %dot_general3A_35 = tpu.matmul %convert_element_type3A_29, %convert_element_type3A_33, %dot_general3A_34 {dimension_numbers = #tpu.dot_dimension_numbers<[1], [0], [0], [1], [0, 0, 1, 1], [], []>, transpose_lhs_hint = false} : vector<4096x128xbf16>, vector<128x128xbf16>, vector<4096x128xf32> -> vector<4096x128xf32>
    %get3A_36 = arith.constant 0 : index
    %get3A_37 = arith.constant 0 : index
    %get3A_38 = vector.load %arg5[%get3A_36, %get3A_37] : memref<1x128xf32, #tpu.memory_space<vmem>>, vector<1x128xf32>
    %add3A_39 = vector.broadcast %get3A_38 : vector<1x128xf32> to vector<4096x128xf32>
    %add3A_40 = arith.addf %dot_general3A_35, %add3A_39 : vector<4096x128xf32>
    %custom_jvp_call3A_41 = arith.constant 0.000000e+00 : f32
    %max3A_42 = vector.broadcast %custom_jvp_call3A_41 : f32 to vector<4096x128xf32>
    %max3A_43 = arith.maximumf %add3A_40, %max3A_42 : vector<4096x128xf32>
    %sub3A_44 = vector.broadcast %custom_jvp_call3A_41 : f32 to vector<4096x128xf32>
    %sub3A_45 = arith.subf %add3A_40, %sub3A_44 : vector<4096x128xf32>
    %ne3A_46 = arith.cmpf one, %sub3A_45, %sub3A_45 : vector<4096x128xf32>
    %add3A_47 = vector.broadcast %custom_jvp_call3A_41 : f32 to vector<4096x128xf32>
    %add3A_48 = arith.addf %add3A_40, %add3A_47 : vector<4096x128xf32>
    %abs3A_49 = math.absf %sub3A_45 : vector<4096x128xf32>
    %neg3A_50 = arith.constant 0.000000e+00 : f32
    %neg3A_51 = vector.broadcast %neg3A_50 : f32 to vector<4096x128xf32>
    %neg3A_52 = arith.subf %neg3A_51, %abs3A_49 : vector<4096x128xf32>
    %exp3A_53 = math.exp %neg3A_52 : vector<4096x128xf32>
    %log1p3A_54 = math.log1p %exp3A_53 : vector<4096x128xf32>
    %add3A_55 = arith.addf %max3A_43, %log1p3A_54 : vector<4096x128xf32>
    %select_n3A_56 = arith.select %ne3A_46, %add3A_48, %add3A_55 : vector<4096x128xi1>, vector<4096x128xf32>
    %tanh3A_57 = math.tanh %select_n3A_56 : vector<4096x128xf32>
    %mul3A_58 = arith.mulf %add3A_40, %tanh3A_57 : vector<4096x128xf32>
    %convert_element_type3A_59 = arith.truncf %transpose3A_11 : vector<4096x128xf32> to vector<4096x128xbf16>
    %get3A_60 = arith.constant 0 : index
    %get3A_61 = arith.constant 0 : index
    %get3A_62 = vector.load %arg6[%get3A_60, %get3A_61] : memref<128x128xf32, #tpu.memory_space<vmem>>, vector<128x128xf32>
    %convert_element_type3A_63 = arith.truncf %get3A_62 : vector<128x128xf32> to vector<128x128xbf16>
    %dot_general3A_64 = arith.constant dense<0.000000e+00> : vector<4096x128xf32>
    %dot_general3A_65 = tpu.matmul %convert_element_type3A_59, %convert_element_type3A_63, %dot_general3A_64 {dimension_numbers = #tpu.dot_dimension_numbers<[1], [0], [0], [1], [0, 0, 1, 1], [], []>, transpose_lhs_hint = false} : vector<4096x128xbf16>, vector<128x128xbf16>, vector<4096x128xf32> -> vector<4096x128xf32>
    %get3A_66 = arith.constant 0 : index
    %get3A_67 = arith.constant 0 : index
    %get3A_68 = vector.load %arg7[%get3A_66, %get3A_67] : memref<1x128xf32, #tpu.memory_space<vmem>>, vector<1x128xf32>
    %add3A_69 = vector.broadcast %get3A_68 : vector<1x128xf32> to vector<4096x128xf32>
    %add3A_70 = arith.addf %dot_general3A_65, %add3A_69 : vector<4096x128xf32>
    %custom_jvp_call3A_71 = arith.constant 0.000000e+00 : f32
    %max3A_72 = vector.broadcast %custom_jvp_call3A_71 : f32 to vector<4096x128xf32>
    %max3A_73 = arith.maximumf %add3A_70, %max3A_72 : vector<4096x128xf32>
    %sub3A_74 = vector.broadcast %custom_jvp_call3A_71 : f32 to vector<4096x128xf32>
    %sub3A_75 = arith.subf %add3A_70, %sub3A_74 : vector<4096x128xf32>
    %ne3A_76 = arith.cmpf one, %sub3A_75, %sub3A_75 : vector<4096x128xf32>
    %add3A_77 = vector.broadcast %custom_jvp_call3A_71 : f32 to vector<4096x128xf32>
    %add3A_78 = arith.addf %add3A_70, %add3A_77 : vector<4096x128xf32>
    %abs3A_79 = math.absf %sub3A_75 : vector<4096x128xf32>
    %neg3A_80 = arith.constant 0.000000e+00 : f32
    %neg3A_81 = vector.broadcast %neg3A_80 : f32 to vector<4096x128xf32>
    %neg3A_82 = arith.subf %neg3A_81, %abs3A_79 : vector<4096x128xf32>
    %exp3A_83 = math.exp %neg3A_82 : vector<4096x128xf32>
    %log1p3A_84 = math.log1p %exp3A_83 : vector<4096x128xf32>
    %add3A_85 = arith.addf %max3A_73, %log1p3A_84 : vector<4096x128xf32>
    %select_n3A_86 = arith.select %ne3A_76, %add3A_78, %add3A_85 : vector<4096x128xi1>, vector<4096x128xf32>
    %tanh3A_87 = math.tanh %select_n3A_86 : vector<4096x128xf32>
    %mul3A_88 = arith.mulf %add3A_70, %tanh3A_87 : vector<4096x128xf32>
    %get3A_89 = arith.constant 0 : index
    %get3A_90 = arith.constant 0 : index
    %get3A_91 = vector.load %arg8[%get3A_89, %get3A_90] : memref<256x128xf32, #tpu.memory_space<vmem>>, vector<256x128xf32>
    %convert_element_type3A_92 = arith.truncf %get3A_1 : vector<4096x128xf32> to vector<4096x128xbf16>
    %slice3A_93 = vector.extract_strided_slice %get3A_91 {offsets = [0, 0], sizes = [128, 128], strides = [1, 1]} : vector<256x128xf32> to vector<128x128xf32>
    %convert_element_type3A_94 = arith.truncf %slice3A_93 : vector<128x128xf32> to vector<128x128xbf16>
    %dot_general3A_95 = arith.constant dense<0.000000e+00> : vector<4096x128xf32>
    %dot_general3A_96 = tpu.matmul %convert_element_type3A_92, %convert_element_type3A_94, %dot_general3A_95 {dimension_numbers = #tpu.dot_dimension_numbers<[1], [0], [0], [1], [0, 0, 1, 1], [], []>, transpose_lhs_hint = false} : vector<4096x128xbf16>, vector<128x128xbf16>, vector<4096x128xf32> -> vector<4096x128xf32>
    %convert_element_type3A_97 = arith.truncf %mul3A_88 : vector<4096x128xf32> to vector<4096x128xbf16>
    %slice3A_98 = vector.extract_strided_slice %get3A_91 {offsets = [128, 0], sizes = [128, 128], strides = [1, 1]} : vector<256x128xf32> to vector<128x128xf32>
    %convert_element_type3A_99 = arith.truncf %slice3A_98 : vector<128x128xf32> to vector<128x128xbf16>
    %dot_general3A_100 = arith.constant dense<0.000000e+00> : vector<4096x128xf32>
    %dot_general3A_101 = tpu.matmul %convert_element_type3A_97, %convert_element_type3A_99, %dot_general3A_100 {dimension_numbers = #tpu.dot_dimension_numbers<[1], [0], [0], [1], [0, 0, 1, 1], [], []>, transpose_lhs_hint = false} : vector<4096x128xbf16>, vector<128x128xbf16>, vector<4096x128xf32> -> vector<4096x128xf32>
    %add3A_102 = arith.addf %dot_general3A_96, %dot_general3A_101 : vector<4096x128xf32>
    %get3A_103 = arith.constant 0 : index
    %get3A_104 = arith.constant 0 : index
    %get3A_105 = vector.load %arg9[%get3A_103, %get3A_104] : memref<1x128xf32, #tpu.memory_space<vmem>>, vector<1x128xf32>
    %add3A_106 = vector.broadcast %get3A_105 : vector<1x128xf32> to vector<4096x128xf32>
    %add3A_107 = arith.addf %add3A_102, %add3A_106 : vector<4096x128xf32>
    %custom_jvp_call3A_108 = arith.constant 0.000000e+00 : f32
    %max3A_109 = vector.broadcast %custom_jvp_call3A_108 : f32 to vector<4096x128xf32>
    %max3A_110 = arith.maximumf %add3A_107, %max3A_109 : vector<4096x128xf32>
    %sub3A_111 = vector.broadcast %custom_jvp_call3A_108 : f32 to vector<4096x128xf32>
    %sub3A_112 = arith.subf %add3A_107, %sub3A_111 : vector<4096x128xf32>
    %ne3A_113 = arith.cmpf one, %sub3A_112, %sub3A_112 : vector<4096x128xf32>
    %add3A_114 = vector.broadcast %custom_jvp_call3A_108 : f32 to vector<4096x128xf32>
    %add3A_115 = arith.addf %add3A_107, %add3A_114 : vector<4096x128xf32>
    %abs3A_116 = math.absf %sub3A_112 : vector<4096x128xf32>
    %neg3A_117 = arith.constant 0.000000e+00 : f32
    %neg3A_118 = vector.broadcast %neg3A_117 : f32 to vector<4096x128xf32>
    %neg3A_119 = arith.subf %neg3A_118, %abs3A_116 : vector<4096x128xf32>
    %exp3A_120 = math.exp %neg3A_119 : vector<4096x128xf32>
    %log1p3A_121 = math.log1p %exp3A_120 : vector<4096x128xf32>
    %add3A_122 = arith.addf %max3A_110, %log1p3A_121 : vector<4096x128xf32>
    %select_n3A_123 = arith.select %ne3A_113, %add3A_115, %add3A_122 : vector<4096x128xi1>, vector<4096x128xf32>
    %tanh3A_124 = math.tanh %select_n3A_123 : vector<4096x128xf32>
    %mul3A_125 = arith.mulf %add3A_107, %tanh3A_124 : vector<4096x128xf32>
    %convert_element_type3A_126 = arith.truncf %get3A_1 : vector<4096x128xf32> to vector<4096x128xbf16>
    %get3A_127 = arith.constant 0 : index
    %get3A_128 = arith.constant 0 : index
    %get3A_129 = vector.load %arg10[%get3A_127, %get3A_128] : memref<128x128xf32, #tpu.memory_space<vmem>>, vector<128x128xf32>
    %convert_element_type3A_130 = arith.truncf %get3A_129 : vector<128x128xf32> to vector<128x128xbf16>
    %dot_general3A_131 = arith.constant dense<0.000000e+00> : vector<4096x128xf32>
    %dot_general3A_132 = tpu.matmul %convert_element_type3A_126, %convert_element_type3A_130, %dot_general3A_131 {dimension_numbers = #tpu.dot_dimension_numbers<[1], [0], [0], [1], [0, 0, 1, 1], [], []>, transpose_lhs_hint = false} : vector<4096x128xbf16>, vector<128x128xbf16>, vector<4096x128xf32> -> vector<4096x128xf32>
    %get3A_133 = arith.constant 0 : index
    %get3A_134 = arith.constant 0 : index
    %get3A_135 = vector.load %arg12[%get3A_133, %get3A_134] : memref<256x128xf32, #tpu.memory_space<vmem>>, vector<256x128xf32>
    %custom_jvp_call3A_136 = arith.constant 0.000000e+00 : f32
    %max3A_137 = vector.broadcast %custom_jvp_call3A_136 : f32 to vector<4096x128xf32>
    %max3A_138 = arith.maximumf %dot_general3A_132, %max3A_137 : vector<4096x128xf32>
    %sub3A_139 = vector.broadcast %custom_jvp_call3A_136 : f32 to vector<4096x128xf32>
    %sub3A_140 = arith.subf %dot_general3A_132, %sub3A_139 : vector<4096x128xf32>
    %ne3A_141 = arith.cmpf one, %sub3A_140, %sub3A_140 : vector<4096x128xf32>
    %add3A_142 = vector.broadcast %custom_jvp_call3A_136 : f32 to vector<4096x128xf32>
    %add3A_143 = arith.addf %dot_general3A_132, %add3A_142 : vector<4096x128xf32>
    %abs3A_144 = math.absf %sub3A_140 : vector<4096x128xf32>
    %neg3A_145 = arith.constant 0.000000e+00 : f32
    %neg3A_146 = vector.broadcast %neg3A_145 : f32 to vector<4096x128xf32>
    %neg3A_147 = arith.subf %neg3A_146, %abs3A_144 : vector<4096x128xf32>
    %exp3A_148 = math.exp %neg3A_147 : vector<4096x128xf32>
    %log1p3A_149 = math.log1p %exp3A_148 : vector<4096x128xf32>
    %add3A_150 = arith.addf %max3A_138, %log1p3A_149 : vector<4096x128xf32>
    %select_n3A_151 = arith.select %ne3A_141, %add3A_143, %add3A_150 : vector<4096x128xi1>, vector<4096x128xf32>
    %tanh3A_152 = math.tanh %select_n3A_151 : vector<4096x128xf32>
    %mul3A_153 = arith.mulf %dot_general3A_132, %tanh3A_152 : vector<4096x128xf32>
    %custom_jvp_call3A_154 = arith.constant 0.000000e+00 : f32
    %max3A_155 = vector.broadcast %custom_jvp_call3A_154 : f32 to vector<4096x128xf32>
    %max3A_156 = arith.maximumf %mul3A_153, %max3A_155 : vector<4096x128xf32>
    %sub3A_157 = vector.broadcast %custom_jvp_call3A_154 : f32 to vector<4096x128xf32>
    %sub3A_158 = arith.subf %mul3A_153, %sub3A_157 : vector<4096x128xf32>
    %ne3A_159 = arith.cmpf one, %sub3A_158, %sub3A_158 : vector<4096x128xf32>
    %add3A_160 = vector.broadcast %custom_jvp_call3A_154 : f32 to vector<4096x128xf32>
    %add3A_161 = arith.addf %mul3A_153, %add3A_160 : vector<4096x128xf32>
    %abs3A_162 = math.absf %sub3A_158 : vector<4096x128xf32>
    %neg3A_163 = arith.constant 0.000000e+00 : f32
    %neg3A_164 = vector.broadcast %neg3A_163 : f32 to vector<4096x128xf32>
    %neg3A_165 = arith.subf %neg3A_164, %abs3A_162 : vector<4096x128xf32>
    %exp3A_166 = math.exp %neg3A_165 : vector<4096x128xf32>
    %log1p3A_167 = math.log1p %exp3A_166 : vector<4096x128xf32>
    %add3A_168 = arith.addf %max3A_156, %log1p3A_167 : vector<4096x128xf32>
    %select_n3A_169 = arith.select %ne3A_159, %add3A_161, %add3A_168 : vector<4096x128xi1>, vector<4096x128xf32>
    %tanh3A_170 = math.tanh %select_n3A_169 : vector<4096x128xf32>
    %mul3A_171 = arith.mulf %mul3A_153, %tanh3A_170 : vector<4096x128xf32>
    %convert_element_type3A_172 = arith.truncf %mul3A_171 : vector<4096x128xf32> to vector<4096x128xbf16>
    %slice3A_173 = vector.extract_strided_slice %get3A_135 {offsets = [0, 0], sizes = [128, 128], strides = [1, 1]} : vector<256x128xf32> to vector<128x128xf32>
    %convert_element_type3A_174 = arith.truncf %slice3A_173 : vector<128x128xf32> to vector<128x128xbf16>
    %dot_general3A_175 = arith.constant dense<0.000000e+00> : vector<4096x128xf32>
    %dot_general3A_176 = tpu.matmul %convert_element_type3A_172, %convert_element_type3A_174, %dot_general3A_175 {dimension_numbers = #tpu.dot_dimension_numbers<[1], [0], [0], [1], [0, 0, 1, 1], [], []>, transpose_lhs_hint = false} : vector<4096x128xbf16>, vector<128x128xbf16>, vector<4096x128xf32> -> vector<4096x128xf32>
    %convert_element_type3A_177 = arith.truncf %mul3A : vector<4096x128xf32> to vector<4096x128xbf16>
    %get3A_178 = arith.constant 0 : index
    %get3A_179 = arith.constant 0 : index
    %get3A_180 = arith.constant 0 : index
    %get3A_181 = vector.load %arg11[%get3A_178, %get3A_179, %get3A_180] : memref<3x128x128xf32, #tpu.memory_space<vmem>>, vector<1x128x128xf32>
    %get3A_182 = vector.shape_cast %get3A_181 : vector<1x128x128xf32> to vector<128x128xf32>
    %convert_element_type3A_183 = arith.truncf %get3A_182 : vector<128x128xf32> to vector<128x128xbf16>
    %dot_general3A_184 = arith.constant dense<0.000000e+00> : vector<4096x128xf32>
    %dot_general3A_185 = tpu.matmul %convert_element_type3A_177, %convert_element_type3A_183, %dot_general3A_184 {dimension_numbers = #tpu.dot_dimension_numbers<[1], [0], [0], [1], [0, 0, 1, 1], [], []>, transpose_lhs_hint = false} : vector<4096x128xbf16>, vector<128x128xbf16>, vector<4096x128xf32> -> vector<4096x128xf32>
    %custom_jvp_call3A_186 = arith.constant 0.000000e+00 : f32
    %max3A_187 = vector.broadcast %custom_jvp_call3A_186 : f32 to vector<4096x128xf32>
    %max3A_188 = arith.maximumf %dot_general3A_185, %max3A_187 : vector<4096x128xf32>
    %sub3A_189 = vector.broadcast %custom_jvp_call3A_186 : f32 to vector<4096x128xf32>
    %sub3A_190 = arith.subf %dot_general3A_185, %sub3A_189 : vector<4096x128xf32>
    %ne3A_191 = arith.cmpf one, %sub3A_190, %sub3A_190 : vector<4096x128xf32>
    %add3A_192 = vector.broadcast %custom_jvp_call3A_186 : f32 to vector<4096x128xf32>
    %add3A_193 = arith.addf %dot_general3A_185, %add3A_192 : vector<4096x128xf32>
    %abs3A_194 = math.absf %sub3A_190 : vector<4096x128xf32>
    %neg3A_195 = arith.constant 0.000000e+00 : f32
    %neg3A_196 = vector.broadcast %neg3A_195 : f32 to vector<4096x128xf32>
    %neg3A_197 = arith.subf %neg3A_196, %abs3A_194 : vector<4096x128xf32>
    %exp3A_198 = math.exp %neg3A_197 : vector<4096x128xf32>
    %log1p3A_199 = math.log1p %exp3A_198 : vector<4096x128xf32>
    %add3A_200 = arith.addf %max3A_188, %log1p3A_199 : vector<4096x128xf32>
    %select_n3A_201 = arith.select %ne3A_191, %add3A_193, %add3A_200 : vector<4096x128xi1>, vector<4096x128xf32>
    %tanh3A_202 = math.tanh %select_n3A_201 : vector<4096x128xf32>
    %mul3A_203 = arith.mulf %dot_general3A_185, %tanh3A_202 : vector<4096x128xf32>
    %custom_jvp_call3A_204 = arith.constant 0.000000e+00 : f32
    %max3A_205 = vector.broadcast %custom_jvp_call3A_204 : f32 to vector<4096x128xf32>
    %max3A_206 = arith.maximumf %mul3A_203, %max3A_205 : vector<4096x128xf32>
    %sub3A_207 = vector.broadcast %custom_jvp_call3A_204 : f32 to vector<4096x128xf32>
    %sub3A_208 = arith.subf %mul3A_203, %sub3A_207 : vector<4096x128xf32>
    %ne3A_209 = arith.cmpf one, %sub3A_208, %sub3A_208 : vector<4096x128xf32>
    %add3A_210 = vector.broadcast %custom_jvp_call3A_204 : f32 to vector<4096x128xf32>
    %add3A_211 = arith.addf %mul3A_203, %add3A_210 : vector<4096x128xf32>
    %abs3A_212 = math.absf %sub3A_208 : vector<4096x128xf32>
    %neg3A_213 = arith.constant 0.000000e+00 : f32
    %neg3A_214 = vector.broadcast %neg3A_213 : f32 to vector<4096x128xf32>
    %neg3A_215 = arith.subf %neg3A_214, %abs3A_212 : vector<4096x128xf32>
    %exp3A_216 = math.exp %neg3A_215 : vector<4096x128xf32>
    %log1p3A_217 = math.log1p %exp3A_216 : vector<4096x128xf32>
    %add3A_218 = arith.addf %max3A_206, %log1p3A_217 : vector<4096x128xf32>
    %select_n3A_219 = arith.select %ne3A_209, %add3A_211, %add3A_218 : vector<4096x128xi1>, vector<4096x128xf32>
    %tanh3A_220 = math.tanh %select_n3A_219 : vector<4096x128xf32>
    %mul3A_221 = arith.mulf %mul3A_203, %tanh3A_220 : vector<4096x128xf32>
    %convert_element_type3A_222 = arith.truncf %mul3A_221 : vector<4096x128xf32> to vector<4096x128xbf16>
    %slice3A_223 = vector.extract_strided_slice %get3A_135 {offsets = [128, 0], sizes = [128, 128], strides = [1, 1]} : vector<256x128xf32> to vector<128x128xf32>
    %convert_element_type3A_224 = arith.truncf %slice3A_223 : vector<128x128xf32> to vector<128x128xbf16>
    %dot_general3A_225 = arith.constant dense<0.000000e+00> : vector<4096x128xf32>
    %dot_general3A_226 = tpu.matmul %convert_element_type3A_222, %convert_element_type3A_224, %dot_general3A_225 {dimension_numbers = #tpu.dot_dimension_numbers<[1], [0], [0], [1], [0, 0, 1, 1], [], []>, transpose_lhs_hint = false} : vector<4096x128xbf16>, vector<128x128xbf16>, vector<4096x128xf32> -> vector<4096x128xf32>
    %add3A_227 = arith.addf %dot_general3A_176, %dot_general3A_226 : vector<4096x128xf32>
    %convert_element_type3A_228 = arith.truncf %mul3A_58 : vector<4096x128xf32> to vector<4096x128xbf16>
    %get3A_229 = arith.constant 1 : index
    %get3A_230 = arith.constant 0 : index
    %get3A_231 = arith.constant 0 : index
    %get3A_232 = vector.load %arg11[%get3A_229, %get3A_230, %get3A_231] : memref<3x128x128xf32, #tpu.memory_space<vmem>>, vector<1x128x128xf32>
    %get3A_233 = vector.shape_cast %get3A_232 : vector<1x128x128xf32> to vector<128x128xf32>
    %convert_element_type3A_234 = arith.truncf %get3A_233 : vector<128x128xf32> to vector<128x128xbf16>
    %dot_general3A_235 = arith.constant dense<0.000000e+00> : vector<4096x128xf32>
    %dot_general3A_236 = tpu.matmul %convert_element_type3A_228, %convert_element_type3A_234, %dot_general3A_235 {dimension_numbers = #tpu.dot_dimension_numbers<[1], [0], [0], [1], [0, 0, 1, 1], [], []>, transpose_lhs_hint = false} : vector<4096x128xbf16>, vector<128x128xbf16>, vector<4096x128xf32> -> vector<4096x128xf32>
    %custom_jvp_call3A_237 = arith.constant 0.000000e+00 : f32
    %max3A_238 = vector.broadcast %custom_jvp_call3A_237 : f32 to vector<4096x128xf32>
    %max3A_239 = arith.maximumf %dot_general3A_236, %max3A_238 : vector<4096x128xf32>
    %sub3A_240 = vector.broadcast %custom_jvp_call3A_237 : f32 to vector<4096x128xf32>
    %sub3A_241 = arith.subf %dot_general3A_236, %sub3A_240 : vector<4096x128xf32>
    %ne3A_242 = arith.cmpf one, %sub3A_241, %sub3A_241 : vector<4096x128xf32>
    %add3A_243 = vector.broadcast %custom_jvp_call3A_237 : f32 to vector<4096x128xf32>
    %add3A_244 = arith.addf %dot_general3A_236, %add3A_243 : vector<4096x128xf32>
    %abs3A_245 = math.absf %sub3A_241 : vector<4096x128xf32>
    %neg3A_246 = arith.constant 0.000000e+00 : f32
    %neg3A_247 = vector.broadcast %neg3A_246 : f32 to vector<4096x128xf32>
    %neg3A_248 = arith.subf %neg3A_247, %abs3A_245 : vector<4096x128xf32>
    %exp3A_249 = math.exp %neg3A_248 : vector<4096x128xf32>
    %log1p3A_250 = math.log1p %exp3A_249 : vector<4096x128xf32>
    %add3A_251 = arith.addf %max3A_239, %log1p3A_250 : vector<4096x128xf32>
    %select_n3A_252 = arith.select %ne3A_242, %add3A_244, %add3A_251 : vector<4096x128xi1>, vector<4096x128xf32>
    %tanh3A_253 = math.tanh %select_n3A_252 : vector<4096x128xf32>
    %mul3A_254 = arith.mulf %dot_general3A_236, %tanh3A_253 : vector<4096x128xf32>
    %custom_jvp_call3A_255 = arith.constant 0.000000e+00 : f32
    %max3A_256 = vector.broadcast %custom_jvp_call3A_255 : f32 to vector<4096x128xf32>
    %max3A_257 = arith.maximumf %mul3A_254, %max3A_256 : vector<4096x128xf32>
    %sub3A_258 = vector.broadcast %custom_jvp_call3A_255 : f32 to vector<4096x128xf32>
    %sub3A_259 = arith.subf %mul3A_254, %sub3A_258 : vector<4096x128xf32>
    %ne3A_260 = arith.cmpf one, %sub3A_259, %sub3A_259 : vector<4096x128xf32>
    %add3A_261 = vector.broadcast %custom_jvp_call3A_255 : f32 to vector<4096x128xf32>
    %add3A_262 = arith.addf %mul3A_254, %add3A_261 : vector<4096x128xf32>
    %abs3A_263 = math.absf %sub3A_259 : vector<4096x128xf32>
    %neg3A_264 = arith.constant 0.000000e+00 : f32
    %neg3A_265 = vector.broadcast %neg3A_264 : f32 to vector<4096x128xf32>
    %neg3A_266 = arith.subf %neg3A_265, %abs3A_263 : vector<4096x128xf32>
    %exp3A_267 = math.exp %neg3A_266 : vector<4096x128xf32>
    %log1p3A_268 = math.log1p %exp3A_267 : vector<4096x128xf32>
    %add3A_269 = arith.addf %max3A_257, %log1p3A_268 : vector<4096x128xf32>
    %select_n3A_270 = arith.select %ne3A_260, %add3A_262, %add3A_269 : vector<4096x128xi1>, vector<4096x128xf32>
    %tanh3A_271 = math.tanh %select_n3A_270 : vector<4096x128xf32>
    %mul3A_272 = arith.mulf %mul3A_254, %tanh3A_271 : vector<4096x128xf32>
    %convert_element_type3A_273 = arith.truncf %mul3A_272 : vector<4096x128xf32> to vector<4096x128xbf16>
    %slice3A_274 = vector.extract_strided_slice %get3A_135 {offsets = [128, 0], sizes = [128, 128], strides = [1, 1]} : vector<256x128xf32> to vector<128x128xf32>
    %convert_element_type3A_275 = arith.truncf %slice3A_274 : vector<128x128xf32> to vector<128x128xbf16>
    %dot_general3A_276 = arith.constant dense<0.000000e+00> : vector<4096x128xf32>
    %dot_general3A_277 = tpu.matmul %convert_element_type3A_273, %convert_element_type3A_275, %dot_general3A_276 {dimension_numbers = #tpu.dot_dimension_numbers<[1], [0], [0], [1], [0, 0, 1, 1], [], []>, transpose_lhs_hint = false} : vector<4096x128xbf16>, vector<128x128xbf16>, vector<4096x128xf32> -> vector<4096x128xf32>
    %add3A_278 = arith.addf %dot_general3A_176, %dot_general3A_277 : vector<4096x128xf32>
    %convert_element_type3A_279 = arith.truncf %mul3A_125 : vector<4096x128xf32> to vector<4096x128xbf16>
    %get3A_280 = arith.constant 2 : index
    %get3A_281 = arith.constant 0 : index
    %get3A_282 = arith.constant 0 : index
    %get3A_283 = vector.load %arg11[%get3A_280, %get3A_281, %get3A_282] : memref<3x128x128xf32, #tpu.memory_space<vmem>>, vector<1x128x128xf32>
    %get3A_284 = vector.shape_cast %get3A_283 : vector<1x128x128xf32> to vector<128x128xf32>
    %convert_element_type3A_285 = arith.truncf %get3A_284 : vector<128x128xf32> to vector<128x128xbf16>
    %dot_general3A_286 = arith.constant dense<0.000000e+00> : vector<4096x128xf32>
    %dot_general3A_287 = tpu.matmul %convert_element_type3A_279, %convert_element_type3A_285, %dot_general3A_286 {dimension_numbers = #tpu.dot_dimension_numbers<[1], [0], [0], [1], [0, 0, 1, 1], [], []>, transpose_lhs_hint = false} : vector<4096x128xbf16>, vector<128x128xbf16>, vector<4096x128xf32> -> vector<4096x128xf32>
    %custom_jvp_call3A_288 = arith.constant 0.000000e+00 : f32
    %max3A_289 = vector.broadcast %custom_jvp_call3A_288 : f32 to vector<4096x128xf32>
    %max3A_290 = arith.maximumf %dot_general3A_287, %max3A_289 : vector<4096x128xf32>
    %sub3A_291 = vector.broadcast %custom_jvp_call3A_288 : f32 to vector<4096x128xf32>
    %sub3A_292 = arith.subf %dot_general3A_287, %sub3A_291 : vector<4096x128xf32>
    %ne3A_293 = arith.cmpf one, %sub3A_292, %sub3A_292 : vector<4096x128xf32>
    %add3A_294 = vector.broadcast %custom_jvp_call3A_288 : f32 to vector<4096x128xf32>
    %add3A_295 = arith.addf %dot_general3A_287, %add3A_294 : vector<4096x128xf32>
    %abs3A_296 = math.absf %sub3A_292 : vector<4096x128xf32>
    %neg3A_297 = arith.constant 0.000000e+00 : f32
    %neg3A_298 = vector.broadcast %neg3A_297 : f32 to vector<4096x128xf32>
    %neg3A_299 = arith.subf %neg3A_298, %abs3A_296 : vector<4096x128xf32>
    %exp3A_300 = math.exp %neg3A_299 : vector<4096x128xf32>
    %log1p3A_301 = math.log1p %exp3A_300 : vector<4096x128xf32>
    %add3A_302 = arith.addf %max3A_290, %log1p3A_301 : vector<4096x128xf32>
    %select_n3A_303 = arith.select %ne3A_293, %add3A_295, %add3A_302 : vector<4096x128xi1>, vector<4096x128xf32>
    %tanh3A_304 = math.tanh %select_n3A_303 : vector<4096x128xf32>
    %mul3A_305 = arith.mulf %dot_general3A_287, %tanh3A_304 : vector<4096x128xf32>
    %custom_jvp_call3A_306 = arith.constant 0.000000e+00 : f32
    %max3A_307 = vector.broadcast %custom_jvp_call3A_306 : f32 to vector<4096x128xf32>
    %max3A_308 = arith.maximumf %mul3A_305, %max3A_307 : vector<4096x128xf32>
    %sub3A_309 = vector.broadcast %custom_jvp_call3A_306 : f32 to vector<4096x128xf32>
    %sub3A_310 = arith.subf %mul3A_305, %sub3A_309 : vector<4096x128xf32>
    %ne3A_311 = arith.cmpf one, %sub3A_310, %sub3A_310 : vector<4096x128xf32>
    %add3A_312 = vector.broadcast %custom_jvp_call3A_306 : f32 to vector<4096x128xf32>
    %add3A_313 = arith.addf %mul3A_305, %add3A_312 : vector<4096x128xf32>
    %abs3A_314 = math.absf %sub3A_310 : vector<4096x128xf32>
    %neg3A_315 = arith.constant 0.000000e+00 : f32
    %neg3A_316 = vector.broadcast %neg3A_315 : f32 to vector<4096x128xf32>
    %neg3A_317 = arith.subf %neg3A_316, %abs3A_314 : vector<4096x128xf32>
    %exp3A_318 = math.exp %neg3A_317 : vector<4096x128xf32>
    %log1p3A_319 = math.log1p %exp3A_318 : vector<4096x128xf32>
    %add3A_320 = arith.addf %max3A_308, %log1p3A_319 : vector<4096x128xf32>
    %select_n3A_321 = arith.select %ne3A_311, %add3A_313, %add3A_320 : vector<4096x128xi1>, vector<4096x128xf32>
    %tanh3A_322 = math.tanh %select_n3A_321 : vector<4096x128xf32>
    %mul3A_323 = arith.mulf %mul3A_305, %tanh3A_322 : vector<4096x128xf32>
    %convert_element_type3A_324 = arith.truncf %mul3A_323 : vector<4096x128xf32> to vector<4096x128xbf16>
    %slice3A_325 = vector.extract_strided_slice %get3A_135 {offsets = [128, 0], sizes = [128, 128], strides = [1, 1]} : vector<256x128xf32> to vector<128x128xf32>
    %convert_element_type3A_326 = arith.truncf %slice3A_325 : vector<128x128xf32> to vector<128x128xbf16>
    %dot_general3A_327 = arith.constant dense<0.000000e+00> : vector<4096x128xf32>
    %dot_general3A_328 = tpu.matmul %convert_element_type3A_324, %convert_element_type3A_326, %dot_general3A_327 {dimension_numbers = #tpu.dot_dimension_numbers<[1], [0], [0], [1], [0, 0, 1, 1], [], []>, transpose_lhs_hint = false} : vector<4096x128xbf16>, vector<128x128xbf16>, vector<4096x128xf32> -> vector<4096x128xf32>
    %add3A_329 = arith.addf %dot_general3A_176, %dot_general3A_328 : vector<4096x128xf32>
    %max3A_330 = arith.maximumf %add3A_227, %add3A_278 : vector<4096x128xf32>
    %max3A_331 = arith.maximumf %max3A_330, %add3A_329 : vector<4096x128xf32>
    %sub3A_332 = arith.subf %add3A_227, %max3A_331 : vector<4096x128xf32>
    %exp3A_333 = math.exp %sub3A_332 : vector<4096x128xf32>
    %sub3A_334 = arith.subf %add3A_278, %max3A_331 : vector<4096x128xf32>
    %exp3A_335 = math.exp %sub3A_334 : vector<4096x128xf32>
    %sub3A_336 = arith.subf %add3A_329, %max3A_331 : vector<4096x128xf32>
    %exp3A_337 = math.exp %sub3A_336 : vector<4096x128xf32>
    %add3A_338 = arith.addf %exp3A_333, %exp3A_335 : vector<4096x128xf32>
    %add3A_339 = arith.addf %add3A_338, %exp3A_337 : vector<4096x128xf32>
    %mul3A_340 = arith.mulf %exp3A_333, %mul3A : vector<4096x128xf32>
    %mul3A_341 = arith.mulf %exp3A_335, %mul3A_58 : vector<4096x128xf32>
    %add3A_342 = arith.addf %mul3A_340, %mul3A_341 : vector<4096x128xf32>
    %mul3A_343 = arith.mulf %exp3A_337, %mul3A_125 : vector<4096x128xf32>
    %add3A_344 = arith.addf %add3A_342, %mul3A_343 : vector<4096x128xf32>
    %div3A = arith.divf %add3A_344, %add3A_339 : vector<4096x128xf32>
    %convert_element_type3A_345 = arith.truncf %div3A : vector<4096x128xf32> to vector<4096x128xbf16>
    %get3A_346 = arith.constant 0 : index
    %get3A_347 = arith.constant 0 : index
    %get3A_348 = vector.load %arg13[%get3A_346, %get3A_347] : memref<128x128xf32, #tpu.memory_space<vmem>>, vector<128x128xf32>
    %convert_element_type3A_349 = arith.truncf %get3A_348 : vector<128x128xf32> to vector<128x128xbf16>
    %dot_general3A_350 = arith.constant dense<0.000000e+00> : vector<4096x128xf32>
    %dot_general3A_351 = tpu.matmul %convert_element_type3A_345, %convert_element_type3A_349, %dot_general3A_350 {dimension_numbers = #tpu.dot_dimension_numbers<[1], [0], [0], [1], [0, 0, 1, 1], [], []>, transpose_lhs_hint = false} : vector<4096x128xbf16>, vector<128x128xbf16>, vector<4096x128xf32> -> vector<4096x128xf32>
    %reduce_sum3A = arith.constant dense<0.000000e+00> : vector<128xf32>
    %reduce_sum3A_352 = vector.multi_reduction <add>, %dot_general3A_351, %reduce_sum3A [0] : vector<4096x128xf32> to vector<128xf32>
    %broadcast_in_dim3A = vector.shape_cast %reduce_sum3A_352 : vector<128xf32> to vector<1x128xf32>
    %div3A_353 = arith.constant 4.096000e+03 : f32
    %div3A_354 = vector.broadcast %div3A_353 : f32 to vector<1x128xf32>
    %div3A_355 = arith.divf %broadcast_in_dim3A, %div3A_354 : vector<1x128xf32>
    %sub3A_356 = vector.broadcast %div3A_355 : vector<1x128xf32> to vector<4096x128xf32>
    %sub3A_357 = arith.subf %dot_general3A_351, %sub3A_356 : vector<4096x128xf32>
    %integer_pow3A = arith.mulf %sub3A_357, %sub3A_357 : vector<4096x128xf32>
    %reduce_sum3A_358 = arith.constant dense<0.000000e+00> : vector<128xf32>
    %reduce_sum3A_359 = vector.multi_reduction <add>, %integer_pow3A, %reduce_sum3A_358 [0] : vector<4096x128xf32> to vector<128xf32>
    %broadcast_in_dim3A_360 = vector.shape_cast %reduce_sum3A_359 : vector<128xf32> to vector<1x128xf32>
    %div3A_361 = arith.constant 4.096000e+03 : f32
    %div3A_362 = vector.broadcast %div3A_361 : f32 to vector<1x128xf32>
    %div3A_363 = arith.divf %broadcast_in_dim3A_360, %div3A_362 : vector<1x128xf32>
    %sub3A_364 = vector.broadcast %div3A_355 : vector<1x128xf32> to vector<4096x128xf32>
    %sub3A_365 = arith.subf %dot_general3A_351, %sub3A_364 : vector<4096x128xf32>
    %add3A_366 = arith.constant 9.99999974E-6 : f32
    %add3A_367 = vector.broadcast %add3A_366 : f32 to vector<1x128xf32>
    %add3A_368 = arith.addf %div3A_363, %add3A_367 : vector<1x128xf32>
    %sqrt3A = math.sqrt %add3A_368 : vector<1x128xf32>
    %div3A_369 = vector.broadcast %sqrt3A : vector<1x128xf32> to vector<4096x128xf32>
    %div3A_370 = arith.divf %sub3A_365, %div3A_369 : vector<4096x128xf32>
    %get3A_371 = arith.constant 0 : index
    %get3A_372 = arith.constant 0 : index
    %get3A_373 = vector.load %arg14[%get3A_371, %get3A_372] : memref<1x128xf32, #tpu.memory_space<vmem>>, vector<1x128xf32>
    %mul3A_374 = vector.broadcast %get3A_373 : vector<1x128xf32> to vector<4096x128xf32>
    %mul3A_375 = arith.mulf %div3A_370, %mul3A_374 : vector<4096x128xf32>
    %get3A_376 = arith.constant 0 : index
    %get3A_377 = arith.constant 0 : index
    %get3A_378 = vector.load %arg15[%get3A_376, %get3A_377] : memref<1x128xf32, #tpu.memory_space<vmem>>, vector<1x128xf32>
    %add3A_379 = vector.broadcast %get3A_378 : vector<1x128xf32> to vector<4096x128xf32>
    %add3A_380 = arith.addf %mul3A_375, %add3A_379 : vector<4096x128xf32>
    %custom_jvp_call3A_381 = arith.constant 0.000000e+00 : f32
    %max3A_382 = vector.broadcast %custom_jvp_call3A_381 : f32 to vector<4096x128xf32>
    %max3A_383 = arith.maximumf %add3A_380, %max3A_382 : vector<4096x128xf32>
    %sub3A_384 = vector.broadcast %custom_jvp_call3A_381 : f32 to vector<4096x128xf32>
    %sub3A_385 = arith.subf %add3A_380, %sub3A_384 : vector<4096x128xf32>
    %ne3A_386 = arith.cmpf one, %sub3A_385, %sub3A_385 : vector<4096x128xf32>
    %add3A_387 = vector.broadcast %custom_jvp_call3A_381 : f32 to vector<4096x128xf32>
    %add3A_388 = arith.addf %add3A_380, %add3A_387 : vector<4096x128xf32>
    %abs3A_389 = math.absf %sub3A_385 : vector<4096x128xf32>
    %neg3A_390 = arith.constant 0.000000e+00 : f32
    %neg3A_391 = vector.broadcast %neg3A_390 : f32 to vector<4096x128xf32>
    %neg3A_392 = arith.subf %neg3A_391, %abs3A_389 : vector<4096x128xf32>
    %exp3A_393 = math.exp %neg3A_392 : vector<4096x128xf32>
    %log1p3A_394 = math.log1p %exp3A_393 : vector<4096x128xf32>
    %add3A_395 = arith.addf %max3A_383, %log1p3A_394 : vector<4096x128xf32>
    %select_n3A_396 = arith.select %ne3A_386, %add3A_388, %add3A_395 : vector<4096x128xi1>, vector<4096x128xf32>
    %tanh3A_397 = math.tanh %select_n3A_396 : vector<4096x128xf32>
    %mul3A_398 = arith.mulf %add3A_380, %tanh3A_397 : vector<4096x128xf32>
    %swap3A = arith.constant 0 : index
    %swap3A_399 = arith.constant 0 : index
    %swap3A_400 = vector.load %arg16[%swap3A, %swap3A_399] : memref<4096x128xf32, #tpu.memory_space<vmem>>, vector<4096x128xf32>
    tpu.vector_store %arg16[%swap3A, %swap3A_399], %mul3A_398 {strides = array<i32>} : memref<4096x128xf32, #tpu.memory_space<vmem>>, vector<4096x128xf32>,
    return
  }
}

</mosaic_0001>

<sc_bundles>
// kernel: gather_offload_async_start
scs
__scs_entry_jumppad:
0x0: {  	(pc) =	sbr.rel $0x88, $3  }
0x1: {  	(tag) =	ssettag $0x0;
	lr =	simm.s32 $0x1  }
0x2: {  	[smem:$0x3F87] =	sst lr;
	_ =	strace $0xD0000000  }
0x3: {  	_ = 	snop  }
0x4: {  	_ = 	snop  }
0x5: {  	_ = 	snop  }
0x6: {  	_ = 	snop  }
0x7: {  	_ = 	snop  }
__scs_overlays_trampoline_lowered:
0x8: {  	[smem:$0x3F96] =	sst s0  }
0x9: {  	[smem:$0x3F97] =	sst s1  }
0xa: {  	[smem:$0x3F98] =	sst s2  }
0xb: {  	[smem:$0x3F99] =	sst s3  }
0xc: {  	[smem:$0x3F9A] =	sst s4  }
0xd: {  	[smem:$0x3F9B] =	sst s5  }
0xe: {  	[smem:$0x3F9C] =	sst s6  }
0xf: {  	[smem:$0x3F9D] =	sst s7  }
0x10: {  	[smem:$0x3F9E] =	sst s8  }
0x11: {  	[smem:$0x3F9F] =	sst s9;
	s0 =	simm.s32 @!p0 $0x0  }
0x12: {  	s1 =	sld [smem:$0x3F85];
	s0 =	simm.s32 @p0 $0x1  }
0x13: {  	[smem:$0x3FA0] =	sst s0;
	s0 =	simm.s32 @!p1 $0x0  }
0x14: {  	s2 =	sld [smem:$0x3F84];
	s0 =	simm.s32 @p1 $0x1  }
0x15: {  	[smem:$0x3FA1] =	sst s0;
	s0 =	simm.s32 @!p2 $0x0  }
0x16: {  	s3 =	sld [smem:$0x3FDB];
	s0 =	simm.s32 @p2 $0x1  }
0x17: {  	s4 =	simm.s32 $0x1BF5;
	[smem:$0x3FA3] =	sst s0  }
0x18: {  	s0 =	sld [smem:$0x3F86];
	_ =	swait.ge [sflag:s4], $0x0  }
0x19: {  	s7 =	sld [smem:$0x3F87]  }
0x1a: {  	s8 =	sadd.s32 $0xFFFFE003, lr  }
0x1b: {  	s9 =	sadd.s32 $0xFFFFFEF7, lr;
	s5 =	simm.s32 $0xFFFFFFFF;
	p2 =	slt.u32 s8, $0xFFFFF086  }
0x1c: {  	p1 =	slt.u32 s9, $0xF7A;
	s5 =	simm.s32 @!p2 $0x0  }
0x1d: {  	s5 =	simm.s32 @p1 $0x1;
	p0 =	seq.s32 s7, s2  }
0x1e: {  	s7 =	smul.u32 @!p0 $0xF7A, s2;
	p2 =	seq.s32 @!p0 s5, $0x0  }
0x1f: {  	s9 =	smul.u32 $0xF7A, s1;
	s8 =	simm.s32 @!p0 $0x1BF5;
	p2 =	por !p2, p0  }
0x20: {  	[sflag:s8] =	ssyncset.s32 @!p0 $0xFFFFF086;
	s6 =	sadd.s32 @!p0 s3, s7;
	s7 =	simm.s32 @!p0 $0x108  }
0x21: {  	s3 =	sadd.s32 s3, s9;
	s6 =	sadd.s32 @!p0 $0x88, s6;
	s7 =	simm.s32 @p2 $0x1082  }
0x22: {  	[simem:s7], [sflag:s8] =	dma.local @!p0 [hbm:s6], $0xF7A  }
0x23: {  	s9 =	sor.u32 $0xD0000000, s2;
	s6 =	simm.s32 $0x108;
	_ =	swait.ge @!p0 [sflag:s8], $0x0  }
0x24: {  	s3 =	sadd.s32 $0x88, s3;
	s6 =	simm.s32 @!p1 $0x1082;
	[sflag:s4] =	ssyncset.s32 $0xFFFFF086  }
0x25: {  	[simem:s6], [sflag:s4] =	dma.local [hbm:s3], $0xF7A  }
0x26: {  	[smem:$0x3F87] =	sst s1;
	(tag) =	ssettag s2;
	_ =	strace s9  }
0x27: {  	s1 =	sld [smem:$0x3F97]  }
0x28: {  	s2 =	sld [smem:$0x3F98]  }
0x29: {  	s4 =	sld [smem:$0x3F9A]  }
0x2a: {  	p0 =	seq.s32 s5, $0x0;
	s5 =	sld [smem:$0x3F9B]  }
0x2b: {  	s6 =	sld [smem:$0x3F9C]  }
0x2c: {  	s7 =	sld [smem:$0x3F9D]  }
0x2d: {  	s3 =	simm.s32 $0x108;
	s8 =	sld [smem:$0x3F9E]  }
0x2e: {  	s3 =	simm.s32 @!p0 $0x1082;
	s9 =	sld [smem:$0x3F9F]  }
0x2f: {  	lr =	sadd.s32 s0, s3;
	s0 =	sld [smem:$0x3F96]  }
0x30: {  	s3 =	sld [smem:$0x3F99]  }
0x31: {  	[smem:$0x3FA2] =	sst s10  }
0x32: {  	s10 =	sld [smem:$0x3FA0];
	_ =	sdelay $0x3  }
0x33: {  	p0 =	seq.s32 s10, $0x1;
	s10 =	sld [smem:$0x3FA2];
	_ =	sdelay $0x3  }
0x34: {  	[smem:$0x3FA2] =	sst s10  }
0x35: {  	s10 =	sld [smem:$0x3FA1];
	_ =	sdelay $0x3  }
0x36: {  	p1 =	seq.s32 s10, $0x1;
	s10 =	sld [smem:$0x3FA2];
	_ =	sdelay $0x3  }
0x37: {  	[smem:$0x3FA2] =	sst s10  }
0x38: {  	s10 =	sld [smem:$0x3FA3]  }
0x39: {  	_ = 	snop;
	(pc) =	sbr.ind lr, $3  }
0x3a: {  	_ = 	snop  }
0x3b: {  	_ = 	snop  }
0x3c: {  	p2 =	seq.s32 s10, $0x1;
	s10 =	sld [smem:$0x3FA2]  }
0x3d: {  	_ =	shalt  }
0x3e: {  	_ =	shalt  }
0x3f: {  	_ =	shalt  }
0x40: {  	_ =	shalt  }
0x41: {  	_ =	shalt  }
0x42: {  	_ =	shalt  }
0x43: {  	_ =	shalt  }
0x44: {  	_ =	shalt  }
0x45: {  	_ =	shalt  }
0x46: {  	_ =	shalt  }
0x47: {  	_ =	shalt  }
0x48: {  	_ =	shalt  }
0x49: {  	_ =	shalt  }
0x4a: {  	_ =	shalt  }
0x4b: {  	_ =	shalt  }
0x4c: {  	_ =	shalt  }
0x4d: {  	_ =	shalt  }
0x4e: {  	_ =	shalt  }
0x4f: {  	_ =	shalt  }
0x50: {  	_ =	shalt  }
0x51: {  	_ =	shalt  }
0x52: {  	_ =	shalt  }
0x53: {  	_ =	shalt  }
0x54: {  	_ =	shalt  }
0x55: {  	_ =	shalt  }
0x56: {  	_ =	shalt  }
0x57: {  	_ =	shalt  }
0x58: {  	_ =	shalt  }
0x59: {  	_ =	shalt  }
0x5a: {  	_ =	shalt  }
0x5b: {  	_ =	shalt  }
0x5c: {  	_ =	shalt  }
0x5d: {  	_ =	shalt  }
0x5e: {  	_ =	shalt  }
0x5f: {  	_ =	shalt  }
0x60: {  	_ =	shalt  }
0x61: {  	_ =	shalt  }
0x62: {  	_ =	shalt  }
0x63: {  	_ =	shalt  }
0x64: {  	_ =	shalt  }
0x65: {  	_ =	shalt  }
0x66: {  	_ =	shalt  }
0x67: {  	_ =	shalt  }
0x68: {  	_ =	shalt  }
0x69: {  	_ =	shalt  }
0x6a: {  	_ =	shalt  }
0x6b: {  	_ =	shalt  }
0x6c: {  	_ =	shalt  }
0x6d: {  	_ =	shalt  }
0x6e: {  	_ =	shalt  }
0x6f: {  	_ =	shalt  }
0x70: {  	_ =	shalt  }
0x71: {  	_ =	shalt  }
0x72: {  	_ =	shalt  }
0x73: {  	_ =	shalt  }
0x74: {  	_ =	shalt  }
0x75: {  	_ =	shalt  }
0x76: {  	_ =	shalt  }
0x77: {  	_ =	shalt  }
0x78: {  	_ =	shalt  }
0x79: {  	_ =	shalt  }
0x7a: {  	_ =	shalt  }
0x7b: {  	_ =	shalt  }
0x7c: {  	_ =	shalt  }
0x7d: {  	_ =	shalt  }
0x7e: {  	_ =	shalt  }
0x7f: {  	_ =	shalt  }
0x80: {  	_ =	shalt  }
0x81: {  	_ =	shalt  }
0x82: {  	_ =	shalt  }
0x83: {  	_ =	shalt  }
0x84: {  	_ =	shalt  }
0x85: {  	_ =	shalt  }
0x86: {  	_ =	shalt  }
0x87: {  	_ =	shalt  }
.Lfunc_end0:
.L_simem_size_0:
called_computation_lowered:
.L_overlay_start_0:
0x88: {  	s2 =	sld [smem:$0x3FD9]  }
0x89: {  	s3 =	sld [smem:$0x3FFE];
	_ =	sdelay $0x1  }
0x8a: {  	s1 =	srdreg.scid  }
0x8b: {  	s0 =	sand.u32 $0x1, s1  }
0x8c: {  	s16 =	sshll.u32 s0, $0xA;
	s2 =	sadd.s32 s3, s2  }
0x8d: {  	s2 =	sadd.s32 s2, s16  }
0x8e: {  	[smem:$0x3FAE] =	sst s2  }
0x8f: {  	_ = 	snop  }
0x90: {  	(tm) =	ssettm $0x1  }
0x91: {  	s17 =	sld [smem:$0x3FFB];
	_ =	sdelay $0x3  }
0x92: {  	_ =	strace s17  }
0x93: {  	s2 =	sld [smem:$0x3FFC];
	_ =	sdelay $0x3  }
0x94: {  	_ =	strace s2  }
0x95: {  	s2 =	sld [smem:$0x3FFD];
	_ =	sdelay $0x3  }
0x96: {  	_ =	strace s2  }
0x97: {  	_ =	strace $0x8FFFFFFF  }
0x98: {  	s18 =	sld [smem:$0x3FDB];
	_ =	sdelay $0x1  }
0x99: {  	s19 =	simm.s32 $_scs_section_size  }
0x9a: {  	s4 =	simm.s32 $_size__tile_overlayer_lowered;
	s5 =	simm.s32 $_tile_overlayer_lowered  }
0x9b: {  	s22 =	simm.s32 $0x1BFF;
	s21 =	sshll.u32 s5, $0x1;
	s2 =	sadd.s32 s19, s18  }
0x9c: {  	s6 =	simm.s32 $0x0;
	s20 =	sshll.u32 s4, $0x1;
	s4 =	sadd.s32 s21, s2  }
0x9d: {  	[timem:s6], [sflag:s22] =	dma.local [hbm:s4], s20  }
0x9e: {  	_ =	swait.ge [sflag:s22], s20  }
0x9f: {  	s3 =	ssub.s32 $0x0, s20;
	[sflag:s22] =	ssyncset.done $0x0  }
0xa0: {  	[sflag:s22] =	ssyncadd.s32 s3;
	_ =	sdelay $0x1  }
0xa1: {  	s23 =	simm.s32 $0x1B8B  }
0xa2: {  	_ =	swait.ge [sflag:s23], $0x1  }
0xa3: {  	[sflag:s23] =	ssyncset.done $0x0  }
0xa4: {  	s25 =	simm.s32 $0x1B8E;
	s24 =	sld [smem:$0x3FFE];
	[sflag:s23] =	ssyncadd.s32 $0xFFFFFFFF  }
0xa5: {  	s26 =	simm.s32 $execute0_lowered;
	[smem:$0x3FD2] =	sst s25  }
0xa6: {  	s4 =	sshll.u32 s26, $0x1;
	_ =	strace $0x80000046;
	[dreg:$0x1] =	wrdreg $0xFFFFFFFF  }
0xa7: {  	s28 =	simm.s32 $_size_execute0_lowered;
	s2 =	sadd.s32 s2, s4;
	[dreg:$0x0] =	wrdreg $0x0  }
0xa8: {  	s4 =	sshll.u32 s28, $0x1;
	[dreg:$0x2] =	wrdreg s2  }
0xa9: {  	[dreg:$0x3] =	wrdreg s4  }
0xaa: {  	[dreg:$0x4] =	wrdreg $0xC0  }
0xab: {  	_ =	task [dreg:s6], $0x5FFFF  }
0xac: {  	[dreg:$0x1] =	wrdreg $0xFFFFFFFF  }
0xad: {  	[dreg:$0x0] =	wrdreg $0x60  }
0xae: {  	[dreg:$0x2] =	wrdreg s24  }
0xaf: {  	[dreg:$0x3] =	wrdreg $0x9  }
0xb0: {  	_ =	task.clear_ibuf [dreg:s6], $0x4FFFF;
	_ =	strace $0x90000046  }
0xb1: {  	s29 =	simm.s32 $0x9;
	_ =	strace $0x80000048  }
0xb2: {  	_ =	swait.ge [sflag:s29], $0x1  }
0xb3: {  	[sflag:s29] =	ssyncadd.s32 $0xFFFFFFFF  }
0xb4: {  	_ =	strace $0x90000048  }
0xb5: {  	_ =	sfence  }
0xb6: {  	s30 =	sld [smem:$0x0];
	_ =	sdelay $0x2  }
0xb7: {  	s31 =	sshll.u32 s1, $0xD;
	s1 =	sshrl.u32 s1, $0x2  }
0xb8: {  	s3 =	sand.u32 $0x4000, s31;
	s1 =	sadd.s32 s1, s30  }
0xb9: {  	s0 =	sor.u32 s3, s0;
	s1 =	sshll.u32 s1, $0x11  }
0xba: {  	s0 =	sor.u32 s1, s0  }
0xbb: {  	s0 =	sadd.s32 $0x8F2B, s0  }
0xbc: {  	[sflag:s0] =	ssyncadd.remote.s32 $0x1  }
0xbd: {  	_ =	sfence.sel $0xFFFF  }
0xbe: {  	[dreg:$0x0] =	wrdreg $0xFFFFFFFF;
	(pc) =	sbr.abs _section_cstart, $3  }
0xbf: {  	[dreg:$0x1] =	wrdreg $0xFFFFFFFF  }
0xc0: {  	_ =	task.clear_ibuf [dreg:s6], $0x2FFFF;
	_ =	strace $0x9FFFFFFF  }
0xc1: {  	(tm) =	ssettm $0x7FFFFFFF  }
tec
execute0_lowered:
.L_overlay_start_1:
0x0: {  	(tag) =	ssettag $0x1  }
0x1: {  	s1 =	rddreg [dreg:$0x0]  }
0x2: {  	s0 =	rddreg [dreg:$0x1];
	_ =	strace $0x80000047  }
0x3: {  	s5 =	simm.s32 $0x1;
	s6 =	srdreg.scid;
	s9 =	simm.s32 $0x4  }
0x4: {  	s13 =	simm.s32 $0x0;
	s10 =	simm.s32 $0x0;
	s2 =	sadd.s32 $0x1C000, s1  }
0x5: {  	s3 =	sadd.s32 $0xBE00, s1;
	s4 =	sadd.s32 $0x21C000, s1;
	s31 =	sshll.u32 s6, $0x4  }
.Ltmp0:
0x6: {  	s1 =	stileid.u32;
	s6 =	sand.u32 $0x10, s31;
	(pc) =	sbr.rel .LBB2_1-.Ltmp0, $4  }
0x7: {  	[sflag:s5] =	ssyncpa.u1 $0x0;
	s5 =	simm.s32 $0x2;
	s7 =	sor.u32 s1, s6  }
0x8: {  	[sflag:s5] =	ssyncpa.u1 $0x0;
	s6 =	simm.s32 $0x3;
	s7 =	sshll.u32 s7, $0xE  }
0x9: {  	s11 =	simm.s32 $0x0;
	[sflag:s6] =	ssyncpa.u1 $0x0;
	s8 =	sadd.s32 $0x4000, s7  }
0xa: {  	v0 =	vlaneseq.u32;
	vm0 =	vmmov $0xffff;
	[sflag:s9] =	ssyncpa.u1 $0x0;
	s9 =	simm.s32 $0x0;
	s12 =	smov.u32 s7  }
.LBB2_3:
0xb: {  	s13 =	sshrl.u32 s12, $0x3  }
0xc: {  	s14 =	sand.u32 $0x7, s12;
	s13 =	sadd.s32 s3, s13  }
0xd: {  	[tilespmem:s9], [sflag:$0x2] =	stream.linear.gather [hbm4b:s13+s14], $0x4000, $0x38;
	[tilespmem:$0x16000] =	vst v63  }
.LBB2_10:
0xe: {  	s14 =	sadd.s32 $0x4000, s12  }
0xf: {  	s15 =	smov.u32 s7;
	p0 =	slt.s32 s14, s8  }
0x10: {  	s13 =	smov.u32 s10;
	s15 =	smov.u32 @p0 s14  }
0x11: {  	s10 =	smov.u32 s12;
	s11 =	sadd.s32 $0x1, s11;
	s12 =	smov.u32 s15  }
.LBB2_1:
0x12: {  	p0 =	sgt.s32 s11, $0x1  }
.Ltmp1:
0x13: {  	_ = 	snop;
	(pc) =	sbr.rel @p0 .LBB2_11-.Ltmp1, $1  }
0x14: {  	_ =	sdelay $0x3  }
0x15: {  	p0 =	seq.s32 s11, $0x0  }
.Ltmp2:
0x16: {  	_ = 	snop;
	(pc) =	sbr.rel @p0 .LBB2_3-.Ltmp2, $1  }
0x17: {  	_ =	sdelay $0x3  }
0x18: {  	_ =	swait.ge [sflag:s5], $0x4000  }
0x19: {  	s14 =	simm.s32 $0x0;
	[sflag:s5] =	ssyncset.done $0x0  }
0x1a: {  	[sflag:s5] =	ssyncadd.s32 $0xFFFFC000;
	(ifvalue) =	ssetifvalue $0x7FFFFFFF;
	v1 =	vld.msk [tilespmem:s14+$0x0 ss:$0x1], $0xffff  }
0x1b: {  	s15 =	simm.s32 $0x10  }
0x1c: {  	v2 =	vld.msk [tilespmem:s15+$0x0 ss:$0x1], $0xffff;
	_ =	sdelay $0x1  }
0x1d: {  	s13 =	ssub.s32 $0x80000, s10  }
0x1e: {  	p0 =	slt.s32 s13, $0x4000;
	vm1 =	vgt.s32 v1, $0x0  }
0x1f: {  	s13 =	simm.s32 @!p0 $0x4000;
	v1 =	vnsel vm1, $0x0, v1  }
0x20: {  	p0 =	sgt.s32 s13, $0x0;
	s16 =	smov.u32 s13;
	vm1 =	vgt.s32 v2, $0x0;
	v1 =	vmin.u32 v1, $0x3FFFFFF  }
0x21: {  	s16 =	simm.s32 @!p0 $0x0;
	v2 =	vnsel vm1, $0x0, v2;
	v4 =	vshll.u32 v1, $0x2  }
0x22: {  	s16 =	smin.u32 s16, $0x10;
	v3 =	vshrl.u32 v1, $0x7;
	v1 =	vand.u32 $0x3FFFE00, v1;
	v4 =	vand.u32 $0x1FC, v4  }
0x23: {  	v5 =	vmin.u32 v2, $0x3FFFFFF;
	v2 =	vmov s16;
	v1 =	vor.u32 v1, v4  }
0x24: {  	vm1 =	vgt.u32 v2, v0;
	v1 =	vshrl.u32 v1, $0x2  }
0x25: {  	s17 =	sadd.s32 $0xFFFFFFF0, s13;
	v1 =	vnsel vm1, $0x7FFFFFFF, v1  }
0x26: {  	s13 =	simm.s32 $0x20;
	p0 =	sgt.s32 s17, $0x0;
	s19 =	smov.u32 s17;
	v3 =	vand.u32 $0x3, v3  }
0x27: {  	s19 =	simm.s32 @!p0 $0x0;
	v2 =	vld.msk [tilespmem:s13+$0x0 ss:$0x1], $0xffff;
	v4 =	vshrl.u32 v5, $0x7;
	[tilespmem:s14+$0x0] =	vst v3;
	v3 =	vshll.u32 v5, $0x2  }
0x28: {  	s18 =	simm.s32 $0x30;
	s19 =	smin.u32 s19, $0x10;
	s16 =	simm.s32 $0xC000;
	v5 =	vand.u32 $0x3FFFE00, v5;
	v4 =	vand.u32 $0x3, v4;
	v6 =	vand.u32 $0x1FC, v3  }
0x29: {  	s14 =	simm.s32 $0x30;
	v3 =	vmov s19;
	[tilespmem:s15+$0x0] =	vst v4;
	v4 =	vor.u32 v5, v6;
	(ifvalue) =	ssetifvalue $0x7FFFFFFF;
	s15 =	simm.s32 $0xC010  }
.LBB2_5:
0x2a: {  	[tilespmem:s16], [sflag:$0x3] =	stream.indirect_vreg.gather [hbm4b:s2+s9], $0x1, v1, vm0, $0x4038;
	[tilespmem:$0x16000] =	vst v63  }
0x2b: {  	s18 =	sadd.s32 $0x10, s18  }
0x2c: {  	vm1 =	vgt.s32 v2, $0x0;
	vm2 =	vgt.u32 v3, v0;
	v3 =	vshrl.u32 v4, $0x2;
	v1 =	vmovc v2;
	v2 =	vld.msk [tilespmem:s14+$0x0 ss:$0x1], $0xffff;
	p0 =	slt.u32 s18, $0x3FF0  }
.Ltmp3:
0x2d: {  	s17 =	sadd.s32 $0xFFFFFFF0, s17;
	v4 =	vnsel vm1, $0x0, v1;
	v1 =	vnsel vm2, $0x7FFFFFFF, v3;
	(pc) =	sbr.rel @p0 .LBB2_5-.Ltmp3, $4  }
0x2e: {  	s19 =	smov.u32 s13;
	p1 =	sgt.s32 s17, $0x0;
	s20 =	smov.u32 s17;
	v3 =	vmin.u32 v4, $0x3FFFFFF  }
0x2f: {  	s13 =	smov.u32 s14;
	s16 =	smov.u32 s15;
	s20 =	simm.s32 @!p1 $0x0;
	v4 =	vshrl.u32 v3, $0x7;
	v5 =	vshll.u32 v3, $0x2  }
0x30: {  	s20 =	smin.u32 s20, $0x10;
	v6 =	vand.u32 $0x3, v4;
	v4 =	vand.u32 $0x3FFFE00, v3;
	v5 =	vand.u32 $0x1FC, v5  }
0x31: {  	s14 =	sadd.s32 $0x10, s14;
	s15 =	sadd.s32 $0x10, s15;
	v3 =	vmov s20;
	v4 =	vor.u32 v4, v5;
	[tilespmem:s19+$0x0] =	vst v6;
	(ifvalue) =	ssetifvalue $0x7FFFFFFF  }
0x32: {  	v5 =	vld.msk [tilespmem:s14+$0x0 ss:$0x1], $0xffff;
	_ =	sdelay $0x1  }
0x33: {  	s17 =	sadd.s32 $0xFFFFFFF0, s17;
	vm1 =	vgt.s32 v2, $0x0  }
0x34: {  	p0 =	sgt.s32 s17, $0x0;
	s18 =	smov.u32 s17;
	v2 =	vnsel vm1, $0x0, v2;
	vm1 =	vgt.u32 v3, v0;
	v3 =	vshrl.u32 v4, $0x2  }
0x35: {  	s18 =	simm.s32 @!p0 $0x0;
	v2 =	vmin.u32 v2, $0x3FFFFFF;
	v3 =	vnsel vm1, $0x7FFFFFFF, v3  }
0x36: {  	s18 =	smin.u32 s18, $0x10;
	v60 =	vshll.u32 v2, $0x2;
	v7 =	vand.u32 $0x3FFFE00, v2;
	vm1 =	vgt.s32 v5, $0x0  }
0x37: {  	s17 =	sadd.s32 $0xFFFFFFF0, s17;
	v2 =	vshrl.u32 v2, $0x7;
	v6 =	vmov s18;
	v5 =	vnsel vm1, $0x0, v5  }
0x38: {  	p0 =	sgt.s32 s17, $0x0;
	v4 =	vand.u32 $0x1FC, v60;
	v2 =	vand.u32 $0x3, v2;
	v5 =	vmin.u32 v5, $0x3FFFFFF  }
0x39: {  	s17 =	simm.s32 @!p0 $0x0;
	v4 =	vor.u32 v7, v4;
	vm1 =	vgt.u32 v6, v0;
	v61 =	vshll.u32 v5, $0x2  }
0x3a: {  	s17 =	smin.u32 s17, $0x10;
	v4 =	vshrl.u32 v4, $0x2;
	v62 =	vand.u32 $0x3FFFE00, v5;
	v6 =	vand.u32 $0x1FC, v61  }
0x3b: {  	[tilespmem:s16], [sflag:$0x3] =	stream.indirect_vreg.gather [hbm4b:s2+s9], $0x1, v1, vm0, $0x4038;
	v63 =	vmov s17;
	v4 =	vnsel vm1, $0x7FFFFFFF, v4;
	v6 =	vor.u32 v62, v6;
	[tilespmem:$0x16000] =	vst v63  }
0x3c: {  	[tilespmem:s13+$0x0] =	vst v2;
	(ifvalue) =	ssetifvalue $0x7FFFFFFF;
	vm1 =	vgt.u32 v63, v0;
	v2 =	vshrl.u32 v6, $0x2  }
0x3d: {  	[tilespmem:s15], [sflag:$0x3] =	stream.indirect_vreg.gather [hbm4b:s2+s9], $0x1, v3, vm0, $0x4038;
	v1 =	vshrl.u32 v5, $0x7;
	v2 =	vnsel vm1, $0x7FFFFFFF, v2;
	[tilespmem:$0x16000] =	vst v63  }
.Ltmp4:
0x3e: {  	v1 =	vand.u32 $0x3, v1;
	(pc) =	sbr.rel .LBB2_10-.Ltmp4, $4  }
0x3f: {  	s31 =	sadd.s32 $0x10, s15;
	[tilespmem:s14+$0x0] =	vst v1;
	(ifvalue) =	ssetifvalue $0x7FFFFFFF  }
0x40: {  	[tilespmem:s31], [sflag:$0x3] =	stream.indirect_vreg.gather [hbm4b:s2+s9], $0x1, v4, vm0, $0x4038;
	[tilespmem:$0x16000] =	vst v63  }
0x41: {  	s13 =	sadd.s32 $0x10, s31;
	(ifvalue) =	ssetifvalue $0x7FFFFFFF  }
0x42: {  	[tilespmem:s13], [sflag:$0x3] =	stream.indirect_vreg.gather [hbm4b:s2+s9], $0x1, v2, vm0, $0x4038;
	[tilespmem:$0x16000] =	vst v63  }
.LBB2_11:
0x43: {  	p0 =	seq.s32 s11, $0x2  }
.Ltmp5:
0x44: {  	_ = 	snop;
	(pc) =	sbr.rel @!p0 .LBB2_12-.Ltmp5, $1  }
0x45: {  	_ =	sdelay $0x3  }
0x46: {  	s15 =	sshll.u32 s11, $0x10  }
0x47: {  	s14 =	sand.u32 $0x1, s11;
	s15 =	sshra.s32 s15, $0x2  }
0x48: {  	s16 =	sshll.u32 s14, $0xE;
	s17 =	sadd.s32 $0xFFFF8000, s15  }
0x49: {  	s16 =	sadd.s32 $0xC000, s16;
	v2 =	vmov s17  }
0x4a: {  	_ =	swait.ge [sflag:s6], $0x4000;
	s14 =	sshll.u32 s14, $0xC;
	v1 =	vmov s16  }
0x4b: {  	[sflag:s6] =	ssyncset.done $0x0;
	s14 =	sor.u32 $0x14000, s14  }
0x4c: {  	[sflag:s6] =	ssyncadd.s32 $0xFFFFC000;
	s15 =	simm.s32 $0x0;
	v3 =	vmov s14  }
.LBB2_8:
0x4d: {  	s16 =	sshll.u32 s15, $0x9  }
0x4e: {  	s17 =	sand.u32 $0x3FFFFE00, s16;
	v5 =	vld.idx.msk [tilespmem:v2+s16+$0x0 ss:$0x1], $0xffff  }
0x4f: {  	s23 =	sor.u32 $0x80, s16;
	v4 =	vld.idx.msk [tilespmem:v1+s17+$0x0 ss:$0x1], $0xffff  }
0x50: {  	v6 =	vld.idx.msk [tilespmem:v1+s23+$0x0 ss:$0x1], $0xffff  }
0x51: {  	s18 =	sor.u32 $0x100, s16;
	v7 =	vld.idx.msk [tilespmem:v2+s23+$0x0 ss:$0x1], $0xffff  }
0x52: {  	v8 =	vld.idx.msk [tilespmem:v2+s18+$0x0 ss:$0x1], $0xffff  }
0x53: {  	s20 =	sor.u32 $0x180, s16;
	v9 =	vld.idx.msk [tilespmem:v1+s18+$0x0 ss:$0x1], $0xffff  }
0x54: {  	v10 =	vld.idx.msk [tilespmem:v2+s20+$0x0 ss:$0x1], $0xffff;
	_ =	sdelay $0x1  }
0x55: {  	v11 =	vld.idx.msk [tilespmem:v1+s20+$0x0 ss:$0x1], $0xffff  }
0x56: {  	v5 =	vshll.u32 v5, $0x3;
	v7 =	vshll.u32 v7, $0x3  }
0x57: {  	v4 =	vshrl.u32 v4, v5;
	v30 =	vshll.u32 v8, $0x3;
	v5 =	vshrl.u32 v6, v7  }
0x58: {  	v31 =	vshll.u32 v10, $0x3;
	v6 =	vshrl.u32 v9, v30;
	v5 =	vshll.u32 v5, $0x8  }
0x59: {  	v4 =	vand.u32 $0xFF, v4;
	v6 =	vshll.u32 v6, $0x10;
	v5 =	vand.u32 $0xFF00, v5  }
0x5a: {  	v32 =	vshrl.u32 v11, v31;
	v4 =	vor.u32 v4, v5;
	v5 =	vand.u32 $0xFF0000, v6  }
0x5b: {  	v4 =	vor.u32 v5, v4;
	v5 =	vshll.u32 v32, $0x18  }
0x5c: {  	s24 =	sshra.s32 s16, $0x2;
	v4 =	vor.u32 v5, v4  }
0x5d: {  	s25 =	sor.u32 $0x10, s16;
	[tilespmem:v3+s24+$0x0 ss:$0x1] =	vst.idx.msk $0xffff, v4  }
0x5e: {  	v4 =	vld.idx.msk [tilespmem:v1+s25+$0x0 ss:$0x1], $0xffff  }
0x5f: {  	s26 =	sor.u32 $0x90, s16;
	v5 =	vld.idx.msk [tilespmem:v2+s25+$0x0 ss:$0x1], $0xffff  }
0x60: {  	v33 =	vld.idx.msk [tilespmem:v1+s26+$0x0 ss:$0x1], $0xffff  }
0x61: {  	s28 =	sor.u32 $0x110, s16;
	v34 =	vld.idx.msk [tilespmem:v2+s26+$0x0 ss:$0x1], $0xffff  }
0x62: {  	v35 =	vld.idx.msk [tilespmem:v2+s28+$0x0 ss:$0x1], $0xffff  }
0x63: {  	s29 =	sor.u32 $0x190, s16;
	v36 =	vld.idx.msk [tilespmem:v1+s28+$0x0 ss:$0x1], $0xffff  }
0x64: {  	v37 =	vld.idx.msk [tilespmem:v2+s29+$0x0 ss:$0x1], $0xffff;
	_ =	sdelay $0x1  }
0x65: {  	v38 =	vld.idx.msk [tilespmem:v1+s29+$0x0 ss:$0x1], $0xffff  }
0x66: {  	v5 =	vshll.u32 v5, $0x3;
	v7 =	vshll.u32 v34, $0x3  }
0x67: {  	v39 =	vshll.u32 v35, $0x3;
	v4 =	vshrl.u32 v4, v5;
	v5 =	vshrl.u32 v33, v7  }
0x68: {  	v40 =	vshll.u32 v37, $0x3;
	v6 =	vshrl.u32 v36, v39;
	v5 =	vshll.u32 v5, $0x8  }
0x69: {  	v4 =	vand.u32 $0xFF, v4;
	v6 =	vshll.u32 v6, $0x10;
	v5 =	vand.u32 $0xFF00, v5  }
0x6a: {  	v41 =	vshrl.u32 v38, v40;
	v4 =	vor.u32 v4, v5;
	v5 =	vand.u32 $0xFF0000, v6  }
0x6b: {  	s17 =	sor.u32 $0x40, s16;
	v4 =	vor.u32 v5, v4;
	v5 =	vshll.u32 v41, $0x18  }
0x6c: {  	s19 =	sshra.s32 s17, $0x2;
	v4 =	vor.u32 v5, v4  }
0x6d: {  	s30 =	sor.u32 $0x20, s16;
	[tilespmem:v3+s19+$0x0 ss:$0x1] =	vst.idx.msk $0xffff, v4  }
0x6e: {  	v4 =	vld.idx.msk [tilespmem:v1+s30+$0x0 ss:$0x1], $0xffff  }
0x6f: {  	s31 =	sor.u32 $0xA0, s16;
	v5 =	vld.idx.msk [tilespmem:v2+s30+$0x0 ss:$0x1], $0xffff  }
0x70: {  	v42 =	vld.idx.msk [tilespmem:v1+s31+$0x0 ss:$0x1], $0xffff  }
0x71: {  	s21 =	sor.u32 $0x120, s16;
	v43 =	vld.idx.msk [tilespmem:v2+s31+$0x0 ss:$0x1], $0xffff  }
0x72: {  	v44 =	vld.idx.msk [tilespmem:v2+s21+$0x0 ss:$0x1], $0xffff  }
0x73: {  	s22 =	sor.u32 $0x1A0, s16;
	v45 =	vld.idx.msk [tilespmem:v1+s21+$0x0 ss:$0x1], $0xffff  }
0x74: {  	v46 =	vld.idx.msk [tilespmem:v2+s22+$0x0 ss:$0x1], $0xffff;
	_ =	sdelay $0x1  }
0x75: {  	s24 =	sor.u32 $0x200, s16;
	v47 =	vld.idx.msk [tilespmem:v1+s22+$0x0 ss:$0x1], $0xffff  }
0x76: {  	s25 =	sand.u32 $0x3FFFFE00, s24;
	v49 =	vld.idx.msk [tilespmem:v2+s24+$0x0 ss:$0x1], $0xffff;
	v5 =	vshll.u32 v5, $0x3;
	v7 =	vshll.u32 v43, $0x3  }
0x77: {  	v12 =	vld.idx.msk [tilespmem:v1+s25+$0x0 ss:$0x1], $0xffff;
	s22 =	sor.u32 $0x280, s16;
	v48 =	vshll.u32 v44, $0x3;
	v4 =	vshrl.u32 v4, v5;
	v5 =	vshrl.u32 v42, v7  }
0x78: {  	v50 =	vld.idx.msk [tilespmem:v1+s22+$0x0 ss:$0x1], $0xffff;
	v51 =	vshll.u32 v46, $0x3;
	v6 =	vshrl.u32 v45, v48;
	v5 =	vshll.u32 v5, $0x8  }
0x79: {  	s21 =	sor.u32 $0x300, s16;
	v52 =	vld.idx.msk [tilespmem:v2+s22+$0x0 ss:$0x1], $0xffff;
	v4 =	vand.u32 $0xFF, v4;
	v6 =	vshll.u32 v6, $0x10;
	v5 =	vand.u32 $0xFF00, v5  }
0x7a: {  	v54 =	vld.idx.msk [tilespmem:v2+s21+$0x0 ss:$0x1], $0xffff;
	v53 =	vshrl.u32 v47, v51;
	v4 =	vor.u32 v4, v5;
	v5 =	vand.u32 $0xFF0000, v6  }
0x7b: {  	s19 =	sor.u32 $0x380, s16;
	v55 =	vld.idx.msk [tilespmem:v1+s21+$0x0 ss:$0x1], $0xffff;
	v4 =	vor.u32 v5, v4;
	v5 =	vshll.u32 v53, $0x18  }
0x7c: {  	s23 =	sshra.s32 s23, $0x2;
	v4 =	vor.u32 v5, v4;
	v5 =	vld.idx.msk [tilespmem:v2+s19+$0x0 ss:$0x1], $0xffff  }
0x7d: {  	s26 =	sor.u32 $0x30, s16;
	[tilespmem:v3+s23+$0x0 ss:$0x1] =	vst.idx.msk $0xffff, v4;
	v4 =	vld.idx.msk [tilespmem:v1+s19+$0x0 ss:$0x1], $0xffff  }
0x7e: {  	v56 =	vld.idx.msk [tilespmem:v1+s26+$0x0 ss:$0x1], $0xffff  }
0x7f: {  	s28 =	sor.u32 $0xB0, s16;
	v7 =	vshll.u32 v49, $0x3;
	v10 =	vshll.u32 v52, $0x3;
	v13 =	vld.idx.msk [tilespmem:v2+s26+$0x0 ss:$0x1], $0xffff  }
0x80: {  	v9 =	vshll.u32 v54, $0x3;
	v7 =	vshrl.u32 v12, v7;
	v8 =	vshrl.u32 v50, v10;
	v57 =	vld.idx.msk [tilespmem:v1+s28+$0x0 ss:$0x1], $0xffff  }
0x81: {  	s29 =	sor.u32 $0x130, s16;
	v7 =	vand.u32 $0xFF, v7;
	v8 =	vshll.u32 v8, $0x8;
	v6 =	vshrl.u32 v55, v9;
	v58 =	vld.idx.msk [tilespmem:v2+s28+$0x0 ss:$0x1], $0xffff  }
0x82: {  	s30 =	sor.u32 $0x1B0, s16;
	v8 =	vand.u32 $0xFF00, v8;
	v6 =	vshll.u32 v6, $0x10;
	v59 =	vld.idx.msk [tilespmem:v2+s29+$0x0 ss:$0x1], $0xffff;
	v5 =	vshll.u32 v5, $0x3  }
0x83: {  	v7 =	vor.u32 v7, v8;
	v6 =	vand.u32 $0xFF0000, v6;
	v60 =	vld.idx.msk [tilespmem:v2+s30+$0x0 ss:$0x1], $0xffff;
	v4 =	vshrl.u32 v4, v5  }
0x84: {  	v6 =	vor.u32 v6, v7;
	v5 =	vld.idx.msk [tilespmem:v1+s29+$0x0 ss:$0x1], $0xffff;
	v4 =	vshll.u32 v4, $0x18  }
0x85: {  	s24 =	sshrl.u32 s24, $0x2;
	v4 =	vor.u32 v4, v6  }
0x86: {  	s31 =	sor.u32 $0x210, s16;
	v61 =	vld.idx.msk [tilespmem:v1+s30+$0x0 ss:$0x1], $0xffff;
	[tilespmem:v3+s24+$0x0 ss:$0x1] =	vst.idx.msk $0xffff, v4  }
0x87: {  	v62 =	vshll.u32 v58, $0x3;
	v15 =	vshll.u32 v59, $0x3;
	v63 =	vld.idx.msk [tilespmem:v1+s31+$0x0 ss:$0x1], $0xffff  }
0x88: {  	v7 =	vshll.u32 v60, $0x3;
	v8 =	vshrl.u32 v57, v62;
	v4 =	vshll.u32 v13, $0x3;
	s24 =	sor.u32 $0x290, s16;
	v16 =	vld.idx.msk [tilespmem:v2+s31+$0x0 ss:$0x1], $0xffff  }
0x89: {  	v8 =	vshll.u32 v8, $0x8;
	v4 =	vshrl.u32 v56, v4;
	v17 =	vld.idx.msk [tilespmem:v1+s24+$0x0 ss:$0x1], $0xffff;
	v5 =	vshrl.u32 v5, v15  }
0x8a: {  	s25 =	sor.u32 $0x310, s16;
	v8 =	vand.u32 $0xFF00, v8;
	v18 =	vld.idx.msk [tilespmem:v2+s24+$0x0 ss:$0x1], $0xffff;
	v4 =	vand.u32 $0xFF, v4;
	v5 =	vshll.u32 v5, $0x10  }
0x8b: {  	v6 =	vshrl.u32 v61, v7;
	v19 =	vld.idx.msk [tilespmem:v2+s25+$0x0 ss:$0x1], $0xffff;
	v4 =	vor.u32 v4, v8;
	v5 =	vand.u32 $0xFF0000, v5  }
0x8c: {  	s26 =	sor.u32 $0xC0, s16;
	s28 =	sor.u32 $0x390, s16;
	v20 =	vld.idx.msk [tilespmem:v1+s25+$0x0 ss:$0x1], $0xffff;
	v4 =	vor.u32 v5, v4;
	v5 =	vshll.u32 v6, $0x18  }
0x8d: {  	s25 =	sshra.s32 s26, $0x2;
	v4 =	vor.u32 v5, v4;
	v5 =	vld.idx.msk [tilespmem:v2+s28+$0x0 ss:$0x1], $0xffff  }
0x8e: {  	[tilespmem:v3+s25+$0x0 ss:$0x1] =	vst.idx.msk $0xffff, v4;
	v4 =	vld.idx.msk [tilespmem:v1+s28+$0x0 ss:$0x1], $0xffff  }
0x8f: {  	v21 =	vld.idx.msk [tilespmem:v1+s17+$0x0 ss:$0x1], $0xffff  }
0x90: {  	v11 =	vshll.u32 v16, $0x3;
	v12 =	vshll.u32 v18, $0x3;
	v22 =	vld.idx.msk [tilespmem:v2+s17+$0x0 ss:$0x1], $0xffff  }
0x91: {  	v7 =	vshll.u32 v19, $0x3;
	v9 =	vshrl.u32 v63, v11;
	v10 =	vshrl.u32 v17, v12;
	v23 =	vld.idx.msk [tilespmem:v1+s26+$0x0 ss:$0x1], $0xffff  }
0x92: {  	s24 =	sor.u32 $0x140, s16;
	v6 =	vshrl.u32 v20, v7;
	v9 =	vand.u32 $0xFF, v9;
	v10 =	vshll.u32 v10, $0x8;
	v24 =	vld.idx.msk [tilespmem:v2+s26+$0x0 ss:$0x1], $0xffff  }
0x93: {  	v6 =	vshll.u32 v6, $0x10;
	v25 =	vld.idx.msk [tilespmem:v2+s24+$0x0 ss:$0x1], $0xffff;
	s17 =	sor.u32 $0x1C0, s16;
	v10 =	vand.u32 $0xFF00, v10;
	v5 =	vshll.u32 v5, $0x3  }
0x94: {  	v6 =	vand.u32 $0xFF0000, v6;
	v26 =	vld.idx.msk [tilespmem:v2+s17+$0x0 ss:$0x1], $0xffff;
	v9 =	vor.u32 v9, v10;
	v4 =	vshrl.u32 v4, v5  }
0x95: {  	s23 =	sor.u32 $0x240, s16;
	v6 =	vor.u32 v6, v9;
	v5 =	vld.idx.msk [tilespmem:v1+s24+$0x0 ss:$0x1], $0xffff;
	v4 =	vshll.u32 v4, $0x18  }
0x96: {  	s29 =	sshrl.u32 s23, $0x2;
	v4 =	vor.u32 v4, v6  }
0x97: {  	s30 =	sor.u32 $0x220, s16;
	v27 =	vld.idx.msk [tilespmem:v1+s17+$0x0 ss:$0x1], $0xffff;
	[tilespmem:v3+s29+$0x0 ss:$0x1] =	vst.idx.msk $0xffff, v4  }
0x98: {  	v7 =	vshll.u32 v24, $0x3;
	v29 =	vshll.u32 v25, $0x3;
	v28 =	vld.idx.msk [tilespmem:v1+s30+$0x0 ss:$0x1], $0xffff  }
0x99: {  	s31 =	sor.u32 $0x2A0, s16;
	v7 =	vshrl.u32 v23, v7;
	v9 =	vshll.u32 v26, $0x3;
	v4 =	vshll.u32 v22, $0x3;
	v30 =	vld.idx.msk [tilespmem:v2+s30+$0x0 ss:$0x1], $0xffff  }
0x9a: {  	v7 =	vshll.u32 v7, $0x8;
	v4 =	vshrl.u32 v21, v4;
	v31 =	vld.idx.msk [tilespmem:v1+s31+$0x0 ss:$0x1], $0xffff;
	v5 =	vshrl.u32 v5, v29  }
0x9b: {  	s26 =	sor.u32 $0x320, s16;
	v7 =	vand.u32 $0xFF00, v7;
	v32 =	vld.idx.msk [tilespmem:v2+s31+$0x0 ss:$0x1], $0xffff;
	v4 =	vand.u32 $0xFF, v4;
	v5 =	vshll.u32 v5, $0x10  }
0x9c: {  	v6 =	vshrl.u32 v27, v9;
	v33 =	vld.idx.msk [tilespmem:v2+s26+$0x0 ss:$0x1], $0xffff;
	v4 =	vor.u32 v4, v7;
	v5 =	vand.u32 $0xFF0000, v5  }
0x9d: {  	s28 =	sor.u32 $0x3A0, s16;
	v34 =	vld.idx.msk [tilespmem:v1+s26+$0x0 ss:$0x1], $0xffff;
	v4 =	vor.u32 v5, v4;
	v5 =	vshll.u32 v6, $0x18  }
0x9e: {  	s18 =	sshra.s32 s18, $0x2;
	v4 =	vor.u32 v5, v4;
	v5 =	vld.idx.msk [tilespmem:v2+s28+$0x0 ss:$0x1], $0xffff  }
0x9f: {  	s29 =	sor.u32 $0x50, s16;
	[tilespmem:v3+s18+$0x0 ss:$0x1] =	vst.idx.msk $0xffff, v4;
	v4 =	vld.idx.msk [tilespmem:v1+s28+$0x0 ss:$0x1], $0xffff  }
0xa0: {  	v35 =	vld.idx.msk [tilespmem:v1+s29+$0x0 ss:$0x1], $0xffff  }
0xa1: {  	s30 =	sor.u32 $0xD0, s16;
	v11 =	vshll.u32 v30, $0x3;
	v12 =	vshll.u32 v32, $0x3;
	v36 =	vld.idx.msk [tilespmem:v2+s29+$0x0 ss:$0x1], $0xffff  }
0xa2: {  	v7 =	vshll.u32 v33, $0x3;
	v10 =	vshrl.u32 v28, v11;
	v8 =	vshrl.u32 v31, v12;
	v37 =	vld.idx.msk [tilespmem:v1+s30+$0x0 ss:$0x1], $0xffff  }
0xa3: {  	s31 =	sor.u32 $0x150, s16;
	v6 =	vshrl.u32 v34, v7;
	v10 =	vand.u32 $0xFF, v10;
	v8 =	vshll.u32 v8, $0x8;
	v38 =	vld.idx.msk [tilespmem:v2+s30+$0x0 ss:$0x1], $0xffff  }
0xa4: {  	s25 =	sor.u32 $0x1D0, s16;
	v6 =	vshll.u32 v6, $0x10;
	v39 =	vld.idx.msk [tilespmem:v2+s31+$0x0 ss:$0x1], $0xffff;
	v8 =	vand.u32 $0xFF00, v8;
	v5 =	vshll.u32 v5, $0x3  }
0xa5: {  	v40 =	vld.idx.msk [tilespmem:v2+s25+$0x0 ss:$0x1], $0xffff;
	v6 =	vand.u32 $0xFF0000, v6;
	v8 =	vor.u32 v10, v8;
	v4 =	vshrl.u32 v4, v5  }
0xa6: {  	v6 =	vor.u32 v6, v8;
	v5 =	vld.idx.msk [tilespmem:v1+s31+$0x0 ss:$0x1], $0xffff;
	v4 =	vshll.u32 v4, $0x18  }
0xa7: {  	s22 =	sshrl.u32 s22, $0x2;
	v4 =	vor.u32 v4, v6  }
0xa8: {  	s26 =	sor.u32 $0x230, s16;
	v41 =	vld.idx.msk [tilespmem:v1+s25+$0x0 ss:$0x1], $0xffff;
	[tilespmem:v3+s22+$0x0 ss:$0x1] =	vst.idx.msk $0xffff, v4  }
0xa9: {  	v7 =	vshll.u32 v38, $0x3;
	v43 =	vshll.u32 v39, $0x3;
	v42 =	vld.idx.msk [tilespmem:v1+s26+$0x0 ss:$0x1], $0xffff  }
0xaa: {  	s28 =	sor.u32 $0x2B0, s16;
	v8 =	vshll.u32 v40, $0x3;
	v7 =	vshrl.u32 v37, v7;
	v4 =	vshll.u32 v36, $0x3;
	v44 =	vld.idx.msk [tilespmem:v2+s26+$0x0 ss:$0x1], $0xffff  }
0xab: {  	v7 =	vshll.u32 v7, $0x8;
	v4 =	vshrl.u32 v35, v4;
	v45 =	vld.idx.msk [tilespmem:v1+s28+$0x0 ss:$0x1], $0xffff;
	v5 =	vshrl.u32 v5, v43  }
0xac: {  	s29 =	sor.u32 $0x330, s16;
	v7 =	vand.u32 $0xFF00, v7;
	v46 =	vld.idx.msk [tilespmem:v2+s28+$0x0 ss:$0x1], $0xffff;
	v4 =	vand.u32 $0xFF, v4;
	v5 =	vshll.u32 v5, $0x10  }
0xad: {  	v6 =	vshrl.u32 v41, v8;
	v47 =	vld.idx.msk [tilespmem:v2+s29+$0x0 ss:$0x1], $0xffff;
	v4 =	vor.u32 v4, v7;
	v5 =	vand.u32 $0xFF0000, v5  }
0xae: {  	s30 =	sor.u32 $0x3B0, s16;
	v48 =	vld.idx.msk [tilespmem:v1+s29+$0x0 ss:$0x1], $0xffff;
	v4 =	vor.u32 v5, v4;
	v5 =	vshll.u32 v6, $0x18  }
0xaf: {  	s31 =	sshra.s32 s24, $0x2;
	v4 =	vor.u32 v5, v4;
	v5 =	vld.idx.msk [tilespmem:v2+s30+$0x0 ss:$0x1], $0xffff  }
0xb0: {  	s24 =	sor.u32 $0x60, s16;
	[tilespmem:v3+s31+$0x0 ss:$0x1] =	vst.idx.msk $0xffff, v4;
	v4 =	vld.idx.msk [tilespmem:v1+s30+$0x0 ss:$0x1], $0xffff  }
0xb1: {  	v49 =	vld.idx.msk [tilespmem:v1+s24+$0x0 ss:$0x1], $0xffff  }
0xb2: {  	s25 =	sor.u32 $0xE0, s16;
	v11 =	vshll.u32 v44, $0x3;
	v12 =	vshll.u32 v46, $0x3;
	v50 =	vld.idx.msk [tilespmem:v2+s24+$0x0 ss:$0x1], $0xffff  }
0xb3: {  	v7 =	vshll.u32 v47, $0x3;
	v10 =	vshrl.u32 v42, v11;
	v9 =	vshrl.u32 v45, v12;
	v51 =	vld.idx.msk [tilespmem:v1+s25+$0x0 ss:$0x1], $0xffff  }
0xb4: {  	s26 =	sor.u32 $0x160, s16;
	v6 =	vshrl.u32 v48, v7;
	v10 =	vand.u32 $0xFF, v10;
	v9 =	vshll.u32 v9, $0x8;
	v52 =	vld.idx.msk [tilespmem:v2+s25+$0x0 ss:$0x1], $0xffff  }
0xb5: {  	s28 =	sor.u32 $0x1E0, s16;
	v6 =	vshll.u32 v6, $0x10;
	v53 =	vld.idx.msk [tilespmem:v2+s26+$0x0 ss:$0x1], $0xffff;
	v9 =	vand.u32 $0xFF00, v9;
	v5 =	vshll.u32 v5, $0x3  }
0xb6: {  	v54 =	vld.idx.msk [tilespmem:v2+s28+$0x0 ss:$0x1], $0xffff;
	v6 =	vand.u32 $0xFF0000, v6;
	v9 =	vor.u32 v10, v9;
	v4 =	vshrl.u32 v4, v5  }
0xb7: {  	s29 =	sor.u32 $0x2C0, s16;
	v6 =	vor.u32 v6, v9;
	v5 =	vld.idx.msk [tilespmem:v1+s26+$0x0 ss:$0x1], $0xffff;
	v4 =	vshll.u32 v4, $0x18  }
0xb8: {  	s30 =	sshrl.u32 s29, $0x2;
	v4 =	vor.u32 v4, v6  }
0xb9: {  	v55 =	vld.idx.msk [tilespmem:v1+s28+$0x0 ss:$0x1], $0xffff;
	[tilespmem:v3+s30+$0x0 ss:$0x1] =	vst.idx.msk $0xffff, v4  }
0xba: {  	v7 =	vshll.u32 v52, $0x3;
	v57 =	vshll.u32 v53, $0x3;
	v56 =	vld.idx.msk [tilespmem:v1+s23+$0x0 ss:$0x1], $0xffff  }
0xbb: {  	v60 =	vshll.u32 v54, $0x3;
	v7 =	vshrl.u32 v51, v7;
	v4 =	vshll.u32 v50, $0x3;
	v58 =	vld.idx.msk [tilespmem:v2+s23+$0x0 ss:$0x1], $0xffff  }
0xbc: {  	v7 =	vshll.u32 v7, $0x8;
	v4 =	vshrl.u32 v49, v4;
	v59 =	vld.idx.msk [tilespmem:v1+s29+$0x0 ss:$0x1], $0xffff;
	v5 =	vshrl.u32 v5, v57  }
0xbd: {  	s24 =	sor.u32 $0x340, s16;
	v7 =	vand.u32 $0xFF00, v7;
	v61 =	vld.idx.msk [tilespmem:v2+s29+$0x0 ss:$0x1], $0xffff;
	v4 =	vand.u32 $0xFF, v4;
	v5 =	vshll.u32 v5, $0x10  }
0xbe: {  	v6 =	vshrl.u32 v55, v60;
	v62 =	vld.idx.msk [tilespmem:v2+s24+$0x0 ss:$0x1], $0xffff;
	v4 =	vor.u32 v4, v7;
	v5 =	vand.u32 $0xFF0000, v5  }
0xbf: {  	s18 =	sor.u32 $0x3C0, s16;
	v63 =	vld.idx.msk [tilespmem:v1+s24+$0x0 ss:$0x1], $0xffff;
	v4 =	vor.u32 v5, v4;
	v5 =	vshll.u32 v6, $0x18  }
0xc0: {  	s20 =	sshra.s32 s20, $0x2;
	v16 =	vld.idx.msk [tilespmem:v1+s18+$0x0 ss:$0x1], $0xffff;
	v4 =	vor.u32 v5, v4  }
0xc1: {  	s31 =	sor.u32 $0x70, s16;
	v5 =	vld.idx.msk [tilespmem:v2+s18+$0x0 ss:$0x1], $0xffff;
	[tilespmem:v3+s20+$0x0 ss:$0x1] =	vst.idx.msk $0xffff, v4  }
0xc2: {  	v8 =	vld.idx.msk [tilespmem:v1+s31+$0x0 ss:$0x1], $0xffff  }
0xc3: {  	s22 =	sor.u32 $0xF0, s16;
	v17 =	vshll.u32 v61, $0x3;
	v4 =	vshll.u32 v58, $0x3;
	v9 =	vld.idx.msk [tilespmem:v2+s31+$0x0 ss:$0x1], $0xffff  }
0xc4: {  	v7 =	vshll.u32 v62, $0x3;
	v11 =	vshrl.u32 v59, v17;
	s20 =	sor.u32 $0x580, s16;
	v4 =	vshrl.u32 v56, v4;
	v10 =	vld.idx.msk [tilespmem:v1+s22+$0x0 ss:$0x1], $0xffff  }
0xc5: {  	v6 =	vshrl.u32 v63, v7;
	v33 =	vld.idx.msk [tilespmem:v2+s20+$0x0 ss:$0x1], $0xffff;
	v18 =	vand.u32 $0xFF, v4;
	v4 =	vshll.u32 v11, $0x8  }
0xc6: {  	s23 =	sor.u32 $0x170, s16;
	v6 =	vshll.u32 v6, $0x10;
	v11 =	vld.idx.msk [tilespmem:v2+s22+$0x0 ss:$0x1], $0xffff;
	v19 =	vand.u32 $0xFF00, v4;
	v5 =	vshll.u32 v5, $0x3  }
0xc7: {  	s31 =	sor.u32 $0x400, s16;
	v20 =	vand.u32 $0xFF0000, v6;
	v6 =	vld.idx.msk [tilespmem:v2+s23+$0x0 ss:$0x1], $0xffff;
	v7 =	vor.u32 v18, v19;
	v5 =	vshrl.u32 v16, v5  }
0xc8: {  	v25 =	vld.idx.msk [tilespmem:v2+s31+$0x0 ss:$0x1], $0xffff;
	v7 =	vor.u32 v20, v7;
	v21 =	vshll.u32 v5, $0x18  }
0xc9: {  	s21 =	sshrl.u32 s21, $0x2;
	s22 =	sor.u32 $0x480, s16;
	v4 =	vld.idx.msk [tilespmem:v1+s23+$0x0 ss:$0x1], $0xffff;
	v12 =	vor.u32 v21, v7  }
0xca: {  	s26 =	sor.u32 $0x250, s16;
	v26 =	vld.idx.msk [tilespmem:v1+s22+$0x0 ss:$0x1], $0xffff;
	[tilespmem:v3+s21+$0x0 ss:$0x1] =	vst.idx.msk $0xffff, v12  }
0xcb: {  	v12 =	vld.idx.msk [tilespmem:v1+s26+$0x0 ss:$0x1], $0xffff  }
0xcc: {  	s28 =	sor.u32 $0x2D0, s16;
	v22 =	vld.idx.msk [tilespmem:v2+s26+$0x0 ss:$0x1], $0xffff  }
0xcd: {  	v14 =	vld.idx.msk [tilespmem:v1+s28+$0x0 ss:$0x1], $0xffff  }
0xce: {  	s29 =	sor.u32 $0x350, s16;
	v15 =	vld.idx.msk [tilespmem:v2+s28+$0x0 ss:$0x1], $0xffff  }
0xcf: {  	s30 =	sor.u32 $0x3D0, s16;
	v16 =	vld.idx.msk [tilespmem:v2+s29+$0x0 ss:$0x1], $0xffff  }
0xd0: {  	v18 =	vld.idx.msk [tilespmem:v2+s30+$0x0 ss:$0x1], $0xffff  }
0xd1: {  	v17 =	vld.idx.msk [tilespmem:v1+s29+$0x0 ss:$0x1], $0xffff  }
0xd2: {  	v28 =	vld.idx.msk [tilespmem:v2+s22+$0x0 ss:$0x1], $0xffff  }
0xd3: {  	s23 =	sor.u32 $0x500, s16;
	v19 =	vld.idx.msk [tilespmem:v1+s30+$0x0 ss:$0x1], $0xffff  }
0xd4: {  	s25 =	sor.u32 $0x1F0, s16;
	v32 =	vld.idx.msk [tilespmem:v1+s23+$0x0 ss:$0x1], $0xffff;
	v13 =	vshll.u32 v22, $0x3;
	v15 =	vshll.u32 v15, $0x3  }
0xd5: {  	v5 =	vld.idx.msk [tilespmem:v1+s25+$0x0 ss:$0x1], $0xffff;
	v24 =	vshll.u32 v16, $0x3;
	v27 =	vshll.u32 v18, $0x3;
	v23 =	vshrl.u32 v14, v15  }
0xd6: {  	v7 =	vld.idx.msk [tilespmem:v2+s25+$0x0 ss:$0x1], $0xffff;
	v12 =	vshrl.u32 v12, v13;
	v14 =	vshrl.u32 v17, v24;
	v13 =	vshll.u32 v23, $0x8  }
0xd7: {  	s25 =	sand.u32 $0x3FFFFE00, s31;
	v21 =	vld.idx.msk [tilespmem:v2+s23+$0x0 ss:$0x1], $0xffff;
	v12 =	vand.u32 $0xFF, v12;
	v14 =	vshll.u32 v14, $0x10;
	v13 =	vand.u32 $0xFF00, v13  }
0xd8: {  	v20 =	vld.idx.msk [tilespmem:v1+s25+$0x0 ss:$0x1], $0xffff;
	v30 =	vshrl.u32 v19, v27;
	v29 =	vand.u32 $0xFF0000, v14;
	v12 =	vor.u32 v12, v13  }
0xd9: {  	v31 =	vshll.u32 v30, $0x18;
	v12 =	vor.u32 v29, v12  }
0xda: {  	s24 =	sshrl.u32 s24, $0x2;
	v34 =	vld.idx.msk [tilespmem:v1+s20+$0x0 ss:$0x1], $0xffff;
	v12 =	vor.u32 v31, v12  }
0xdb: {  	v38 =	vshll.u32 v33, $0x3;
	s26 =	sor.u32 $0x260, s16;
	v18 =	vshll.u32 v28, $0x3;
	[tilespmem:v3+s24+$0x0 ss:$0x1] =	vst.idx.msk $0xffff, v12  }
0xdc: {  	v35 =	vshll.u32 v21, $0x3;
	v15 =	vshll.u32 v25, $0x3;
	v18 =	vshrl.u32 v26, v18;
	v16 =	vld.idx.msk [tilespmem:v1+s26+$0x0 ss:$0x1], $0xffff  }
0xdd: {  	s28 =	sor.u32 $0x2E0, s16;
	v15 =	vshrl.u32 v20, v15;
	v36 =	vshll.u32 v18, $0x8;
	v14 =	vshrl.u32 v32, v35;
	v19 =	vld.idx.msk [tilespmem:v2+s26+$0x0 ss:$0x1], $0xffff  }
0xde: {  	v15 =	vand.u32 $0xFF, v15;
	v37 =	vand.u32 $0xFF00, v36;
	v14 =	vshll.u32 v14, $0x10;
	v17 =	vld.idx.msk [tilespmem:v1+s28+$0x0 ss:$0x1], $0xffff  }
0xdf: {  	s29 =	sor.u32 $0x360, s16;
	v20 =	vor.u32 v15, v37;
	v14 =	vand.u32 $0xFF0000, v14;
	v12 =	vshrl.u32 v34, v38;
	v18 =	vld.idx.msk [tilespmem:v2+s28+$0x0 ss:$0x1], $0xffff  }
0xe0: {  	v14 =	vor.u32 v14, v20;
	v13 =	vld.idx.msk [tilespmem:v1+s29+$0x0 ss:$0x1], $0xffff;
	v39 =	vshll.u32 v12, $0x18  }
0xe1: {  	s21 =	sshrl.u32 s31, $0x2;
	s30 =	sor.u32 $0x3E0, s16;
	v15 =	vld.idx.msk [tilespmem:v2+s29+$0x0 ss:$0x1], $0xffff;
	v20 =	vor.u32 v39, v14  }
0xe2: {  	s31 =	sor.u32 $0x410, s16;
	v12 =	vld.idx.msk [tilespmem:v1+s30+$0x0 ss:$0x1], $0xffff;
	[tilespmem:v3+s21+$0x0 ss:$0x1] =	vst.idx.msk $0xffff, v20  }
0xe3: {  	v20 =	vld.idx.msk [tilespmem:v1+s31+$0x0 ss:$0x1], $0xffff  }
0xe4: {  	s24 =	sor.u32 $0x490, s16;
	v40 =	vld.idx.msk [tilespmem:v2+s31+$0x0 ss:$0x1], $0xffff  }
0xe5: {  	v22 =	vld.idx.msk [tilespmem:v1+s24+$0x0 ss:$0x1], $0xffff  }
0xe6: {  	s25 =	sor.u32 $0x510, s16;
	v23 =	vld.idx.msk [tilespmem:v2+s24+$0x0 ss:$0x1], $0xffff  }
0xe7: {  	s26 =	sor.u32 $0x590, s16;
	v24 =	vld.idx.msk [tilespmem:v2+s25+$0x0 ss:$0x1], $0xffff  }
0xe8: {  	v26 =	vld.idx.msk [tilespmem:v2+s26+$0x0 ss:$0x1], $0xffff  }
0xe9: {  	v25 =	vld.idx.msk [tilespmem:v1+s25+$0x0 ss:$0x1], $0xffff  }
0xea: {  	v14 =	vld.idx.msk [tilespmem:v2+s30+$0x0 ss:$0x1], $0xffff  }
0xeb: {  	s28 =	sor.u32 $0x600, s16;
	v27 =	vld.idx.msk [tilespmem:v1+s26+$0x0 ss:$0x1], $0xffff  }
0xec: {  	s29 =	sand.u32 $0x3FFFFE00, s28;
	v43 =	vld.idx.msk [tilespmem:v2+s28+$0x0 ss:$0x1], $0xffff;
	v21 =	vshll.u32 v40, $0x3;
	v23 =	vshll.u32 v23, $0x3  }
0xed: {  	v28 =	vld.idx.msk [tilespmem:v1+s29+$0x0 ss:$0x1], $0xffff;
	s21 =	sor.u32 $0x780, s16;
	v42 =	vshll.u32 v24, $0x3;
	v45 =	vshll.u32 v26, $0x3;
	v41 =	vshrl.u32 v22, v23  }
0xee: {  	s25 =	sor.u32 $0x680, s16;
	v52 =	vld.idx.msk [tilespmem:v2+s21+$0x0 ss:$0x1], $0xffff;
	v20 =	vshrl.u32 v20, v21;
	v22 =	vshrl.u32 v25, v42;
	v21 =	vshll.u32 v41, $0x8  }
0xef: {  	v44 =	vld.idx.msk [tilespmem:v1+s25+$0x0 ss:$0x1], $0xffff;
	v20 =	vand.u32 $0xFF, v20;
	v22 =	vshll.u32 v22, $0x10;
	v21 =	vand.u32 $0xFF00, v21  }
0xf0: {  	s24 =	sor.u32 $0x700, s16;
	v46 =	vld.idx.msk [tilespmem:v2+s25+$0x0 ss:$0x1], $0xffff;
	v48 =	vshrl.u32 v27, v45;
	v47 =	vand.u32 $0xFF0000, v22;
	v20 =	vor.u32 v20, v21  }
0xf1: {  	s26 =	sor.u32 $0x440, s16;
	v49 =	vld.idx.msk [tilespmem:v2+s24+$0x0 ss:$0x1], $0xffff;
	v50 =	vshll.u32 v48, $0x18;
	v20 =	vor.u32 v47, v20  }
0xf2: {  	v51 =	vld.idx.msk [tilespmem:v1+s24+$0x0 ss:$0x1], $0xffff;
	s29 =	sshrl.u32 s26, $0x2;
	v20 =	vor.u32 v50, v20  }
0xf3: {  	s30 =	sor.u32 $0x420, s16;
	v53 =	vld.idx.msk [tilespmem:v1+s21+$0x0 ss:$0x1], $0xffff;
	[tilespmem:v3+s29+$0x0 ss:$0x1] =	vst.idx.msk $0xffff, v20  }
0xf4: {  	v54 =	vld.idx.msk [tilespmem:v1+s30+$0x0 ss:$0x1], $0xffff  }
0xf5: {  	s31 =	sor.u32 $0x4A0, s16;
	v23 =	vshll.u32 v43, $0x3;
	v26 =	vshll.u32 v46, $0x3;
	v55 =	vld.idx.msk [tilespmem:v2+s30+$0x0 ss:$0x1], $0xffff  }
0xf6: {  	v25 =	vshll.u32 v49, $0x3;
	v23 =	vshrl.u32 v28, v23;
	v24 =	vshrl.u32 v44, v26;
	v56 =	vld.idx.msk [tilespmem:v1+s31+$0x0 ss:$0x1], $0xffff  }
0xf7: {  	v23 =	vand.u32 $0xFF, v23;
	v24 =	vshll.u32 v24, $0x8;
	v22 =	vshrl.u32 v51, v25;
	v57 =	vld.idx.msk [tilespmem:v2+s31+$0x0 ss:$0x1], $0xffff;
	s30 =	sor.u32 $0x520, s16  }
0xf8: {  	v24 =	vand.u32 $0xFF00, v24;
	v22 =	vshll.u32 v22, $0x10;
	v21 =	vshll.u32 v52, $0x3;
	v58 =	vld.idx.msk [tilespmem:v2+s30+$0x0 ss:$0x1], $0xffff  }
0xf9: {  	v23 =	vor.u32 v23, v24;
	v22 =	vand.u32 $0xFF0000, v22;
	v20 =	vshrl.u32 v53, v21;
	s31 =	sor.u32 $0x5A0, s16;
	v59 =	vld.idx.msk [tilespmem:v1+s30+$0x0 ss:$0x1], $0xffff  }
0xfa: {  	v22 =	vor.u32 v22, v23;
	v20 =	vshll.u32 v20, $0x18;
	v60 =	vld.idx.msk [tilespmem:v2+s31+$0x0 ss:$0x1], $0xffff  }
0xfb: {  	s28 =	sshrl.u32 s28, $0x2;
	v20 =	vor.u32 v20, v22  }
0xfc: {  	v61 =	vld.idx.msk [tilespmem:v1+s31+$0x0 ss:$0x1], $0xffff;
	s30 =	sor.u32 $0x610, s16;
	[tilespmem:v3+s28+$0x0 ss:$0x1] =	vst.idx.msk $0xffff, v20  }
0xfd: {  	v63 =	vld.idx.msk [tilespmem:v1+s30+$0x0 ss:$0x1], $0xffff;
	v62 =	vshll.u32 v55, $0x3;
	v25 =	vshll.u32 v57, $0x3  }
0xfe: {  	s31 =	sor.u32 $0x690, s16;
	v31 =	vld.idx.msk [tilespmem:v2+s30+$0x0 ss:$0x1], $0xffff;
	v20 =	vshrl.u32 v54, v62;
	v25 =	vshrl.u32 v56, v25;
	v24 =	vshll.u32 v58, $0x3  }
0xff: {  	v32 =	vld.idx.msk [tilespmem:v1+s31+$0x0 ss:$0x1], $0xffff;
	v23 =	vshll.u32 v60, $0x3;
	v25 =	vshll.u32 v25, $0x8;
	v21 =	vshrl.u32 v59, v24  }
0x100: {  	s29 =	sor.u32 $0x710, s16;
	v33 =	vld.idx.msk [tilespmem:v2+s31+$0x0 ss:$0x1], $0xffff;
	v20 =	vand.u32 $0xFF, v20;
	v25 =	vand.u32 $0xFF00, v25;
	v21 =	vshll.u32 v21, $0x10  }
0x101: {  	v34 =	vld.idx.msk [tilespmem:v2+s29+$0x0 ss:$0x1], $0xffff;
	v22 =	vshrl.u32 v61, v23;
	v20 =	vor.u32 v20, v25;
	v21 =	vand.u32 $0xFF0000, v21  }
0x102: {  	v36 =	vld.idx.msk [tilespmem:v1+s29+$0x0 ss:$0x1], $0xffff;
	s30 =	sor.u32 $0x790, s16;
	v35 =	vshll.u32 v22, $0x18;
	v20 =	vor.u32 v21, v20  }
0x103: {  	s22 =	sshrl.u32 s22, $0x2;
	v37 =	vld.idx.msk [tilespmem:v2+s30+$0x0 ss:$0x1], $0xffff;
	v20 =	vor.u32 v35, v20  }
0x104: {  	s31 =	sor.u32 $0x430, s16;
	v38 =	vld.idx.msk [tilespmem:v1+s30+$0x0 ss:$0x1], $0xffff;
	[tilespmem:v3+s22+$0x0 ss:$0x1] =	vst.idx.msk $0xffff, v20  }
0x105: {  	v39 =	vld.idx.msk [tilespmem:v1+s31+$0x0 ss:$0x1], $0xffff  }
0x106: {  	s29 =	sor.u32 $0x4B0, s16;
	v26 =	vshll.u32 v31, $0x3;
	v27 =	vshll.u32 v33, $0x3;
	v40 =	vld.idx.msk [tilespmem:v2+s31+$0x0 ss:$0x1], $0xffff  }
0x107: {  	v23 =	vshll.u32 v34, $0x3;
	v26 =	vshrl.u32 v63, v26;
	v24 =	vshrl.u32 v32, v27;
	v41 =	vld.idx.msk [tilespmem:v1+s29+$0x0 ss:$0x1], $0xffff  }
0x108: {  	s30 =	sor.u32 $0x530, s16;
	v22 =	vshrl.u32 v36, v23;
	v26 =	vand.u32 $0xFF, v26;
	v24 =	vshll.u32 v24, $0x8;
	v42 =	vld.idx.msk [tilespmem:v2+s29+$0x0 ss:$0x1], $0xffff  }
0x109: {  	v22 =	vshll.u32 v22, $0x10;
	v21 =	vshll.u32 v37, $0x3;
	v24 =	vand.u32 $0xFF00, v24;
	v43 =	vld.idx.msk [tilespmem:v2+s30+$0x0 ss:$0x1], $0xffff  }
0x10a: {  	v22 =	vand.u32 $0xFF0000, v22;
	v24 =	vor.u32 v26, v24;
	v20 =	vshrl.u32 v38, v21;
	v44 =	vld.idx.msk [tilespmem:v1+s30+$0x0 ss:$0x1], $0xffff;
	s31 =	sor.u32 $0x5B0, s16  }
0x10b: {  	s28 =	sor.u32 $0x640, s16;
	v22 =	vor.u32 v22, v24;
	v20 =	vshll.u32 v20, $0x18;
	v45 =	vld.idx.msk [tilespmem:v2+s31+$0x0 ss:$0x1], $0xffff  }
0x10c: {  	s30 =	sshrl.u32 s28, $0x2;
	v20 =	vor.u32 v20, v22  }
0x10d: {  	v46 =	vld.idx.msk [tilespmem:v1+s31+$0x0 ss:$0x1], $0xffff;
	s31 =	sor.u32 $0x620, s16;
	[tilespmem:v3+s30+$0x0 ss:$0x1] =	vst.idx.msk $0xffff, v20  }
0x10e: {  	v48 =	vld.idx.msk [tilespmem:v1+s31+$0x0 ss:$0x1], $0xffff;
	v47 =	vshll.u32 v40, $0x3;
	v23 =	vshll.u32 v42, $0x3  }
0x10f: {  	s29 =	sor.u32 $0x6A0, s16;
	v50 =	vld.idx.msk [tilespmem:v2+s31+$0x0 ss:$0x1], $0xffff;
	v49 =	vshll.u32 v43, $0x3;
	v20 =	vshrl.u32 v39, v47;
	v23 =	vshrl.u32 v41, v23  }
0x110: {  	v51 =	vld.idx.msk [tilespmem:v1+s29+$0x0 ss:$0x1], $0xffff;
	v21 =	vshrl.u32 v44, v49;
	v24 =	vshll.u32 v45, $0x3;
	v23 =	vshll.u32 v23, $0x8  }
0x111: {  	s30 =	sor.u32 $0x720, s16;
	v52 =	vld.idx.msk [tilespmem:v2+s29+$0x0 ss:$0x1], $0xffff;
	v20 =	vand.u32 $0xFF, v20;
	v21 =	vshll.u32 v21, $0x10;
	v23 =	vand.u32 $0xFF00, v23  }
0x112: {  	v53 =	vld.idx.msk [tilespmem:v2+s30+$0x0 ss:$0x1], $0xffff;
	v22 =	vshrl.u32 v46, v24;
	v21 =	vand.u32 $0xFF0000, v21;
	v20 =	vor.u32 v20, v23  }
0x113: {  	s29 =	sor.u32 $0x4C0, s16;
	v55 =	vld.idx.msk [tilespmem:v1+s30+$0x0 ss:$0x1], $0xffff;
	s31 =	sor.u32 $0x7A0, s16;
	v54 =	vshll.u32 v22, $0x18;
	v20 =	vor.u32 v21, v20  }
0x114: {  	s30 =	sshrl.u32 s29, $0x2;
	v57 =	vld.idx.msk [tilespmem:v2+s31+$0x0 ss:$0x1], $0xffff;
	v56 =	vor.u32 v54, v20  }
0x115: {  	v19 =	vshll.u32 v19, $0x3;
	v58 =	vld.idx.msk [tilespmem:v1+s31+$0x0 ss:$0x1], $0xffff;
	[tilespmem:v3+s30+$0x0 ss:$0x1] =	vst.idx.msk $0xffff, v56  }
0x116: {  	v16 =	vshrl.u32 v16, v19;
	v60 =	vshll.u32 v50, $0x3;
	v61 =	vshll.u32 v52, $0x3;
	v59 =	vld.idx.msk [tilespmem:v1+s26+$0x0 ss:$0x1], $0xffff  }
0x117: {  	v24 =	vshrl.u32 v51, v61;
	v23 =	vshll.u32 v53, $0x3;
	v21 =	vshrl.u32 v48, v60;
	v62 =	vld.idx.msk [tilespmem:v2+s26+$0x0 ss:$0x1], $0xffff  }
0x118: {  	v24 =	vshll.u32 v24, $0x8;
	v22 =	vshrl.u32 v55, v23;
	v21 =	vand.u32 $0xFF, v21;
	v63 =	vld.idx.msk [tilespmem:v1+s29+$0x0 ss:$0x1], $0xffff  }
0x119: {  	s22 =	sor.u32 $0x5C0, s16;
	v24 =	vand.u32 $0xFF00, v24;
	v22 =	vshll.u32 v22, $0x10;
	v20 =	vshll.u32 v57, $0x3;
	v30 =	vld.idx.msk [tilespmem:v2+s29+$0x0 ss:$0x1], $0xffff  }
0x11a: {  	v21 =	vor.u32 v21, v24;
	v22 =	vand.u32 $0xFF0000, v22;
	v19 =	vshrl.u32 v58, v20;
	v33 =	vld.idx.msk [tilespmem:v1+s22+$0x0 ss:$0x1], $0xffff  }
0x11b: {  	v18 =	vshll.u32 v18, $0x3;
	s26 =	sor.u32 $0x540, s16;
	v21 =	vor.u32 v22, v21;
	v19 =	vshll.u32 v19, $0x18;
	v34 =	vld.idx.msk [tilespmem:v2+s22+$0x0 ss:$0x1], $0xffff  }
0x11c: {  	s25 =	sshrl.u32 s25, $0x2;
	v15 =	vshll.u32 v15, $0x3;
	v17 =	vshrl.u32 v17, v18;
	v31 =	vld.idx.msk [tilespmem:v1+s26+$0x0 ss:$0x1], $0xffff;
	v19 =	vor.u32 v19, v21  }
0x11d: {  	v13 =	vshrl.u32 v13, v15;
	v14 =	vshll.u32 v14, $0x3;
	v17 =	vshll.u32 v17, $0x8;
	s29 =	sor.u32 $0x630, s16;
	v32 =	vld.idx.msk [tilespmem:v2+s26+$0x0 ss:$0x1], $0xffff;
	[tilespmem:v3+s25+$0x0 ss:$0x1] =	vst.idx.msk $0xffff, v19  }
0x11e: {  	v16 =	vand.u32 $0xFF, v16;
	v13 =	vshll.u32 v13, $0x10;
	v17 =	vand.u32 $0xFF00, v17;
	v35 =	vld.idx.msk [tilespmem:v1+s29+$0x0 ss:$0x1], $0xffff  }
0x11f: {  	v12 =	vshrl.u32 v12, v14;
	v13 =	vand.u32 $0xFF0000, v13;
	v16 =	vor.u32 v16, v17;
	s30 =	sor.u32 $0x6B0, s16;
	v36 =	vld.idx.msk [tilespmem:v2+s29+$0x0 ss:$0x1], $0xffff  }
0x120: {  	v12 =	vshll.u32 v12, $0x18;
	v13 =	vor.u32 v13, v16;
	v19 =	vld.idx.msk [tilespmem:v1+s30+$0x0 ss:$0x1], $0xffff  }
0x121: {  	v12 =	vor.u32 v12, v13;
	s31 =	sor.u32 $0x730, s16;
	v40 =	vld.idx.msk [tilespmem:v2+s30+$0x0 ss:$0x1], $0xffff  }
0x122: {  	v41 =	vld.idx.msk [tilespmem:v2+s31+$0x0 ss:$0x1], $0xffff;
	v37 =	vshll.u32 v62, $0x3;
	v38 =	vshll.u32 v30, $0x3;
	v21 =	vshll.u32 v34, $0x3  }
0x123: {  	v42 =	vld.idx.msk [tilespmem:v1+s31+$0x0 ss:$0x1], $0xffff;
	s29 =	sor.u32 $0x7B0, s16;
	v13 =	vshrl.u32 v59, v37;
	v16 =	vshrl.u32 v63, v38;
	v39 =	vshll.u32 v32, $0x3  }
0x124: {  	v44 =	vld.idx.msk [tilespmem:v2+s29+$0x0 ss:$0x1], $0xffff;
	v15 =	vshrl.u32 v33, v21;
	v13 =	vand.u32 $0xFF, v13;
	v16 =	vshll.u32 v16, $0x8  }
0x125: {  	v18 =	vshrl.u32 v31, v39;
	v46 =	vshll.u32 v15, $0x18;
	v16 =	vand.u32 $0xFF00, v16  }
0x126: {  	s19 =	sshrl.u32 s19, $0x2;
	v47 =	vld.idx.msk [tilespmem:v1+s29+$0x0 ss:$0x1], $0xffff;
	v18 =	vshll.u32 v18, $0x10;
	v49 =	vshll.u32 v36, $0x3;
	v50 =	vshll.u32 v40, $0x3  }
0x127: {  	[tilespmem:v3+s19+$0x0 ss:$0x1] =	vst.idx.msk $0xffff, v12;
	s30 =	sor.u32 $0x270, s16;
	v51 =	vshll.u32 v41, $0x3;
	v13 =	vor.u32 v13, v16;
	v43 =	vand.u32 $0xFF0000, v18  }
0x128: {  	s31 =	sor.u32 $0x2F0, s16;
	v17 =	vld.idx.msk [tilespmem:v2+s30+$0x0 ss:$0x1], $0xffff;
	v14 =	vshrl.u32 v35, v49;
	v45 =	vor.u32 v43, v13;
	v13 =	vshrl.u32 v19, v50  }
0x129: {  	s25 =	sor.u32 $0x370, s16;
	v12 =	vld.idx.msk [tilespmem:v1+s31+$0x0 ss:$0x1], $0xffff;
	v18 =	vshll.u32 v44, $0x3;
	v19 =	vshrl.u32 v42, v51;
	v13 =	vshll.u32 v13, $0x8  }
0x12a: {  	v15 =	vld.idx.msk [tilespmem:v2+s25+$0x0 ss:$0x1], $0xffff;
	v52 =	vand.u32 $0xFF, v14;
	v19 =	vshll.u32 v19, $0x10;
	v53 =	vand.u32 $0xFF00, v13  }
0x12b: {  	v16 =	vld.idx.msk [tilespmem:v1+s30+$0x0 ss:$0x1], $0xffff;
	v18 =	vshrl.u32 v47, v18;
	v19 =	vand.u32 $0xFF0000, v19;
	v20 =	vor.u32 v52, v53  }
0x12c: {  	s23 =	sshrl.u32 s23, $0x2;
	s30 =	sor.u32 $0x6C0, s16;
	v14 =	vld.idx.msk [tilespmem:v2+s31+$0x0 ss:$0x1], $0xffff;
	v48 =	vor.u32 v46, v45;
	v18 =	vshll.u32 v18, $0x18;
	v19 =	vor.u32 v19, v20  }
0x12d: {  	s29 =	sor.u32 $0x450, s16;
	s31 =	sshrl.u32 s30, $0x2;
	v13 =	vld.idx.msk [tilespmem:v1+s25+$0x0 ss:$0x1], $0xffff;
	[tilespmem:v3+s23+$0x0 ss:$0x1] =	vst.idx.msk $0xffff, v48;
	v18 =	vor.u32 v18, v19  }
0x12e: {  	v54 =	vld.idx.msk [tilespmem:v1+s29+$0x0 ss:$0x1], $0xffff;
	[tilespmem:v3+s31+$0x0 ss:$0x1] =	vst.idx.msk $0xffff, v18  }
0x12f: {  	v18 =	vld.idx.msk [tilespmem:v1+s28+$0x0 ss:$0x1], $0xffff  }
0x130: {  	v55 =	vld.idx.msk [tilespmem:v2+s28+$0x0 ss:$0x1], $0xffff  }
0x131: {  	v56 =	vld.idx.msk [tilespmem:v1+s30+$0x0 ss:$0x1], $0xffff  }
0x132: {  	s23 =	sor.u32 $0x740, s16;
	v57 =	vld.idx.msk [tilespmem:v2+s30+$0x0 ss:$0x1], $0xffff  }
0x133: {  	s19 =	sor.u32 $0x7C0, s16;
	v58 =	vld.idx.msk [tilespmem:v2+s23+$0x0 ss:$0x1], $0xffff  }
0x134: {  	v60 =	vld.idx.msk [tilespmem:v2+s19+$0x0 ss:$0x1], $0xffff  }
0x135: {  	v59 =	vld.idx.msk [tilespmem:v1+s23+$0x0 ss:$0x1], $0xffff  }
0x136: {  	v21 =	vld.idx.msk [tilespmem:v2+s29+$0x0 ss:$0x1], $0xffff  }
0x137: {  	s29 =	sor.u32 $0x550, s16;
	v61 =	vld.idx.msk [tilespmem:v1+s19+$0x0 ss:$0x1], $0xffff  }
0x138: {  	v31 =	vld.idx.msk [tilespmem:v1+s29+$0x0 ss:$0x1], $0xffff;
	v19 =	vshll.u32 v55, $0x3;
	v23 =	vshll.u32 v57, $0x3  }
0x139: {  	v32 =	vld.idx.msk [tilespmem:v2+s29+$0x0 ss:$0x1], $0xffff;
	s28 =	sor.u32 $0x4D0, s16;
	v30 =	vshll.u32 v58, $0x3;
	v33 =	vshll.u32 v60, $0x3;
	v63 =	vshrl.u32 v56, v23  }
0x13a: {  	v62 =	vld.idx.msk [tilespmem:v1+s28+$0x0 ss:$0x1], $0xffff;
	v18 =	vshrl.u32 v18, v19;
	v22 =	vshrl.u32 v59, v30;
	v19 =	vshll.u32 v63, $0x8  }
0x13b: {  	s30 =	sor.u32 $0x5D0, s16;
	v29 =	vld.idx.msk [tilespmem:v2+s28+$0x0 ss:$0x1], $0xffff;
	v18 =	vand.u32 $0xFF, v18;
	v22 =	vshll.u32 v22, $0x10;
	v19 =	vand.u32 $0xFF00, v19  }
0x13c: {  	v35 =	vld.idx.msk [tilespmem:v1+s30+$0x0 ss:$0x1], $0xffff;
	v34 =	vshrl.u32 v61, v33;
	v22 =	vand.u32 $0xFF0000, v22;
	v18 =	vor.u32 v18, v19  }
0x13d: {  	s31 =	sor.u32 $0x3F0, s16;
	v36 =	vld.idx.msk [tilespmem:v2+s30+$0x0 ss:$0x1], $0xffff;
	v19 =	vshll.u32 v34, $0x18;
	v18 =	vor.u32 v22, v18  }
0x13e: {  	s24 =	sshrl.u32 s24, $0x2;
	v19 =	vor.u32 v19, v18;
	v18 =	vld.idx.msk [tilespmem:v1+s31+$0x0 ss:$0x1], $0xffff  }
0x13f: {  	s25 =	sor.u32 $0x650, s16;
	[tilespmem:v3+s24+$0x0 ss:$0x1] =	vst.idx.msk $0xffff, v19;
	v19 =	vld.idx.msk [tilespmem:v2+s31+$0x0 ss:$0x1], $0xffff  }
0x140: {  	v39 =	vld.idx.msk [tilespmem:v1+s25+$0x0 ss:$0x1], $0xffff  }
0x141: {  	v21 =	vshll.u32 v21, $0x3;
	s28 =	sor.u32 $0x6D0, s16;
	v37 =	vshll.u32 v29, $0x3;
	v40 =	vld.idx.msk [tilespmem:v2+s25+$0x0 ss:$0x1], $0xffff  }
0x142: {  	v20 =	vshrl.u32 v54, v21;
	v24 =	vshll.u32 v32, $0x3;
	v38 =	vshrl.u32 v62, v37;
	v41 =	vld.idx.msk [tilespmem:v2+s28+$0x0 ss:$0x1], $0xffff  }
0x143: {  	s29 =	sor.u32 $0x750, s16;
	v20 =	vand.u32 $0xFF, v20;
	v23 =	vshrl.u32 v31, v24;
	v21 =	vshll.u32 v38, $0x8;
	v43 =	vld.idx.msk [tilespmem:v1+s28+$0x0 ss:$0x1], $0xffff  }
0x144: {  	v23 =	vshll.u32 v23, $0x10;
	v21 =	vand.u32 $0xFF00, v21;
	v22 =	vshll.u32 v36, $0x3;
	s31 =	sor.u32 $0x7D0, s16;
	v45 =	vld.idx.msk [tilespmem:v2+s29+$0x0 ss:$0x1], $0xffff  }
0x145: {  	v42 =	vand.u32 $0xFF0000, v23;
	v20 =	vor.u32 v20, v21;
	v22 =	vshrl.u32 v35, v22;
	v47 =	vld.idx.msk [tilespmem:v2+s31+$0x0 ss:$0x1], $0xffff  }
0x146: {  	v20 =	vor.u32 v42, v20;
	v44 =	vshll.u32 v22, $0x18;
	v46 =	vld.idx.msk [tilespmem:v1+s29+$0x0 ss:$0x1], $0xffff  }
0x147: {  	v9 =	vshll.u32 v9, $0x3;
	s30 =	sshrl.u32 s26, $0x2;
	v20 =	vor.u32 v44, v20  }
0x148: {  	v11 =	vshll.u32 v11, $0x3;
	v8 =	vshrl.u32 v8, v9;
	s26 =	sor.u32 $0x460, s16;
	v49 =	vld.idx.msk [tilespmem:v1+s31+$0x0 ss:$0x1], $0xffff;
	[tilespmem:v3+s30+$0x0 ss:$0x1] =	vst.idx.msk $0xffff, v20  }
0x149: {  	v48 =	vshrl.u32 v10, v11;
	v51 =	vld.idx.msk [tilespmem:v1+s26+$0x0 ss:$0x1], $0xffff;
	v50 =	vshll.u32 v41, $0x3;
	v24 =	vshll.u32 v40, $0x3  }
0x14a: {  	s28 =	sor.u32 $0x4E0, s16;
	v52 =	vld.idx.msk [tilespmem:v2+s26+$0x0 ss:$0x1], $0xffff;
	v22 =	vshll.u32 v45, $0x3;
	v20 =	vshll.u32 v47, $0x3;
	v11 =	vshrl.u32 v43, v50  }
0x14b: {  	v53 =	vld.idx.msk [tilespmem:v2+s28+$0x0 ss:$0x1], $0xffff;
	v24 =	vshrl.u32 v39, v24;
	v21 =	vshrl.u32 v46, v22;
	v11 =	vshll.u32 v11, $0x8  }
0x14c: {  	s29 =	sor.u32 $0x560, s16;
	v54 =	vld.idx.msk [tilespmem:v1+s28+$0x0 ss:$0x1], $0xffff;
	v24 =	vand.u32 $0xFF, v24;
	v21 =	vshll.u32 v21, $0x10;
	v11 =	vand.u32 $0xFF00, v11  }
0x14d: {  	v55 =	vld.idx.msk [tilespmem:v2+s29+$0x0 ss:$0x1], $0xffff;
	v10 =	vshrl.u32 v49, v20;
	v21 =	vand.u32 $0xFF0000, v21;
	v11 =	vor.u32 v24, v11  }
0x14e: {  	v6 =	vshll.u32 v6, $0x3;
	s30 =	sor.u32 $0x5E0, s16;
	v56 =	vld.idx.msk [tilespmem:v1+s29+$0x0 ss:$0x1], $0xffff;
	v10 =	vshll.u32 v10, $0x18;
	v11 =	vor.u32 v21, v11  }
0x14f: {  	v4 =	vshrl.u32 v4, v6;
	v9 =	vshll.u32 v48, $0x8;
	s23 =	sshrl.u32 s23, $0x2;
	v58 =	vld.idx.msk [tilespmem:v2+s30+$0x0 ss:$0x1], $0xffff;
	v57 =	vor.u32 v10, v11  }
0x150: {  	v8 =	vand.u32 $0xFF, v8;
	v4 =	vshll.u32 v4, $0x10;
	v9 =	vand.u32 $0xFF00, v9;
	s31 =	sor.u32 $0x660, s16;
	v61 =	vld.idx.msk [tilespmem:v1+s30+$0x0 ss:$0x1], $0xffff;
	[tilespmem:v3+s23+$0x0 ss:$0x1] =	vst.idx.msk $0xffff, v57  }
0x151: {  	v4 =	vand.u32 $0xFF0000, v4;
	v8 =	vor.u32 v8, v9;
	v63 =	vld.idx.msk [tilespmem:v1+s31+$0x0 ss:$0x1], $0xffff  }
0x152: {  	v59 =	vshll.u32 v7, $0x3;
	s24 =	sor.u32 $0x6E0, s16;
	v60 =	vshll.u32 v53, $0x3;
	v62 =	vshll.u32 v52, $0x3;
	v24 =	vld.idx.msk [tilespmem:v2+s31+$0x0 ss:$0x1], $0xffff  }
0x153: {  	v20 =	vshll.u32 v55, $0x3;
	v7 =	vshrl.u32 v54, v60;
	v6 =	vshrl.u32 v51, v62;
	v25 =	vld.idx.msk [tilespmem:v1+s24+$0x0 ss:$0x1], $0xffff  }
0x154: {  	s25 =	sor.u32 $0x760, s16;
	v20 =	vshrl.u32 v56, v20;
	v7 =	vshll.u32 v7, $0x8;
	v6 =	vand.u32 $0xFF, v6;
	v27 =	vld.idx.msk [tilespmem:v2+s24+$0x0 ss:$0x1], $0xffff  }
0x155: {  	s26 =	sor.u32 $0x7E0, s16;
	v26 =	vshll.u32 v20, $0x10;
	v7 =	vand.u32 $0xFF00, v7;
	v10 =	vshll.u32 v58, $0x3;
	v28 =	vld.idx.msk [tilespmem:v2+s25+$0x0 ss:$0x1], $0xffff  }
0x156: {  	v6 =	vor.u32 v6, v7;
	v7 =	vand.u32 $0xFF0000, v26;
	v9 =	vshrl.u32 v61, v10;
	v31 =	vld.idx.msk [tilespmem:v2+s26+$0x0 ss:$0x1], $0xffff  }
0x157: {  	v5 =	vshrl.u32 v5, v59;
	v6 =	vor.u32 v7, v6;
	v29 =	vshll.u32 v9, $0x18;
	v30 =	vld.idx.msk [tilespmem:v1+s25+$0x0 ss:$0x1], $0xffff  }
0x158: {  	s20 =	sshrl.u32 s20, $0x2;
	v4 =	vor.u32 v4, v8;
	v5 =	vshll.u32 v5, $0x18;
	v6 =	vor.u32 v29, v6  }
0x159: {  	v4 =	vor.u32 v5, v4;
	s28 =	sor.u32 $0x470, s16;
	v32 =	vld.idx.msk [tilespmem:v1+s26+$0x0 ss:$0x1], $0xffff;
	[tilespmem:v3+s20+$0x0 ss:$0x1] =	vst.idx.msk $0xffff, v6  }
0x15a: {  	v5 =	vshll.u32 v17, $0x3;
	v33 =	vld.idx.msk [tilespmem:v1+s28+$0x0 ss:$0x1], $0xffff;
	v34 =	vshll.u32 v24, $0x3;
	v35 =	vshll.u32 v27, $0x3  }
0x15b: {  	s29 =	sor.u32 $0x4F0, s16;
	v36 =	vld.idx.msk [tilespmem:v2+s28+$0x0 ss:$0x1], $0xffff;
	v10 =	vshll.u32 v28, $0x3;
	v7 =	vshll.u32 v31, $0x3;
	v17 =	vshrl.u32 v25, v35  }
0x15c: {  	v37 =	vld.idx.msk [tilespmem:v1+s29+$0x0 ss:$0x1], $0xffff;
	v11 =	vshrl.u32 v63, v34;
	v9 =	vshrl.u32 v30, v10;
	v17 =	vshll.u32 v17, $0x8  }
0x15d: {  	s30 =	sor.u32 $0x570, s16;
	v38 =	vld.idx.msk [tilespmem:v2+s29+$0x0 ss:$0x1], $0xffff;
	v11 =	vand.u32 $0xFF, v11;
	v9 =	vshll.u32 v9, $0x10;
	v17 =	vand.u32 $0xFF00, v17  }
0x15e: {  	v39 =	vld.idx.msk [tilespmem:v1+s30+$0x0 ss:$0x1], $0xffff;
	v6 =	vshrl.u32 v32, v7;
	v9 =	vand.u32 $0xFF0000, v9;
	v11 =	vor.u32 v11, v17  }
0x15f: {  	v14 =	vshll.u32 v14, $0x3;
	s31 =	sor.u32 $0x5F0, s16;
	v40 =	vld.idx.msk [tilespmem:v2+s30+$0x0 ss:$0x1], $0xffff;
	v6 =	vshll.u32 v6, $0x18;
	v9 =	vor.u32 v9, v11  }
0x160: {  	s21 =	sshrl.u32 s21, $0x2;
	v12 =	vshrl.u32 v12, v14;
	v42 =	vld.idx.msk [tilespmem:v1+s31+$0x0 ss:$0x1], $0xffff;
	v6 =	vor.u32 v6, v9  }
0x161: {  	v5 =	vshrl.u32 v16, v5;
	v41 =	vshll.u32 v15, $0x3;
	s23 =	sor.u32 $0x670, s16;
	v43 =	vld.idx.msk [tilespmem:v2+s31+$0x0 ss:$0x1], $0xffff;
	[tilespmem:v3+s21+$0x0 ss:$0x1] =	vst.idx.msk $0xffff, v6  }
0x162: {  	v12 =	vshll.u32 v12, $0x8;
	v5 =	vand.u32 $0xFF, v5;
	v13 =	vshrl.u32 v13, v41;
	v47 =	vld.idx.msk [tilespmem:v1+s23+$0x0 ss:$0x1], $0xffff  }
0x163: {  	v44 =	vand.u32 $0xFF00, v12;
	v46 =	vshll.u32 v19, $0x3;
	v45 =	vshll.u32 v13, $0x10;
	s24 =	sor.u32 $0x6F0, s16;
	v50 =	vld.idx.msk [tilespmem:v2+s23+$0x0 ss:$0x1], $0xffff  }
0x164: {  	v5 =	vor.u32 v5, v44;
	v49 =	vshrl.u32 v18, v46;
	v48 =	vand.u32 $0xFF0000, v45;
	v52 =	vld.idx.msk [tilespmem:v2+s24+$0x0 ss:$0x1], $0xffff  }
0x165: {  	v51 =	vshll.u32 v49, $0x18;
	v5 =	vor.u32 v48, v5;
	s25 =	sor.u32 $0x770, s16;
	v10 =	vshll.u32 v38, $0x3;
	v53 =	vld.idx.msk [tilespmem:v1+s24+$0x0 ss:$0x1], $0xffff  }
0x166: {  	s16 =	sor.u32 $0x7F0, s16;
	v16 =	vshll.u32 v36, $0x3;
	v10 =	vshrl.u32 v37, v10;
	v11 =	vshll.u32 v40, $0x3;
	v54 =	vld.idx.msk [tilespmem:v2+s25+$0x0 ss:$0x1], $0xffff  }
0x167: {  	v8 =	vshrl.u32 v33, v16;
	v10 =	vshll.u32 v10, $0x8;
	v7 =	vshrl.u32 v39, v11;
	v57 =	vld.idx.msk [tilespmem:v2+s16+$0x0 ss:$0x1], $0xffff  }
0x168: {  	v8 =	vand.u32 $0xFF, v8;
	v10 =	vand.u32 $0xFF00, v10;
	v7 =	vshll.u32 v7, $0x10;
	v55 =	vld.idx.msk [tilespmem:v1+s25+$0x0 ss:$0x1], $0xffff  }
0x169: {  	v58 =	vshll.u32 v43, $0x3;
	v56 =	vor.u32 v8, v10;
	v7 =	vand.u32 $0xFF0000, v7  }
0x16a: {  	v5 =	vor.u32 v51, v5;
	v60 =	vld.idx.msk [tilespmem:v1+s16+$0x0 ss:$0x1], $0xffff;
	v6 =	vor.u32 v7, v56;
	v7 =	vshrl.u32 v42, v58  }
0x16b: {  	v7 =	vshll.u32 v7, $0x18;
	v59 =	vshll.u32 v52, $0x3;
	v61 =	vshll.u32 v50, $0x3  }
0x16c: {  	v11 =	vshll.u32 v54, $0x3;
	v8 =	vshll.u32 v57, $0x3;
	v9 =	vshrl.u32 v53, v59  }
0x16d: {  	p0 =	slt.u32 s15, $0x1C;
	v12 =	vshrl.u32 v47, v61;
	v11 =	vshrl.u32 v55, v11;
	v9 =	vshll.u32 v9, $0x8  }
.Ltmp6:
0x16e: {  	s26 =	sshra.s32 s17, $0x2;
	v12 =	vand.u32 $0xFF, v12;
	v11 =	vshll.u32 v11, $0x10;
	v9 =	vand.u32 $0xFF00, v9;
	(pc) =	sbr.rel @p0 .LBB2_8-.Ltmp6, $4  }
0x16f: {  	[tilespmem:v3+s26+$0x0 ss:$0x1] =	vst.idx.msk $0xffff, v4;
	s28 =	sshrl.u32 s18, $0x2;
	v4 =	vshrl.u32 v60, v8;
	v62 =	vand.u32 $0xFF0000, v11;
	v9 =	vor.u32 v12, v9  }
0x170: {  	s29 =	sshrl.u32 s22, $0x2;
	[tilespmem:v3+s28+$0x0 ss:$0x1] =	vst.idx.msk $0xffff, v5;
	v5 =	vor.u32 v7, v6;
	v4 =	vshll.u32 v4, $0x18;
	v63 =	vor.u32 v62, v9  }
0x171: {  	s30 =	sshrl.u32 s19, $0x2;
	s31 =	sadd.s32 $0x4, s15;
	[tilespmem:v3+s29+$0x0 ss:$0x1] =	vst.idx.msk $0xffff, v5;
	v4 =	vor.u32 v4, v63  }
0x172: {  	s15 =	smov.u32 s31;
	[tilespmem:v3+s30+$0x0 ss:$0x1] =	vst.idx.msk $0xffff, v4  }
.Ltmp7:
0x173: {  	(pc) =	sbr.rel .LBB2_10-.Ltmp7, $4  }
0x174: {  	_ = 	snop  }
0x175: {  	s15 =	sshrl.u32 s13, $0x2;
	s31 =	sshrl.u32 s13, $0x5  }
0x176: {  	s13 =	sadd.s32 s31, s4;
	s15 =	sand.u32 $0x7, s15  }
0x177: {  	[hbm4b:s13+s15] =	stream.linear.scatter [tilespmem:s14], [sflag:$0x4], $0x1000, $0x38;
	[tilespmem:$0x16000] =	vst v63  }
.LBB2_12:
0x178: {  	s2 =	simm.s32 $0x4  }
0x179: {  	_ =	swait.ge [sflag:s2], $0x1000  }
0x17a: {  	[sflag:s2] =	ssyncset.done $0x0  }
0x17b: {  	[sflag:s2] =	ssyncadd.s32 $0xFFFFF000  }
0x17c: {  	_ =	sfence.sel $0x180000  }
0x17d: {  	s3 =	simm.s32 $0x2;
	[bflag:$0x0] =	sbarrier.arrive $0xFFFF  }
0x17e: {  	s30 =	simm.s32 $0x3;
	[sflag:s3] =	ssyncpa.u1 $0x1  }
0x17f: {  	[sflag:s30] =	ssyncpa.u1 $0x1  }
0x180: {  	s31 =	simm.s32 $0x1;
	[sflag:s2] =	ssyncpa.u1 $0x1  }
0x181: {  	[sflag:s31] =	ssyncpa.u1 $0x1  }
0x182: {  	p0 =	sne.s32 s1, $0x0;
	_ =	strace $0x90000047  }
0x183: {  	s0 =	sadd.s32 @!p0 $0x100000, s0;
	[bflag:$0x2] =	sbarrier.arrive $0xFFFF  }
0x184: {  	[sflag:s0] =	ssyncadd.tile.s32 @!p0 $0x1;
	_ =	shalt  }
.Lfunc_end2:
_tile_overlayer_lowered:
.L_overlay_start_2:
0x185: {  	(tag) =	ssettag $0x2  }
0x186: {  	s0 =	rddreg [dreg:$0x0];
	s2 =	stileid.u32  }
0x187: {  	s1 =	rddreg [dreg:$0x1];
	p0 =	sne.s32 s2, $0x0  }
0x188: {  	s3 =	rddreg [dreg:$0x2];
	[bflag:$0x3] =	sbarrier.arrive $0xFFFF;
	s2 =	simm.s32 @!p0 $0x1C01  }
0x189: {  	[timem:s3], [sflag:s2] =	dma.local @!p0 [hbm:s0], s1  }
0x18a: {  	s0 =	simm.s32 @!p0 $0x1  }
0x18b: {  	_ =	swait.ge @!p0 [sflag:s0], s1  }
0x18c: {  	s1 =	ssub.s32 @!p0 $0x0, s1;
	[sflag:s0] =	ssyncset.done @!p0 $0x0  }
0x18d: {  	[sflag:s0] =	ssyncadd.s32 @!p0 s1  }
0x18e: {  	[bflag:$0x3] =	sbarrier.arrive $0xFFFF  }
0x18f: {  	_ =	shalt  }

// kernel: kernel.6.cloned.1.call-start
scs
__scs_entry_jumppad:
0x0: {  	(pc) =	sbr.rel $0x88, $3  }
0x1: {  	(tag) =	ssettag $0x0;
	lr =	simm.s32 $0x1  }
0x2: {  	[smem:$0x3F87] =	sst lr;
	_ =	strace $0xD0000000  }
0x3: {  	_ = 	snop  }
0x4: {  	_ = 	snop  }
0x5: {  	_ = 	snop  }
0x6: {  	_ = 	snop  }
0x7: {  	_ = 	snop  }
__scs_overlays_trampoline_lowered:
0x8: {  	[smem:$0x3F96] =	sst s0  }
0x9: {  	[smem:$0x3F97] =	sst s1  }
0xa: {  	[smem:$0x3F98] =	sst s2  }
0xb: {  	[smem:$0x3F99] =	sst s3  }
0xc: {  	[smem:$0x3F9A] =	sst s4  }
0xd: {  	[smem:$0x3F9B] =	sst s5  }
0xe: {  	[smem:$0x3F9C] =	sst s6  }
0xf: {  	[smem:$0x3F9D] =	sst s7  }
0x10: {  	[smem:$0x3F9E] =	sst s8  }
0x11: {  	[smem:$0x3F9F] =	sst s9;
	s0 =	simm.s32 @!p0 $0x0  }
0x12: {  	s1 =	sld [smem:$0x3F85];
	s0 =	simm.s32 @p0 $0x1  }
0x13: {  	[smem:$0x3FA0] =	sst s0;
	s0 =	simm.s32 @!p1 $0x0  }
0x14: {  	s2 =	sld [smem:$0x3F84];
	s0 =	simm.s32 @p1 $0x1  }
0x15: {  	[smem:$0x3FA1] =	sst s0;
	s0 =	simm.s32 @!p2 $0x0  }
0x16: {  	s3 =	sld [smem:$0x3FDB];
	s0 =	simm.s32 @p2 $0x1  }
0x17: {  	s4 =	simm.s32 $0x1BF5;
	[smem:$0x3FA3] =	sst s0  }
0x18: {  	s0 =	sld [smem:$0x3F86];
	_ =	swait.ge [sflag:s4], $0x0  }
0x19: {  	s7 =	sld [smem:$0x3F87]  }
0x1a: {  	s8 =	sadd.s32 $0xFFFFE003, lr  }
0x1b: {  	s9 =	sadd.s32 $0xFFFFFEF7, lr;
	s5 =	simm.s32 $0xFFFFFFFF;
	p2 =	slt.u32 s8, $0xFFFFF086  }
0x1c: {  	p1 =	slt.u32 s9, $0xF7A;
	s5 =	simm.s32 @!p2 $0x0  }
0x1d: {  	s5 =	simm.s32 @p1 $0x1;
	p0 =	seq.s32 s7, s2  }
0x1e: {  	s7 =	smul.u32 @!p0 $0xF7A, s2;
	p2 =	seq.s32 @!p0 s5, $0x0  }
0x1f: {  	s9 =	smul.u32 $0xF7A, s1;
	s8 =	simm.s32 @!p0 $0x1BF5;
	p2 =	por !p2, p0  }
0x20: {  	[sflag:s8] =	ssyncset.s32 @!p0 $0xFFFFF086;
	s6 =	sadd.s32 @!p0 s3, s7;
	s7 =	simm.s32 @!p0 $0x108  }
0x21: {  	s3 =	sadd.s32 s3, s9;
	s6 =	sadd.s32 @!p0 $0x88, s6;
	s7 =	simm.s32 @p2 $0x1082  }
0x22: {  	[simem:s7], [sflag:s8] =	dma.local @!p0 [hbm:s6], $0xF7A  }
0x23: {  	s9 =	sor.u32 $0xD0000000, s2;
	s6 =	simm.s32 $0x108;
	_ =	swait.ge @!p0 [sflag:s8], $0x0  }
0x24: {  	s3 =	sadd.s32 $0x88, s3;
	s6 =	simm.s32 @!p1 $0x1082;
	[sflag:s4] =	ssyncset.s32 $0xFFFFF086  }
0x25: {  	[simem:s6], [sflag:s4] =	dma.local [hbm:s3], $0xF7A  }
0x26: {  	[smem:$0x3F87] =	sst s1;
	(tag) =	ssettag s2;
	_ =	strace s9  }
0x27: {  	s1 =	sld [smem:$0x3F97]  }
0x28: {  	s2 =	sld [smem:$0x3F98]  }
0x29: {  	s4 =	sld [smem:$0x3F9A]  }
0x2a: {  	p0 =	seq.s32 s5, $0x0;
	s5 =	sld [smem:$0x3F9B]  }
0x2b: {  	s6 =	sld [smem:$0x3F9C]  }
0x2c: {  	s7 =	sld [smem:$0x3F9D]  }
0x2d: {  	s3 =	simm.s32 $0x108;
	s8 =	sld [smem:$0x3F9E]  }
0x2e: {  	s3 =	simm.s32 @!p0 $0x1082;
	s9 =	sld [smem:$0x3F9F]  }
0x2f: {  	lr =	sadd.s32 s0, s3;
	s0 =	sld [smem:$0x3F96]  }
0x30: {  	s3 =	sld [smem:$0x3F99]  }
0x31: {  	[smem:$0x3FA2] =	sst s10  }
0x32: {  	s10 =	sld [smem:$0x3FA0];
	_ =	sdelay $0x3  }
0x33: {  	p0 =	seq.s32 s10, $0x1;
	s10 =	sld [smem:$0x3FA2];
	_ =	sdelay $0x3  }
0x34: {  	[smem:$0x3FA2] =	sst s10  }
0x35: {  	s10 =	sld [smem:$0x3FA1];
	_ =	sdelay $0x3  }
0x36: {  	p1 =	seq.s32 s10, $0x1;
	s10 =	sld [smem:$0x3FA2];
	_ =	sdelay $0x3  }
0x37: {  	[smem:$0x3FA2] =	sst s10  }
0x38: {  	s10 =	sld [smem:$0x3FA3]  }
0x39: {  	_ = 	snop;
	(pc) =	sbr.ind lr, $3  }
0x3a: {  	_ = 	snop  }
0x3b: {  	_ = 	snop  }
0x3c: {  	p2 =	seq.s32 s10, $0x1;
	s10 =	sld [smem:$0x3FA2]  }
0x3d: {  	_ =	shalt  }
0x3e: {  	_ =	shalt  }
0x3f: {  	_ =	shalt  }
0x40: {  	_ =	shalt  }
0x41: {  	_ =	shalt  }
0x42: {  	_ =	shalt  }
0x43: {  	_ =	shalt  }
0x44: {  	_ =	shalt  }
0x45: {  	_ =	shalt  }
0x46: {  	_ =	shalt  }
0x47: {  	_ =	shalt  }
0x48: {  	_ =	shalt  }
0x49: {  	_ =	shalt  }
0x4a: {  	_ =	shalt  }
0x4b: {  	_ =	shalt  }
0x4c: {  	_ =	shalt  }
0x4d: {  	_ =	shalt  }
0x4e: {  	_ =	shalt  }
0x4f: {  	_ =	shalt  }
0x50: {  	_ =	shalt  }
0x51: {  	_ =	shalt  }
0x52: {  	_ =	shalt  }
0x53: {  	_ =	shalt  }
0x54: {  	_ =	shalt  }
0x55: {  	_ =	shalt  }
0x56: {  	_ =	shalt  }
0x57: {  	_ =	shalt  }
0x58: {  	_ =	shalt  }
0x59: {  	_ =	shalt  }
0x5a: {  	_ =	shalt  }
0x5b: {  	_ =	shalt  }
0x5c: {  	_ =	shalt  }
0x5d: {  	_ =	shalt  }
0x5e: {  	_ =	shalt  }
0x5f: {  	_ =	shalt  }
0x60: {  	_ =	shalt  }
0x61: {  	_ =	shalt  }
0x62: {  	_ =	shalt  }
0x63: {  	_ =	shalt  }
0x64: {  	_ =	shalt  }
0x65: {  	_ =	shalt  }
0x66: {  	_ =	shalt  }
0x67: {  	_ =	shalt  }
0x68: {  	_ =	shalt  }
0x69: {  	_ =	shalt  }
0x6a: {  	_ =	shalt  }
0x6b: {  	_ =	shalt  }
0x6c: {  	_ =	shalt  }
0x6d: {  	_ =	shalt  }
0x6e: {  	_ =	shalt  }
0x6f: {  	_ =	shalt  }
0x70: {  	_ =	shalt  }
0x71: {  	_ =	shalt  }
0x72: {  	_ =	shalt  }
0x73: {  	_ =	shalt  }
0x74: {  	_ =	shalt  }
0x75: {  	_ =	shalt  }
0x76: {  	_ =	shalt  }
0x77: {  	_ =	shalt  }
0x78: {  	_ =	shalt  }
0x79: {  	_ =	shalt  }
0x7a: {  	_ =	shalt  }
0x7b: {  	_ =	shalt  }
0x7c: {  	_ =	shalt  }
0x7d: {  	_ =	shalt  }
0x7e: {  	_ =	shalt  }
0x7f: {  	_ =	shalt  }
0x80: {  	_ =	shalt  }
0x81: {  	_ =	shalt  }
0x82: {  	_ =	shalt  }
0x83: {  	_ =	shalt  }
0x84: {  	_ =	shalt  }
0x85: {  	_ =	shalt  }
0x86: {  	_ =	shalt  }
0x87: {  	_ =	shalt  }
.Lfunc_end0:
.L_simem_size_0:
called_computation.1_lowered:
.L_overlay_start_0:
0x88: {  	s2 =	sld [smem:$0x3FD9]  }
0x89: {  	s3 =	sld [smem:$0x3FFE];
	_ =	sdelay $0x1  }
0x8a: {  	s1 =	srdreg.scid  }
0x8b: {  	s0 =	sand.u32 $0x1, s1  }
0x8c: {  	s17 =	sshll.u32 s0, $0xA;
	s2 =	sadd.s32 s3, s2  }
0x8d: {  	s2 =	sadd.s32 s2, s17  }
0x8e: {  	[smem:$0x3FAE] =	sst s2  }
0x8f: {  	_ = 	snop  }
0x90: {  	(tm) =	ssettm $0x1  }
0x91: {  	s18 =	sld [smem:$0x3FFB];
	_ =	sdelay $0x3  }
0x92: {  	_ =	strace s18  }
0x93: {  	s2 =	sld [smem:$0x3FFC];
	_ =	sdelay $0x3  }
0x94: {  	_ =	strace s2  }
0x95: {  	s2 =	sld [smem:$0x3FFD];
	_ =	sdelay $0x3  }
0x96: {  	_ =	strace s2  }
0x97: {  	_ =	strace $0x8FFFFFFF  }
0x98: {  	s19 =	sld [smem:$0x3FDB];
	_ =	sdelay $0x1  }
0x99: {  	s20 =	simm.s32 $_scs_section_size  }
0x9a: {  	s4 =	simm.s32 $_size__tile_overlayer_lowered;
	s5 =	simm.s32 $_tile_overlayer_lowered  }
0x9b: {  	s6 =	simm.s32 $0x1BFF;
	s21 =	sshll.u32 s5, $0x1;
	s3 =	sadd.s32 s20, s19  }
0x9c: {  	s22 =	simm.s32 $0x0;
	s4 =	sshll.u32 s4, $0x1;
	s5 =	sadd.s32 s21, s3  }
0x9d: {  	[timem:s22], [sflag:s6] =	dma.local [hbm:s5], s4  }
0x9e: {  	_ =	swait.ge [sflag:s6], s4  }
0x9f: {  	s4 =	ssub.s32 $0x0, s4;
	[sflag:s6] =	ssyncset.done $0x0  }
0xa0: {  	[sflag:s6] =	ssyncadd.s32 s4;
	_ =	sdelay $0x1  }
0xa1: {  	s23 =	simm.s32 $0x1B8B  }
0xa2: {  	_ =	swait.ge [sflag:s23], $0x1  }
0xa3: {  	[sflag:s23] =	ssyncset.done $0x0  }
0xa4: {  	[sflag:s23] =	ssyncadd.s32 $0xFFFFFFFF  }
0xa5: {  	s4 =	sld [smem:$0x0]  }
0xa6: {  	s5 =	sand.u32 $0xFFFFFFFE, s1  }
0xa7: {  	p0 =	sne.s32 s1, s5  }
0xa8: {  	s5 =	sshll.u32 @p0 s5, $0xE  }
0xa9: {  	s5 =	sadd.s32 @p0 $0x11B8D, s5;
	s6 =	sshll.u32 @p0 s4, $0x11  }
0xaa: {  	s5 =	sor.u32 @p0 s6, s5  }
0xab: {  	[sflag:s5] =	ssyncadd.remote.s32 @p0 $0x1;
	_ =	sdelay $0x1  }
0xac: {  	s5 =	simm.s32 @p0 $0x1B8D  }
0xad: {  	_ =	swait.eq @p0 [sflag:s5], $0x1  }
0xae: {  	[sflag:s5] =	ssyncadd.s32 @p0 $0xFFFFFFFF  }
0xaf: {  	s6 =	sshll.u32 @!p0 s1, $0xE  }
0xb0: {  	s6 =	sor.u32 @!p0 $0x4000, s6;
	s5 =	simm.s32 @!p0 $0x1B8D  }
0xb1: {  	s4 =	sshll.u32 @!p0 s4, $0x11;
	s6 =	sadd.s32 @!p0 $0x11B8D, s6;
	_ =	swait.eq @!p0 [sflag:s5], $0x1  }
0xb2: {  	s4 =	sor.u32 @!p0 s4, s6;
	[sflag:s5] =	ssyncadd.s32 @!p0 $0xFFFFFFFF  }
0xb3: {  	s25 =	simm.s32 $0x1B8E;
	s24 =	sld [smem:$0x3FFE];
	[sflag:s4] =	ssyncadd.remote.s32 @!p0 $0x1  }
0xb4: {  	s26 =	simm.s32 $execute0_lowered;
	[smem:$0x3FD2] =	sst s25  }
0xb5: {  	s5 =	sshll.u32 s26, $0x1;
	_ =	strace $0x80000049;
	[dreg:$0x1] =	wrdreg $0xFFFFFFFF  }
0xb6: {  	s28 =	simm.s32 $_size_execute0_lowered;
	s3 =	sadd.s32 s3, s5;
	[dreg:$0x0] =	wrdreg $0x0  }
0xb7: {  	s5 =	sshll.u32 s28, $0x1;
	[dreg:$0x2] =	wrdreg s3  }
0xb8: {  	[dreg:$0x3] =	wrdreg s5  }
0xb9: {  	[dreg:$0x4] =	wrdreg $0xC0  }
0xba: {  	_ =	task [dreg:s22], $0x5FFFF  }
0xbb: {  	[dreg:$0x1] =	wrdreg $0xFFFFFFFF  }
0xbc: {  	[dreg:$0x0] =	wrdreg $0x60  }
0xbd: {  	[dreg:$0x2] =	wrdreg s24  }
0xbe: {  	[dreg:$0x3] =	wrdreg $0xA  }
0xbf: {  	_ =	task.clear_ibuf [dreg:s22], $0x4FFFF;
	_ =	strace $0x90000049  }
0xc0: {  	s29 =	simm.s32 $0xA;
	_ =	strace $0x8000004B  }
0xc1: {  	_ =	swait.ge [sflag:s29], $0x1  }
0xc2: {  	[sflag:s29] =	ssyncadd.s32 $0xFFFFFFFF  }
0xc3: {  	_ =	strace $0x9000004B  }
0xc4: {  	_ =	sfence  }
0xc5: {  	s30 =	sld [smem:$0x0];
	_ =	sdelay $0x2  }
0xc6: {  	s31 =	sshll.u32 s1, $0xD;
	s1 =	sshrl.u32 s1, $0x2  }
0xc7: {  	s4 =	sand.u32 $0x4000, s31;
	s1 =	sadd.s32 s1, s30  }
0xc8: {  	s0 =	sor.u32 s4, s0;
	s1 =	sshll.u32 s1, $0x11  }
0xc9: {  	s0 =	sor.u32 s1, s0  }
0xca: {  	s0 =	sadd.s32 $0x8F2B, s0  }
0xcb: {  	[sflag:s0] =	ssyncadd.remote.s32 $0x1  }
0xcc: {  	_ =	sfence.sel $0xFFFF  }
0xcd: {  	[dreg:$0x0] =	wrdreg $0xFFFFFFFF;
	(pc) =	sbr.abs _section_cstart, $3  }
0xce: {  	[dreg:$0x1] =	wrdreg $0xFFFFFFFF  }
0xcf: {  	_ =	task.clear_ibuf [dreg:s22], $0x2FFFF;
	_ =	strace $0x9FFFFFFF  }
0xd0: {  	(tm) =	ssettm $0x7FFFFFFF  }
0xd1: {  	_ =	shalt  }
tec
execute0_lowered:
.L_overlay_start_1:
0x0: {  	(tag) =	ssettag $0x1  }
0x1: {  	s1 =	srdreg.scid  }
0x2: {  	s0 =	stileid.u32;
	s1 =	sand.u32 $0x1, s1  }
0x3: {  	s4 =	rddreg [dreg:$0x0];
	s2 =	sshll.u32 s0, $0xD;
	s3 =	sshll.u32 s1, $0xC  }
0x4: {  	s13 =	simm.s32 $0x80;
	s3 =	sor.u32 s3, s2;
	s2 =	simm.s32 $0x0  }
0x5: {  	s14 =	simm.s32 $0x900;
	s15 =	simm.s32 $0x1100;
	[smem:$0x7FF] =	sst s2  }
0x6: {  	s16 =	simm.s32 $0x1900;
	_ =	strace $0x8000004A;
	[dreg:$0x4] =	wrdreg s13  }
0x7: {  	s18 =	simm.s32 $0x2100;
	s19 =	simm.s32 $0x2900;
	[dreg:$0x5] =	wrdreg s14  }
0x8: {  	s20 =	simm.s32 $0x3100;
	s22 =	simm.s32 $0x3900;
	[dreg:$0x6] =	wrdreg s15  }
0x9: {  	s23 =	simm.s32 $0x4100;
	s24 =	simm.s32 $0x4900;
	[dreg:$0x7] =	wrdreg s16  }
0xa: {  	s25 =	simm.s32 $0x5100;
	s26 =	simm.s32 $0x5900;
	[dreg:$0x8] =	wrdreg s18  }
0xb: {  	s30 =	simm.s32 $0x6100;
	s8 =	simm.s32 $0x100;
	[dreg:$0x9] =	wrdreg s19  }
0xc: {  	s31 =	simm.s32 $0x6900;
	s9 =	simm.s32 $0x7100;
	[dreg:$0xa] =	wrdreg s20  }
0xd: {  	s10 =	simm.s32 $0x7900;
	s11 =	simm.s32 $0x1;
	[dreg:$0xb] =	wrdreg s22  }
0xe: {  	s12 =	simm.s32 $0x8100;
	s28 =	simm.s32 $0xF900;
	[dreg:$0xc] =	wrdreg s23  }
0xf: {  	s29 =	simm.s32 $0x0;
	s6 =	sshll.u32 s0, $0x12;
	[dreg:$0xd] =	wrdreg s24  }
0x10: {  	s6 =	sadd.s32 s6, s4;
	s17 =	ssub.s32 $0x2, s1;
	[dreg:$0xe] =	wrdreg s25  }
0x11: {  	s1 =	sshll.u32 s1, $0x11;
	s7 =	sshrl.u32 s17, $0x1;
	[dreg:$0xf] =	wrdreg s26  }
0x12: {  	s1 =	sadd.s32 s1, s6;
	s3 =	sshrl.u32 s3, $0x3;
	[dreg:$0x10] =	wrdreg s30  }
0x13: {  	s6 =	sadd.s32 $0x640000, s1;
	s3 =	sadd.s32 s3, s4;
	[dreg:$0x11] =	wrdreg s31  }
0x14: {  	s13 =	simm.s32 $0x8900;
	s14 =	simm.s32 $0x9100;
	s15 =	simm.s32 $0x9900  }
0x15: {  	s16 =	simm.s32 $0xA100;
	s18 =	simm.s32 $0xB100;
	s19 =	simm.s32 $0xB900  }
0x16: {  	s20 =	simm.s32 $0xC100;
	s22 =	simm.s32 $0xD100;
	s23 =	simm.s32 $0xD900  }
0x17: {  	s24 =	simm.s32 $0xE100;
	s25 =	simm.s32 $0xE900;
	s5 =	sadd.s32 $0x7E00, s3  }
0x18: {  	s26 =	simm.s32 $0xF100;
	s3 =	sadd.s32 $0x3E00, s3;
	[dreg:$0x2] =	wrdreg s5  }
0x19: {  	v2 =	vlaneseq.u32;
	[dreg:$0x3] =	wrdreg s3;
	s3 =	sadd.s32 $0x220000, s4;
	s5 =	ssub.s32 s17, s7  }
0x1a: {  	vm0 =	vmmov $0xffff;
	v1 =	vshrl.u32 v2, $0x3;
	s7 =	simm.s32 $0x2;
	s17 =	simm.s32 $0xA900;
	s21 =	smax.u32 s5, $0x1  }
0x1b: {  	v0 =	vand.u32 $0x7, v2;
	v2 =	vor.u32 $0x8, v2;
	v1 =	vmul.u32 $0x8, v1;
	s5 =	sadd.s32 $0x240000, s1;
	[dreg:$0x12] =	wrdreg s21;
	s21 =	simm.s32 $0xC900  }
.LBB2_1:
0x1c: {  	s30 =	smov.u32 s6;
	s31 =	smov.u32 s5;
	s1 =	simm.s32 $0x0  }
.LBB2_2:
0x1d: {  	s0 =	rddreg [dreg:$0x3]  }
0x1e: {  	s0 =	sadd.s32 s1, s0  }
0x1f: {  	[tilespmem:s2], [sflag:$0x2] =	stream.linear.gather [hbm4b:s0+s2], $0x80, $0x38;
	[tilespmem:$0x10100] =	vst v63  }
0x20: {  	_ =	swait.ge [sflag:s7], $0x80  }
0x21: {  	s0 =	rddreg [dreg:$0x2];
	[sflag:s7] =	ssyncset.done $0x0  }
0x22: {  	s4 =	rddreg [dreg:$0x4];
	[sflag:s7] =	ssyncadd.s32 $0xFFFFFF80;
	s0 =	sadd.s32 s1, s0  }
0x23: {  	[tilespmem:s4], [sflag:$0x2] =	stream.linear.gather [hbm4b:s0+s2], $0x80, $0x38;
	[tilespmem:$0x10100] =	vst v63  }
0x24: {  	_ =	swait.ge [sflag:s7], $0x80  }
0x25: {  	[sflag:s7] =	ssyncset.done $0x0  }
0x26: {  	[sflag:s7] =	ssyncadd.s32 $0xFFFFFF80  }
0x27: {  	v3 =	vld [tilespmem:$0x0];
	_ =	sdelay $0x4  }
0x28: {  	v4 =	vshll.u32 v3, $0x1  }
0x29: {  	v3 =	vand.u32 $0x7, v3;
	v4 =	vand.u32 $0xFFFFFFF0, v4  }
0x2a: {  	v3 =	vor.u32 v3, v4  }
0x2b: {  	v4 =	vperm.xlane v3, v0;
	_ =	sdelay $0x1  }
0x2c: {  	v3 =	vperm.xlane v3, v2;
	v4 =	vadd.s32 v1, v4;
	_ =	sdelay $0x1  }
0x2d: {  	v3 =	vadd.s32 v1, v3;
	_ =	sdelay $0x2  }
0x2e: {  	[tilespmem:s8], [sflag:$0x1] =	stream.indirect_vreg.gather [hbm4b:s3+s2], $0x80, v4, vm0, $0xb8;
	[tilespmem:$0x10100] =	vst v63  }
0x2f: {  	s4 =	rddreg [dreg:$0x5]  }
0x30: {  	[tilespmem:s4], [sflag:$0x1] =	stream.indirect_vreg.gather [hbm4b:s3+s2], $0x80, v3, vm0, $0xb8;
	[tilespmem:$0x10100] =	vst v63  }
0x31: {  	v3 =	vld [tilespmem:$0x10];
	_ =	sdelay $0x4  }
0x32: {  	v49 =	vshll.u32 v3, $0x1  }
0x33: {  	v3 =	vand.u32 $0x7, v3;
	v4 =	vand.u32 $0xFFFFFFF0, v49  }
0x34: {  	v3 =	vor.u32 v3, v4  }
0x35: {  	v4 =	vperm.xlane v3, v0;
	_ =	sdelay $0x1  }
0x36: {  	v3 =	vperm.xlane v3, v2;
	v4 =	vadd.s32 v1, v4;
	_ =	sdelay $0x1  }
0x37: {  	v3 =	vadd.s32 v1, v3;
	_ =	sdelay $0x1  }
0x38: {  	s0 =	rddreg [dreg:$0x6]  }
0x39: {  	[tilespmem:s0], [sflag:$0x1] =	stream.indirect_vreg.gather [hbm4b:s3+s2], $0x80, v4, vm0, $0xb8;
	[tilespmem:$0x10100] =	vst v63  }
0x3a: {  	s4 =	rddreg [dreg:$0x7]  }
0x3b: {  	[tilespmem:s4], [sflag:$0x1] =	stream.indirect_vreg.gather [hbm4b:s3+s2], $0x80, v3, vm0, $0xb8;
	[tilespmem:$0x10100] =	vst v63  }
0x3c: {  	v3 =	vld [tilespmem:$0x20];
	_ =	sdelay $0x4  }
0x3d: {  	v50 =	vshll.u32 v3, $0x1  }
0x3e: {  	v3 =	vand.u32 $0x7, v3;
	v4 =	vand.u32 $0xFFFFFFF0, v50  }
0x3f: {  	v3 =	vor.u32 v3, v4  }
0x40: {  	v4 =	vperm.xlane v3, v0;
	_ =	sdelay $0x1  }
0x41: {  	v3 =	vperm.xlane v3, v2;
	v4 =	vadd.s32 v1, v4;
	_ =	sdelay $0x1  }
0x42: {  	v3 =	vadd.s32 v1, v3;
	_ =	sdelay $0x1  }
0x43: {  	s0 =	rddreg [dreg:$0x8]  }
0x44: {  	[tilespmem:s0], [sflag:$0x1] =	stream.indirect_vreg.gather [hbm4b:s3+s2], $0x80, v4, vm0, $0xb8;
	[tilespmem:$0x10100] =	vst v63  }
0x45: {  	s4 =	rddreg [dreg:$0x9]  }
0x46: {  	[tilespmem:s4], [sflag:$0x1] =	stream.indirect_vreg.gather [hbm4b:s3+s2], $0x80, v3, vm0, $0xb8;
	[tilespmem:$0x10100] =	vst v63  }
0x47: {  	v3 =	vld [tilespmem:$0x30];
	_ =	sdelay $0x4  }
0x48: {  	v51 =	vshll.u32 v3, $0x1  }
0x49: {  	v3 =	vand.u32 $0x7, v3;
	v4 =	vand.u32 $0xFFFFFFF0, v51  }
0x4a: {  	v3 =	vor.u32 v3, v4  }
0x4b: {  	v4 =	vperm.xlane v3, v0;
	_ =	sdelay $0x1  }
0x4c: {  	v3 =	vperm.xlane v3, v2;
	v4 =	vadd.s32 v1, v4;
	_ =	sdelay $0x1  }
0x4d: {  	v3 =	vadd.s32 v1, v3;
	_ =	sdelay $0x1  }
0x4e: {  	s0 =	rddreg [dreg:$0xa]  }
0x4f: {  	[tilespmem:s0], [sflag:$0x1] =	stream.indirect_vreg.gather [hbm4b:s3+s2], $0x80, v4, vm0, $0xb8;
	[tilespmem:$0x10100] =	vst v63  }
0x50: {  	s4 =	rddreg [dreg:$0xb]  }
0x51: {  	[tilespmem:s4], [sflag:$0x1] =	stream.indirect_vreg.gather [hbm4b:s3+s2], $0x80, v3, vm0, $0xb8;
	[tilespmem:$0x10100] =	vst v63  }
0x52: {  	v3 =	vld [tilespmem:$0x40];
	_ =	sdelay $0x4  }
0x53: {  	v52 =	vshll.u32 v3, $0x1  }
0x54: {  	v3 =	vand.u32 $0x7, v3;
	v4 =	vand.u32 $0xFFFFFFF0, v52  }
0x55: {  	v3 =	vor.u32 v3, v4  }
0x56: {  	v4 =	vperm.xlane v3, v0;
	_ =	sdelay $0x1  }
0x57: {  	v3 =	vperm.xlane v3, v2;
	v4 =	vadd.s32 v1, v4;
	_ =	sdelay $0x1  }
0x58: {  	v3 =	vadd.s32 v1, v3;
	_ =	sdelay $0x1  }
0x59: {  	s0 =	rddreg [dreg:$0xc]  }
0x5a: {  	[tilespmem:s0], [sflag:$0x1] =	stream.indirect_vreg.gather [hbm4b:s3+s2], $0x80, v4, vm0, $0xb8;
	[tilespmem:$0x10100] =	vst v63  }
0x5b: {  	s4 =	rddreg [dreg:$0xd]  }
0x5c: {  	[tilespmem:s4], [sflag:$0x1] =	stream.indirect_vreg.gather [hbm4b:s3+s2], $0x80, v3, vm0, $0xb8;
	[tilespmem:$0x10100] =	vst v63  }
0x5d: {  	v3 =	vld [tilespmem:$0x50];
	_ =	sdelay $0x4  }
0x5e: {  	v53 =	vshll.u32 v3, $0x1  }
0x5f: {  	v3 =	vand.u32 $0x7, v3;
	v4 =	vand.u32 $0xFFFFFFF0, v53  }
0x60: {  	v3 =	vor.u32 v3, v4  }
0x61: {  	v4 =	vperm.xlane v3, v0;
	_ =	sdelay $0x1  }
0x62: {  	v3 =	vperm.xlane v3, v2;
	v4 =	vadd.s32 v1, v4;
	_ =	sdelay $0x1  }
0x63: {  	v3 =	vadd.s32 v1, v3;
	_ =	sdelay $0x1  }
0x64: {  	s0 =	rddreg [dreg:$0xe]  }
0x65: {  	[tilespmem:s0], [sflag:$0x1] =	stream.indirect_vreg.gather [hbm4b:s3+s2], $0x80, v4, vm0, $0xb8;
	[tilespmem:$0x10100] =	vst v63  }
0x66: {  	s4 =	rddreg [dreg:$0xf]  }
0x67: {  	[tilespmem:s4], [sflag:$0x1] =	stream.indirect_vreg.gather [hbm4b:s3+s2], $0x80, v3, vm0, $0xb8;
	[tilespmem:$0x10100] =	vst v63  }
0x68: {  	v3 =	vld [tilespmem:$0x60];
	_ =	sdelay $0x4  }
0x69: {  	v54 =	vshll.u32 v3, $0x1  }
0x6a: {  	v3 =	vand.u32 $0x7, v3;
	v4 =	vand.u32 $0xFFFFFFF0, v54  }
0x6b: {  	v3 =	vor.u32 v3, v4  }
0x6c: {  	v4 =	vperm.xlane v3, v0;
	_ =	sdelay $0x1  }
0x6d: {  	v3 =	vperm.xlane v3, v2;
	v4 =	vadd.s32 v1, v4;
	_ =	sdelay $0x1  }
0x6e: {  	v3 =	vadd.s32 v1, v3;
	_ =	sdelay $0x1  }
0x6f: {  	s0 =	rddreg [dreg:$0x10]  }
0x70: {  	[tilespmem:s0], [sflag:$0x1] =	stream.indirect_vreg.gather [hbm4b:s3+s2], $0x80, v4, vm0, $0xb8;
	[tilespmem:$0x10100] =	vst v63  }
0x71: {  	s4 =	rddreg [dreg:$0x11]  }
0x72: {  	[tilespmem:s4], [sflag:$0x1] =	stream.indirect_vreg.gather [hbm4b:s3+s2], $0x80, v3, vm0, $0xb8;
	[tilespmem:$0x10100] =	vst v63  }
0x73: {  	v3 =	vld [tilespmem:$0x70];
	_ =	sdelay $0x4  }
0x74: {  	v55 =	vshll.u32 v3, $0x1  }
0x75: {  	v3 =	vand.u32 $0x7, v3;
	v4 =	vand.u32 $0xFFFFFFF0, v55  }
0x76: {  	v3 =	vor.u32 v3, v4  }
0x77: {  	v4 =	vperm.xlane v3, v0;
	_ =	sdelay $0x1  }
0x78: {  	v3 =	vperm.xlane v3, v2;
	v4 =	vadd.s32 v1, v4;
	_ =	sdelay $0x1  }
0x79: {  	v3 =	vadd.s32 v1, v3;
	_ =	sdelay $0x2  }
0x7a: {  	[tilespmem:s9], [sflag:$0x1] =	stream.indirect_vreg.gather [hbm4b:s3+s2], $0x80, v4, vm0, $0xb8;
	[tilespmem:$0x10100] =	vst v63  }
0x7b: {  	_ = 	snop  }
0x7c: {  	[tilespmem:s10], [sflag:$0x1] =	stream.indirect_vreg.gather [hbm4b:s3+s2], $0x80, v3, vm0, $0xb8;
	[tilespmem:$0x10100] =	vst v63  }
0x7d: {  	_ =	swait.ge [sflag:s11], $0x8000  }
0x7e: {  	[sflag:s11] =	ssyncset.done $0x0  }
0x7f: {  	[sflag:s11] =	ssyncadd.s32 $0xFFFF8000  }
0x80: {  	v3 =	vld [tilespmem:$0x80];
	_ =	sdelay $0x4  }
0x81: {  	v56 =	vshll.u32 v3, $0x1  }
0x82: {  	v3 =	vand.u32 $0x7, v3;
	v4 =	vand.u32 $0xFFFFFFF0, v56  }
0x83: {  	v3 =	vor.u32 v3, v4  }
0x84: {  	v4 =	vperm.xlane v3, v0;
	_ =	sdelay $0x1  }
0x85: {  	v3 =	vperm.xlane v3, v2;
	v4 =	vadd.s32 v1, v4;
	_ =	sdelay $0x1  }
0x86: {  	v3 =	vadd.s32 v1, v3;
	_ =	sdelay $0x2  }
0x87: {  	[tilespmem:s12], [sflag:$0x1] =	stream.indirect_vreg.gather [hbm4b:s3+s2], $0x80, v4, vm0, $0xb8;
	[tilespmem:$0x10100] =	vst v63  }
0x88: {  	_ = 	snop  }
0x89: {  	[tilespmem:s13], [sflag:$0x1] =	stream.indirect_vreg.gather [hbm4b:s3+s2], $0x80, v3, vm0, $0xb8;
	[tilespmem:$0x10100] =	vst v63  }
0x8a: {  	v3 =	vld [tilespmem:$0x90];
	_ =	sdelay $0x4  }
0x8b: {  	v57 =	vshll.u32 v3, $0x1  }
0x8c: {  	v3 =	vand.u32 $0x7, v3;
	v4 =	vand.u32 $0xFFFFFFF0, v57  }
0x8d: {  	v3 =	vor.u32 v3, v4  }
0x8e: {  	v4 =	vperm.xlane v3, v0;
	_ =	sdelay $0x1  }
0x8f: {  	v3 =	vperm.xlane v3, v2;
	v4 =	vadd.s32 v1, v4;
	_ =	sdelay $0x1  }
0x90: {  	v3 =	vadd.s32 v1, v3;
	_ =	sdelay $0x2  }
0x91: {  	[tilespmem:s14], [sflag:$0x1] =	stream.indirect_vreg.gather [hbm4b:s3+s2], $0x80, v4, vm0, $0xb8;
	[tilespmem:$0x10100] =	vst v63  }
0x92: {  	_ = 	snop  }
0x93: {  	[tilespmem:s15], [sflag:$0x1] =	stream.indirect_vreg.gather [hbm4b:s3+s2], $0x80, v3, vm0, $0xb8;
	[tilespmem:$0x10100] =	vst v63  }
0x94: {  	v3 =	vld [tilespmem:$0xA0];
	_ =	sdelay $0x4  }
0x95: {  	v58 =	vshll.u32 v3, $0x1  }
0x96: {  	v3 =	vand.u32 $0x7, v3;
	v4 =	vand.u32 $0xFFFFFFF0, v58  }
0x97: {  	v3 =	vor.u32 v3, v4  }
0x98: {  	v4 =	vperm.xlane v3, v0;
	_ =	sdelay $0x1  }
0x99: {  	v3 =	vperm.xlane v3, v2;
	v4 =	vadd.s32 v1, v4;
	_ =	sdelay $0x1  }
0x9a: {  	v3 =	vadd.s32 v1, v3;
	_ =	sdelay $0x2  }
0x9b: {  	[tilespmem:s16], [sflag:$0x1] =	stream.indirect_vreg.gather [hbm4b:s3+s2], $0x80, v4, vm0, $0xb8;
	[tilespmem:$0x10100] =	vst v63  }
0x9c: {  	_ = 	snop  }
0x9d: {  	[tilespmem:s17], [sflag:$0x1] =	stream.indirect_vreg.gather [hbm4b:s3+s2], $0x80, v3, vm0, $0xb8;
	[tilespmem:$0x10100] =	vst v63  }
0x9e: {  	v3 =	vld [tilespmem:$0xB0];
	_ =	sdelay $0x4  }
0x9f: {  	v59 =	vshll.u32 v3, $0x1  }
0xa0: {  	v3 =	vand.u32 $0x7, v3;
	v4 =	vand.u32 $0xFFFFFFF0, v59  }
0xa1: {  	v3 =	vor.u32 v3, v4  }
0xa2: {  	v4 =	vperm.xlane v3, v0;
	_ =	sdelay $0x1  }
0xa3: {  	v3 =	vperm.xlane v3, v2;
	v4 =	vadd.s32 v1, v4;
	_ =	sdelay $0x1  }
0xa4: {  	v3 =	vadd.s32 v1, v3;
	_ =	sdelay $0x2  }
0xa5: {  	[tilespmem:s18], [sflag:$0x1] =	stream.indirect_vreg.gather [hbm4b:s3+s2], $0x80, v4, vm0, $0xb8;
	[tilespmem:$0x10100] =	vst v63  }
0xa6: {  	_ = 	snop  }
0xa7: {  	[tilespmem:s19], [sflag:$0x1] =	stream.indirect_vreg.gather [hbm4b:s3+s2], $0x80, v3, vm0, $0xb8;
	[tilespmem:$0x10100] =	vst v63  }
0xa8: {  	v3 =	vld [tilespmem:$0xC0];
	_ =	sdelay $0x4  }
0xa9: {  	v60 =	vshll.u32 v3, $0x1  }
0xaa: {  	v3 =	vand.u32 $0x7, v3;
	v4 =	vand.u32 $0xFFFFFFF0, v60  }
0xab: {  	v3 =	vor.u32 v3, v4  }
0xac: {  	v4 =	vperm.xlane v3, v0;
	_ =	sdelay $0x1  }
0xad: {  	v3 =	vperm.xlane v3, v2;
	v4 =	vadd.s32 v1, v4;
	_ =	sdelay $0x1  }
0xae: {  	v3 =	vadd.s32 v1, v3;
	_ =	sdelay $0x2  }
0xaf: {  	[tilespmem:s20], [sflag:$0x1] =	stream.indirect_vreg.gather [hbm4b:s3+s2], $0x80, v4, vm0, $0xb8;
	[tilespmem:$0x10100] =	vst v63  }
0xb0: {  	_ = 	snop  }
0xb1: {  	[tilespmem:s21], [sflag:$0x1] =	stream.indirect_vreg.gather [hbm4b:s3+s2], $0x80, v3, vm0, $0xb8;
	[tilespmem:$0x10100] =	vst v63  }
0xb2: {  	v3 =	vld [tilespmem:$0xD0];
	_ =	sdelay $0x4  }
0xb3: {  	v61 =	vshll.u32 v3, $0x1  }
0xb4: {  	v3 =	vand.u32 $0x7, v3;
	v4 =	vand.u32 $0xFFFFFFF0, v61  }
0xb5: {  	v3 =	vor.u32 v3, v4  }
0xb6: {  	v4 =	vperm.xlane v3, v0;
	_ =	sdelay $0x1  }
0xb7: {  	v3 =	vperm.xlane v3, v2;
	v4 =	vadd.s32 v1, v4;
	_ =	sdelay $0x1  }
0xb8: {  	v3 =	vadd.s32 v1, v3;
	_ =	sdelay $0x2  }
0xb9: {  	[tilespmem:s22], [sflag:$0x1] =	stream.indirect_vreg.gather [hbm4b:s3+s2], $0x80, v4, vm0, $0xb8;
	[tilespmem:$0x10100] =	vst v63  }
0xba: {  	_ = 	snop  }
0xbb: {  	[tilespmem:s23], [sflag:$0x1] =	stream.indirect_vreg.gather [hbm4b:s3+s2], $0x80, v3, vm0, $0xb8;
	[tilespmem:$0x10100] =	vst v63  }
0xbc: {  	v3 =	vld [tilespmem:$0xE0];
	_ =	sdelay $0x4  }
0xbd: {  	v62 =	vshll.u32 v3, $0x1  }
0xbe: {  	v3 =	vand.u32 $0x7, v3;
	v4 =	vand.u32 $0xFFFFFFF0, v62  }
0xbf: {  	v3 =	vor.u32 v3, v4  }
0xc0: {  	v4 =	vperm.xlane v3, v0;
	_ =	sdelay $0x1  }
0xc1: {  	v3 =	vperm.xlane v3, v2;
	v4 =	vadd.s32 v1, v4;
	_ =	sdelay $0x1  }
0xc2: {  	v3 =	vadd.s32 v1, v3;
	_ =	sdelay $0x2  }
0xc3: {  	[tilespmem:s24], [sflag:$0x1] =	stream.indirect_vreg.gather [hbm4b:s3+s2], $0x80, v4, vm0, $0xb8;
	[tilespmem:$0x10100] =	vst v63  }
0xc4: {  	_ = 	snop  }
0xc5: {  	[tilespmem:s25], [sflag:$0x1] =	stream.indirect_vreg.gather [hbm4b:s3+s2], $0x80, v3, vm0, $0xb8;
	[tilespmem:$0x10100] =	vst v63  }
0xc6: {  	v3 =	vld [tilespmem:$0xF0];
	_ =	sdelay $0x4  }
0xc7: {  	v63 =	vshll.u32 v3, $0x1  }
0xc8: {  	v3 =	vand.u32 $0x7, v3;
	v4 =	vand.u32 $0xFFFFFFF0, v63  }
0xc9: {  	v3 =	vor.u32 v3, v4  }
0xca: {  	v4 =	vperm.xlane v3, v0;
	_ =	sdelay $0x1  }
0xcb: {  	v3 =	vperm.xlane v3, v2;
	v4 =	vadd.s32 v1, v4;
	_ =	sdelay $0x1  }
0xcc: {  	v3 =	vadd.s32 v1, v3;
	_ =	sdelay $0x2  }
0xcd: {  	[tilespmem:s26], [sflag:$0x1] =	stream.indirect_vreg.gather [hbm4b:s3+s2], $0x80, v4, vm0, $0xb8;
	[tilespmem:$0x10100] =	vst v63  }
0xce: {  	_ = 	snop  }
0xcf: {  	[tilespmem:s28], [sflag:$0x1] =	stream.indirect_vreg.gather [hbm4b:s3+s2], $0x80, v3, vm0, $0xb8;
	[tilespmem:$0x10100] =	vst v63  }
0xd0: {  	_ =	swait.ge [sflag:s11], $0x8000  }
0xd1: {  	[sflag:s11] =	ssyncset.done $0x0  }
0xd2: {  	[sflag:s11] =	ssyncadd.s32 $0xFFFF8000  }
0xd3: {  	[hbm4b:s31+s2] =	stream.linear.scatter [tilespmem:s8], [sflag:$0x2], $0x8000, $0x38;
	[tilespmem:$0x10100] =	vst v63  }
0xd4: {  	_ =	swait.ge [sflag:s7], $0x8000  }
0xd5: {  	p0 =	sne.s32 s1, $0x1F0;
	[sflag:s7] =	ssyncset.done $0x0  }
.Ltmp0:
0xd6: {  	[sflag:s7] =	ssyncadd.s32 $0xFFFF8000;
	(pc) =	sbr.rel @p0 .LBB2_2-.Ltmp0, $4  }
0xd7: {  	[hbm4b:s30+s2] =	stream.linear.scatter [tilespmem:s12], [sflag:$0x2], $0x8000, $0x38;
	[tilespmem:$0x10100] =	vst v63  }
0xd8: {  	_ =	swait.ge [sflag:s7], $0x8000  }
0xd9: {  	s1 =	sadd.s32 $0x10, s1;
	[sflag:s7] =	ssyncset.done $0x0  }
0xda: {  	s31 =	sadd.s32 $0x1000, s31;
	s30 =	sadd.s32 $0x1000, s30;
	[sflag:s7] =	ssyncadd.s32 $0xFFFF8000  }
0xdb: {  	s29 =	sadd.s32 $0x1, s29;
	s0 =	rddreg [dreg:$0x12]  }
0xdc: {  	p0 =	sne.s32 s29, s0  }
.Ltmp1:
0xdd: {  	_ = 	snop;
	(pc) =	sbr.rel @p0 .LBB2_1-.Ltmp1, $1  }
0xde: {  	_ =	sdelay $0x3  }
0xdf: {  	_ =	sfence.sel $0x180000  }
0xe0: {  	[bflag:$0x0] =	sbarrier.arrive $0xFFFF  }
0xe1: {  	_ =	strace $0x9000004A  }
0xe2: {  	s0 =	stileid.u32;
	[bflag:$0x2] =	sbarrier.arrive $0xFFFF  }
0xe3: {  	p0 =	sne.s32 s0, $0x0;
	s0 =	rddreg [dreg:$0x1]  }
0xe4: {  	s0 =	sadd.s32 @!p0 $0x100000, s0  }
0xe5: {  	[sflag:s0] =	ssyncadd.tile.s32 @!p0 $0x1;
	_ =	shalt  }
.Lfunc_end2:
_tile_overlayer_lowered:
.L_overlay_start_2:
0xe6: {  	(tag) =	ssettag $0x2  }
0xe7: {  	s0 =	rddreg [dreg:$0x0];
	s2 =	stileid.u32  }
0xe8: {  	s1 =	rddreg [dreg:$0x1];
	p0 =	sne.s32 s2, $0x0  }
0xe9: {  	s3 =	rddreg [dreg:$0x2];
	[bflag:$0x3] =	sbarrier.arrive $0xFFFF;
	s2 =	simm.s32 @!p0 $0x1C02  }
0xea: {  	[timem:s3], [sflag:s2] =	dma.local @!p0 [hbm:s0], s1  }
0xeb: {  	s0 =	simm.s32 @!p0 $0x2  }
0xec: {  	_ =	swait.ge @!p0 [sflag:s0], s1  }
0xed: {  	s1 =	ssub.s32 @!p0 $0x0, s1;
	[sflag:s0] =	ssyncset.done @!p0 $0x0  }
0xee: {  	[sflag:s0] =	ssyncadd.s32 @!p0 s1  }
0xef: {  	[bflag:$0x3] =	sbarrier.arrive $0xFFFF  }
0xf0: {  	_ =	shalt  }

// kernel: kernel.9.cloned.1.call-start
scs
__scs_entry_jumppad:
0x0: {  	(pc) =	sbr.rel $0x88, $3  }
0x1: {  	(tag) =	ssettag $0x0;
	lr =	simm.s32 $0x1  }
0x2: {  	[smem:$0x3F87] =	sst lr;
	_ =	strace $0xD0000000  }
0x3: {  	_ = 	snop  }
0x4: {  	_ = 	snop  }
0x5: {  	_ = 	snop  }
0x6: {  	_ = 	snop  }
0x7: {  	_ = 	snop  }
__scs_overlays_trampoline_lowered:
0x8: {  	[smem:$0x3F96] =	sst s0  }
0x9: {  	[smem:$0x3F97] =	sst s1  }
0xa: {  	[smem:$0x3F98] =	sst s2  }
0xb: {  	[smem:$0x3F99] =	sst s3  }
0xc: {  	[smem:$0x3F9A] =	sst s4  }
0xd: {  	[smem:$0x3F9B] =	sst s5  }
0xe: {  	[smem:$0x3F9C] =	sst s6  }
0xf: {  	[smem:$0x3F9D] =	sst s7  }
0x10: {  	[smem:$0x3F9E] =	sst s8  }
0x11: {  	[smem:$0x3F9F] =	sst s9;
	s0 =	simm.s32 @!p0 $0x0  }
0x12: {  	s1 =	sld [smem:$0x3F85];
	s0 =	simm.s32 @p0 $0x1  }
0x13: {  	[smem:$0x3FA0] =	sst s0;
	s0 =	simm.s32 @!p1 $0x0  }
0x14: {  	s2 =	sld [smem:$0x3F84];
	s0 =	simm.s32 @p1 $0x1  }
0x15: {  	[smem:$0x3FA1] =	sst s0;
	s0 =	simm.s32 @!p2 $0x0  }
0x16: {  	s3 =	sld [smem:$0x3FDB];
	s0 =	simm.s32 @p2 $0x1  }
0x17: {  	s4 =	simm.s32 $0x1BF5;
	[smem:$0x3FA3] =	sst s0  }
0x18: {  	s0 =	sld [smem:$0x3F86];
	_ =	swait.ge [sflag:s4], $0x0  }
0x19: {  	s7 =	sld [smem:$0x3F87]  }
0x1a: {  	s8 =	sadd.s32 $0xFFFFE003, lr  }
0x1b: {  	s9 =	sadd.s32 $0xFFFFFEF7, lr;
	s5 =	simm.s32 $0xFFFFFFFF;
	p2 =	slt.u32 s8, $0xFFFFF086  }
0x1c: {  	p1 =	slt.u32 s9, $0xF7A;
	s5 =	simm.s32 @!p2 $0x0  }
0x1d: {  	s5 =	simm.s32 @p1 $0x1;
	p0 =	seq.s32 s7, s2  }
0x1e: {  	s7 =	smul.u32 @!p0 $0xF7A, s2;
	p2 =	seq.s32 @!p0 s5, $0x0  }
0x1f: {  	s9 =	smul.u32 $0xF7A, s1;
	s8 =	simm.s32 @!p0 $0x1BF5;
	p2 =	por !p2, p0  }
0x20: {  	[sflag:s8] =	ssyncset.s32 @!p0 $0xFFFFF086;
	s6 =	sadd.s32 @!p0 s3, s7;
	s7 =	simm.s32 @!p0 $0x108  }
0x21: {  	s3 =	sadd.s32 s3, s9;
	s6 =	sadd.s32 @!p0 $0x88, s6;
	s7 =	simm.s32 @p2 $0x1082  }
0x22: {  	[simem:s7], [sflag:s8] =	dma.local @!p0 [hbm:s6], $0xF7A  }
0x23: {  	s9 =	sor.u32 $0xD0000000, s2;
	s6 =	simm.s32 $0x108;
	_ =	swait.ge @!p0 [sflag:s8], $0x0  }
0x24: {  	s3 =	sadd.s32 $0x88, s3;
	s6 =	simm.s32 @!p1 $0x1082;
	[sflag:s4] =	ssyncset.s32 $0xFFFFF086  }
0x25: {  	[simem:s6], [sflag:s4] =	dma.local [hbm:s3], $0xF7A  }
0x26: {  	[smem:$0x3F87] =	sst s1;
	(tag) =	ssettag s2;
	_ =	strace s9  }
0x27: {  	s1 =	sld [smem:$0x3F97]  }
0x28: {  	s2 =	sld [smem:$0x3F98]  }
0x29: {  	s4 =	sld [smem:$0x3F9A]  }
0x2a: {  	p0 =	seq.s32 s5, $0x0;
	s5 =	sld [smem:$0x3F9B]  }
0x2b: {  	s6 =	sld [smem:$0x3F9C]  }
0x2c: {  	s7 =	sld [smem:$0x3F9D]  }
0x2d: {  	s3 =	simm.s32 $0x108;
	s8 =	sld [smem:$0x3F9E]  }
0x2e: {  	s3 =	simm.s32 @!p0 $0x1082;
	s9 =	sld [smem:$0x3F9F]  }
0x2f: {  	lr =	sadd.s32 s0, s3;
	s0 =	sld [smem:$0x3F96]  }
0x30: {  	s3 =	sld [smem:$0x3F99]  }
0x31: {  	[smem:$0x3FA2] =	sst s10  }
0x32: {  	s10 =	sld [smem:$0x3FA0];
	_ =	sdelay $0x3  }
0x33: {  	p0 =	seq.s32 s10, $0x1;
	s10 =	sld [smem:$0x3FA2];
	_ =	sdelay $0x3  }
0x34: {  	[smem:$0x3FA2] =	sst s10  }
0x35: {  	s10 =	sld [smem:$0x3FA1];
	_ =	sdelay $0x3  }
0x36: {  	p1 =	seq.s32 s10, $0x1;
	s10 =	sld [smem:$0x3FA2];
	_ =	sdelay $0x3  }
0x37: {  	[smem:$0x3FA2] =	sst s10  }
0x38: {  	s10 =	sld [smem:$0x3FA3]  }
0x39: {  	_ = 	snop;
	(pc) =	sbr.ind lr, $3  }
0x3a: {  	_ = 	snop  }
0x3b: {  	_ = 	snop  }
0x3c: {  	p2 =	seq.s32 s10, $0x1;
	s10 =	sld [smem:$0x3FA2]  }
0x3d: {  	_ =	shalt  }
0x3e: {  	_ =	shalt  }
0x3f: {  	_ =	shalt  }
0x40: {  	_ =	shalt  }
0x41: {  	_ =	shalt  }
0x42: {  	_ =	shalt  }
0x43: {  	_ =	shalt  }
0x44: {  	_ =	shalt  }
0x45: {  	_ =	shalt  }
0x46: {  	_ =	shalt  }
0x47: {  	_ =	shalt  }
0x48: {  	_ =	shalt  }
0x49: {  	_ =	shalt  }
0x4a: {  	_ =	shalt  }
0x4b: {  	_ =	shalt  }
0x4c: {  	_ =	shalt  }
0x4d: {  	_ =	shalt  }
0x4e: {  	_ =	shalt  }
0x4f: {  	_ =	shalt  }
0x50: {  	_ =	shalt  }
0x51: {  	_ =	shalt  }
0x52: {  	_ =	shalt  }
0x53: {  	_ =	shalt  }
0x54: {  	_ =	shalt  }
0x55: {  	_ =	shalt  }
0x56: {  	_ =	shalt  }
0x57: {  	_ =	shalt  }
0x58: {  	_ =	shalt  }
0x59: {  	_ =	shalt  }
0x5a: {  	_ =	shalt  }
0x5b: {  	_ =	shalt  }
0x5c: {  	_ =	shalt  }
0x5d: {  	_ =	shalt  }
0x5e: {  	_ =	shalt  }
0x5f: {  	_ =	shalt  }
0x60: {  	_ =	shalt  }
0x61: {  	_ =	shalt  }
0x62: {  	_ =	shalt  }
0x63: {  	_ =	shalt  }
0x64: {  	_ =	shalt  }
0x65: {  	_ =	shalt  }
0x66: {  	_ =	shalt  }
0x67: {  	_ =	shalt  }
0x68: {  	_ =	shalt  }
0x69: {  	_ =	shalt  }
0x6a: {  	_ =	shalt  }
0x6b: {  	_ =	shalt  }
0x6c: {  	_ =	shalt  }
0x6d: {  	_ =	shalt  }
0x6e: {  	_ =	shalt  }
0x6f: {  	_ =	shalt  }
0x70: {  	_ =	shalt  }
0x71: {  	_ =	shalt  }
0x72: {  	_ =	shalt  }
0x73: {  	_ =	shalt  }
0x74: {  	_ =	shalt  }
0x75: {  	_ =	shalt  }
0x76: {  	_ =	shalt  }
0x77: {  	_ =	shalt  }
0x78: {  	_ =	shalt  }
0x79: {  	_ =	shalt  }
0x7a: {  	_ =	shalt  }
0x7b: {  	_ =	shalt  }
0x7c: {  	_ =	shalt  }
0x7d: {  	_ =	shalt  }
0x7e: {  	_ =	shalt  }
0x7f: {  	_ =	shalt  }
0x80: {  	_ =	shalt  }
0x81: {  	_ =	shalt  }
0x82: {  	_ =	shalt  }
0x83: {  	_ =	shalt  }
0x84: {  	_ =	shalt  }
0x85: {  	_ =	shalt  }
0x86: {  	_ =	shalt  }
0x87: {  	_ =	shalt  }
.Lfunc_end0:
.L_simem_size_0:
called_computation.2_lowered:
.L_overlay_start_0:
0x88: {  	s2 =	sld [smem:$0x3FD9]  }
0x89: {  	s3 =	sld [smem:$0x3FFE];
	_ =	sdelay $0x1  }
0x8a: {  	s1 =	srdreg.scid  }
0x8b: {  	s0 =	sand.u32 $0x1, s1  }
0x8c: {  	s17 =	sshll.u32 s0, $0xA;
	s2 =	sadd.s32 s3, s2  }
0x8d: {  	s2 =	sadd.s32 s2, s17  }
0x8e: {  	[smem:$0x3FAE] =	sst s2  }
0x8f: {  	_ = 	snop  }
0x90: {  	s2 =	sld [smem:$0x3FD0];
	(tm) =	ssettm $0x1  }
0x91: {  	s18 =	sld [smem:$0x3FFB];
	_ =	sdelay $0x3  }
0x92: {  	_ =	strace s18  }
0x93: {  	s3 =	sld [smem:$0x3FFC];
	_ =	sdelay $0x3  }
0x94: {  	_ =	strace s3  }
0x95: {  	s3 =	sld [smem:$0x3FFD];
	_ =	sdelay $0x3  }
0x96: {  	_ =	strace s3  }
0x97: {  	_ =	strace $0x8FFFFFFF  }
0x98: {  	s19 =	sld [smem:$0x3FDB];
	_ =	sdelay $0x1  }
0x99: {  	s4 =	simm.s32 $_scs_section_size  }
0x9a: {  	s5 =	simm.s32 $_size__tile_overlayer_lowered;
	s6 =	simm.s32 $_tile_overlayer_lowered  }
0x9b: {  	s22 =	simm.s32 $0x1BFF;
	s21 =	sshll.u32 s6, $0x1;
	s3 =	sadd.s32 s4, s19  }
0x9c: {  	s7 =	simm.s32 $0x0;
	s20 =	sshll.u32 s5, $0x1;
	s5 =	sadd.s32 s21, s3  }
0x9d: {  	[timem:s7], [sflag:s22] =	dma.local [hbm:s5], s20  }
0x9e: {  	_ =	swait.ge [sflag:s22], s20  }
0x9f: {  	s4 =	ssub.s32 $0x0, s20;
	[sflag:s22] =	ssyncset.done $0x0  }
0xa0: {  	[sflag:s22] =	ssyncadd.s32 s4;
	_ =	sdelay $0x1  }
0xa1: {  	s23 =	simm.s32 $0x1B8B  }
0xa2: {  	_ =	swait.ge [sflag:s23], $0x1  }
0xa3: {  	[sflag:s23] =	ssyncset.done $0x0  }
0xa4: {  	s25 =	simm.s32 $0x1B8E;
	s24 =	sld [smem:$0x3FFE];
	[sflag:s23] =	ssyncadd.s32 $0xFFFFFFFF  }
0xa5: {  	s26 =	simm.s32 $execute0_lowered;
	[smem:$0x3FD2] =	sst s25  }
0xa6: {  	s5 =	sshll.u32 s26, $0x1;
	_ =	strace $0x8000004C;
	[dreg:$0x1] =	wrdreg $0xFFFFFFFF  }
0xa7: {  	s28 =	simm.s32 $_size_execute0_lowered;
	s3 =	sadd.s32 s3, s5;
	[dreg:$0x0] =	wrdreg $0x0  }
0xa8: {  	s5 =	sshll.u32 s28, $0x1;
	[dreg:$0x2] =	wrdreg s3  }
0xa9: {  	[dreg:$0x3] =	wrdreg s5  }
0xaa: {  	[dreg:$0x4] =	wrdreg $0xC0  }
0xab: {  	_ =	task [dreg:s7], $0x5FFFF  }
0xac: {  	[dreg:$0x1] =	wrdreg $0xFFFFFFFF  }
0xad: {  	[dreg:$0x0] =	wrdreg $0x60  }
0xae: {  	[dreg:$0x2] =	wrdreg s24  }
0xaf: {  	[dreg:$0x3] =	wrdreg s2  }
0xb0: {  	[dreg:$0x4] =	wrdreg $0x9  }
0xb1: {  	_ =	task.clear_ibuf [dreg:s7], $0x5FFFF;
	_ =	strace $0x9000004C  }
0xb2: {  	s29 =	simm.s32 $0x9;
	_ =	strace $0x8000004E  }
0xb3: {  	_ =	swait.ge [sflag:s29], $0x1  }
0xb4: {  	[sflag:s29] =	ssyncadd.s32 $0xFFFFFFFF  }
0xb5: {  	_ =	strace $0x9000004E  }
0xb6: {  	_ =	sfence  }
0xb7: {  	s30 =	sld [smem:$0x0];
	_ =	sdelay $0x2  }
0xb8: {  	s31 =	sshll.u32 s1, $0xD;
	s1 =	sshrl.u32 s1, $0x2  }
0xb9: {  	s3 =	sand.u32 $0x4000, s31;
	s1 =	sadd.s32 s1, s30  }
0xba: {  	s0 =	sor.u32 s3, s0;
	s1 =	sshll.u32 s1, $0x11  }
0xbb: {  	s0 =	sor.u32 s1, s0  }
0xbc: {  	s0 =	sadd.s32 $0x8F2B, s0  }
0xbd: {  	[sflag:s0] =	ssyncadd.remote.s32 $0x1  }
0xbe: {  	_ =	sfence.sel $0xFFFF  }
0xbf: {  	[dreg:$0x0] =	wrdreg $0xFFFFFFFF;
	(pc) =	sbr.abs _section_cstart, $3  }
0xc0: {  	[dreg:$0x1] =	wrdreg $0xFFFFFFFF  }
0xc1: {  	_ =	task.clear_ibuf [dreg:s7], $0x2FFFF;
	_ =	strace $0x9FFFFFFF  }
0xc2: {  	(tm) =	ssettm $0x7FFFFFFF  }
0xc3: {  	_ =	shalt  }
tec
execute0_lowered:
.L_overlay_start_1:
0x0: {  	(tag) =	ssettag $0x1  }
0x1: {  	s5 =	rddreg [dreg:$0x0]  }
0x2: {  	s2 =	rddreg [dreg:$0x1];
	s3 =	simm.s32 $0x0;
	s4 =	srdreg.scid  }
0x3: {  	s1 =	stileid.u32;
	s14 =	simm.s32 $0x1000;
	s15 =	simm.s32 $0x100000  }
0x4: {  	s16 =	simm.s32 $0x400;
	s17 =	simm.s32 $0x200;
	s18 =	simm.s32 $0x3400  }
0x5: {  	s19 =	simm.s32 $0x1;
	s20 =	simm.s32 $0x2;
	s21 =	simm.s32 $0x3  }
0x6: {  	s22 =	simm.s32 $0x4;
	s23 =	simm.s32 $0x0;
	[smem:$0x7FF] =	sst s3  }
0x7: {  	s6 =	sand.u32 $0x1, s4;
	s7 =	smul.u32 $0x3000, s1;
	s9 =	sadd.s32 $0xA40000, s5  }
0x8: {  	s4 =	sadd.s32 $0x3E00, s5;
	s11 =	smul.u32 $0x300000, s1;
	_ =	strace $0x8000004D  }
0x9: {  	s8 =	smul.u32 $0x30000, s6;
	s10 =	ssub.s32 $0x2, s6;
	s28 =	sshll.u32 s6, $0x13  }
0xa: {  	s13 =	sshll.u32 s6, $0x10;
	s6 =	sshll.u32 s6, $0xD;
	s26 =	sshrl.u32 s10, $0x1  }
0xb: {  	s29 =	sor.u32 s28, s11;
	s31 =	sshrl.u32 s11, $0x3;
	s11 =	sor.u32 $0x200, s13  }
0xc: {  	s7 =	sadd.s32 s7, s8;
	s10 =	ssub.s32 s10, s26;
	s30 =	sshrl.u32 s29, $0x3  }
0xd: {  	s8 =	sor.u32 $0x400, s13;
	s13 =	simm.s32 $0x5;
	s12 =	sadd.s32 s7, s5  }
0xe: {  	s5 =	sadd.s32 s4, s6;
	s6 =	sadd.s32 s9, s30;
	s7 =	sadd.s32 s9, s31  }
0xf: {  	s10 =	smax.u32 s10, $0x1;
	s9 =	sadd.s32 $0x7E00, s12;
	s12 =	simm.s32 $0x6400  }
.LBB2_1:
0x10: {  	[tilespmem:s12], [sflag:$0x5] =	stream.linear.gather [hbm4b:s2+s3], $0x18000, $0x38;
	[tilespmem:$0x1E400] =	vst v63  }
0x11: {  	_ =	swait.ge [sflag:s13], $0x18000  }
0x12: {  	[sflag:s13] =	ssyncset.done $0x0  }
0x13: {  	[sflag:s13] =	ssyncadd.s32 $0xFFFE8000  }
0x14: {  	[tilespmem:s3], [sflag:$0x1] =	stream.linear.gather [hbm4b:s5+s3], $0x200, $0x38;
	[tilespmem:$0x1E400] =	vst v63  }
0x15: {  	s24 =	simm.s32 $0x0  }
0x16: {  	[tilespmem:s16], [sflag:$0x2] =	stream.strided.gather [hbm4b:s6+s14], $0x3000, s15, s14, $0x38;
	[tilespmem:$0x1E400] =	vst v63  }
.LBB2_2:
0x17: {  	s25 =	sshll.u32 s24, $0xA  }
0x18: {  	s28 =	sor.u32 s11, s25  }
0x19: {  	s26 =	sshrl.u32 s28, $0x3  }
0x1a: {  	s29 =	sadd.s32 s4, s26;
	s26 =	simm.s32 $0x0  }
0x1b: {  	[tilespmem:s17], [sflag:$0x3] =	stream.linear.gather [hbm4b:s29+s26], $0x200, $0x38;
	[tilespmem:$0x1E400] =	vst v63  }
0x1c: {  	s28 =	sadd.s32 s28, s7  }
0x1d: {  	[tilespmem:s18], [sflag:$0x4] =	stream.strided.gather [hbm4b:s28+s14], $0x3000, s15, s14, $0x38;
	[tilespmem:$0x1E400] =	vst v63  }
0x1e: {  	_ =	swait.ge [sflag:s19], $0x200  }
0x1f: {  	[sflag:s19] =	ssyncset.done $0x0  }
0x20: {  	[sflag:s19] =	ssyncadd.s32 $0xFFFFFE00  }
0x21: {  	_ =	swait.ge [sflag:s20], $0x3000  }
0x22: {  	[sflag:s20] =	ssyncset.done $0x0  }
0x23: {  	[sflag:s20] =	ssyncadd.s32 $0xFFFFD000  }
0x24: {  	v0 =	vld [tilespmem:s26+$0x0];
	_ =	sdelay $0x4  }
0x25: {  	s29 =	sand.u32 $0xC00, s26;
	s28 =	sand.u32 $0x70, s26;
	v1 =	vshll.u32 v0, $0x3  }
0x26: {  	s29 =	sor.u32 s28, s29;
	v0 =	vand.u32 $0x7F, v0;
	v1 =	vand.u32 $0xFFFFFC00, v1  }
0x27: {  	v2 =	vld [tilespmem:s29+$0x400];
	v0 =	vor.u32 v0, v1;
	_ =	sdelay $0x4  }
0x28: {  	[tilespmem:v0+s12+$0x0] =	vst.idx.add.f32.msk $0xffff, v2  }
0x29: {  	v2 =	vor.u32 $0x80, v0;
	v1 =	vld [tilespmem:s29+$0x480];
	_ =	sdelay $0x4  }
0x2a: {  	[tilespmem:v2+s12+$0x0] =	vst.idx.add.f32.msk $0xffff, v1  }
0x2b: {  	v2 =	vor.u32 $0x100, v0;
	v1 =	vld [tilespmem:s29+$0x500];
	_ =	sdelay $0x4  }
0x2c: {  	[tilespmem:v2+s12+$0x0] =	vst.idx.add.f32.msk $0xffff, v1  }
0x2d: {  	v2 =	vor.u32 $0x180, v0;
	v1 =	vld [tilespmem:s29+$0x580];
	_ =	sdelay $0x4  }
0x2e: {  	[tilespmem:v2+s12+$0x0] =	vst.idx.add.f32.msk $0xffff, v1  }
0x2f: {  	v2 =	vor.u32 $0x200, v0;
	v1 =	vld [tilespmem:s29+$0x600];
	_ =	sdelay $0x4  }
0x30: {  	[tilespmem:v2+s12+$0x0] =	vst.idx.add.f32.msk $0xffff, v1  }
0x31: {  	v2 =	vor.u32 $0x280, v0;
	v1 =	vld [tilespmem:s29+$0x680];
	_ =	sdelay $0x4  }
0x32: {  	[tilespmem:v2+s12+$0x0] =	vst.idx.add.f32.msk $0xffff, v1  }
0x33: {  	v2 =	vor.u32 $0x300, v0;
	v1 =	vld [tilespmem:s29+$0x700];
	_ =	sdelay $0x3  }
0x34: {  	s28 =	sor.u32 s26, s26  }
0x35: {  	s28 =	sor.u32 $0x380, s28;
	[tilespmem:v2+s12+$0x0] =	vst.idx.add.f32.msk $0xffff, v1  }
0x36: {  	v2 =	vor.u32 $0x380, v0;
	v1 =	vld [tilespmem:s28+$0x400];
	_ =	sdelay $0x4  }
0x37: {  	[tilespmem:v2+s12+$0x0] =	vst.idx.add.f32.msk $0xffff, v1  }
0x38: {  	v2 =	vadd.s32 $0x8000, v0;
	v1 =	vld [tilespmem:s29+$0x1400];
	_ =	sdelay $0x4  }
0x39: {  	[tilespmem:v2+s12+$0x0] =	vst.idx.add.f32.msk $0xffff, v1  }
0x3a: {  	v2 =	vadd.s32 $0x8080, v0;
	v1 =	vld [tilespmem:s29+$0x1480];
	_ =	sdelay $0x4  }
0x3b: {  	[tilespmem:v2+s12+$0x0] =	vst.idx.add.f32.msk $0xffff, v1  }
0x3c: {  	v2 =	vadd.s32 $0x8100, v0;
	v1 =	vld [tilespmem:s29+$0x1500];
	_ =	sdelay $0x4  }
0x3d: {  	[tilespmem:v2+s12+$0x0] =	vst.idx.add.f32.msk $0xffff, v1  }
0x3e: {  	v2 =	vadd.s32 $0x8180, v0;
	v1 =	vld [tilespmem:s29+$0x1580];
	_ =	sdelay $0x4  }
0x3f: {  	[tilespmem:v2+s12+$0x0] =	vst.idx.add.f32.msk $0xffff, v1  }
0x40: {  	v2 =	vadd.s32 $0x8200, v0;
	v1 =	vld [tilespmem:s29+$0x1600];
	_ =	sdelay $0x4  }
0x41: {  	[tilespmem:v2+s12+$0x0] =	vst.idx.add.f32.msk $0xffff, v1  }
0x42: {  	v2 =	vadd.s32 $0x8280, v0;
	v1 =	vld [tilespmem:s29+$0x1680];
	_ =	sdelay $0x4  }
0x43: {  	[tilespmem:v2+s12+$0x0] =	vst.idx.add.f32.msk $0xffff, v1  }
0x44: {  	v2 =	vadd.s32 $0x8300, v0;
	v1 =	vld [tilespmem:s29+$0x1700];
	_ =	sdelay $0x4  }
0x45: {  	[tilespmem:v2+s12+$0x0] =	vst.idx.add.f32.msk $0xffff, v1  }
0x46: {  	v2 =	vadd.s32 $0x8380, v0;
	v1 =	vld [tilespmem:s29+$0x1780];
	_ =	sdelay $0x4  }
0x47: {  	[tilespmem:v2+s12+$0x0] =	vst.idx.add.f32.msk $0xffff, v1  }
0x48: {  	v2 =	vadd.s32 $0x10000, v0;
	v1 =	vld [tilespmem:s29+$0x2400];
	_ =	sdelay $0x4  }
0x49: {  	[tilespmem:v2+s12+$0x0] =	vst.idx.add.f32.msk $0xffff, v1  }
0x4a: {  	v2 =	vadd.s32 $0x10080, v0;
	v1 =	vld [tilespmem:s29+$0x2480];
	_ =	sdelay $0x4  }
0x4b: {  	[tilespmem:v2+s12+$0x0] =	vst.idx.add.f32.msk $0xffff, v1  }
0x4c: {  	v2 =	vadd.s32 $0x10100, v0;
	v1 =	vld [tilespmem:s29+$0x2500];
	_ =	sdelay $0x4  }
0x4d: {  	[tilespmem:v2+s12+$0x0] =	vst.idx.add.f32.msk $0xffff, v1  }
0x4e: {  	v2 =	vadd.s32 $0x10180, v0;
	v1 =	vld [tilespmem:s29+$0x2580];
	_ =	sdelay $0x4  }
0x4f: {  	[tilespmem:v2+s12+$0x0] =	vst.idx.add.f32.msk $0xffff, v1  }
0x50: {  	v2 =	vadd.s32 $0x10200, v0;
	v1 =	vld [tilespmem:s29+$0x2600];
	_ =	sdelay $0x4  }
0x51: {  	[tilespmem:v2+s12+$0x0] =	vst.idx.add.f32.msk $0xffff, v1  }
0x52: {  	v2 =	vadd.s32 $0x10280, v0;
	v1 =	vld [tilespmem:s29+$0x2680];
	_ =	sdelay $0x4  }
0x53: {  	[tilespmem:v2+s12+$0x0] =	vst.idx.add.f32.msk $0xffff, v1  }
0x54: {  	v2 =	vadd.s32 $0x10300, v0;
	v1 =	vld [tilespmem:s29+$0x2700];
	_ =	sdelay $0x4  }
0x55: {  	[tilespmem:v2+s12+$0x0] =	vst.idx.add.f32.msk $0xffff, v1  }
0x56: {  	s28 =	simm.s32 $0x10;
	v0 =	vadd.s32 $0x10380, v0;
	v1 =	vld [tilespmem:s29+$0x2780];
	s29 =	simm.s32 $0x0  }
.LBB2_3:
0x57: {  	_ =	sdelay $0x3  }
0x58: {  	p0 =	sne.s32 s28, $0x1F0;
	s26 =	sadd.s32 $0x80, s26;
	s29 =	sadd.s32 $0x10, s29;
	[tilespmem:v0+s12+$0x0] =	vst.idx.add.f32.msk $0xffff, v1  }
0x59: {  	s31 =	smov.u32 s28;
	s28 =	sadd.s32 $0x10, s28;
	v0 =	vld [tilespmem:s29+$0x0];
	_ =	sdelay $0x4  }
0x5a: {  	s30 =	sand.u32 $0x70, s31;
	s0 =	sand.u32 $0xC00, s26;
	v1 =	vshll.u32 v0, $0x3  }
0x5b: {  	s30 =	sor.u32 s30, s0;
	v0 =	vand.u32 $0x7F, v0;
	v1 =	vand.u32 $0xFFFFFC00, v1  }
0x5c: {  	v2 =	vld [tilespmem:s30+$0x400];
	v0 =	vor.u32 v0, v1;
	_ =	sdelay $0x4  }
0x5d: {  	[tilespmem:v0+s12+$0x0] =	vst.idx.add.f32.msk $0xffff, v2  }
0x5e: {  	v2 =	vor.u32 $0x80, v0;
	v1 =	vld [tilespmem:s30+$0x480];
	_ =	sdelay $0x4  }
0x5f: {  	[tilespmem:v2+s12+$0x0] =	vst.idx.add.f32.msk $0xffff, v1  }
0x60: {  	v2 =	vor.u32 $0x100, v0;
	v1 =	vld [tilespmem:s30+$0x500];
	_ =	sdelay $0x4  }
0x61: {  	[tilespmem:v2+s12+$0x0] =	vst.idx.add.f32.msk $0xffff, v1  }
0x62: {  	v2 =	vor.u32 $0x180, v0;
	v1 =	vld [tilespmem:s30+$0x580];
	_ =	sdelay $0x4  }
0x63: {  	[tilespmem:v2+s12+$0x0] =	vst.idx.add.f32.msk $0xffff, v1  }
0x64: {  	v2 =	vor.u32 $0x200, v0;
	v1 =	vld [tilespmem:s30+$0x600];
	_ =	sdelay $0x4  }
0x65: {  	[tilespmem:v2+s12+$0x0] =	vst.idx.add.f32.msk $0xffff, v1  }
0x66: {  	v2 =	vor.u32 $0x280, v0;
	v1 =	vld [tilespmem:s30+$0x680];
	_ =	sdelay $0x4  }
0x67: {  	[tilespmem:v2+s12+$0x0] =	vst.idx.add.f32.msk $0xffff, v1  }
0x68: {  	v2 =	vor.u32 $0x300, v0;
	v1 =	vld [tilespmem:s30+$0x700];
	_ =	sdelay $0x3  }
0x69: {  	s0 =	sor.u32 s26, s31  }
0x6a: {  	s0 =	sor.u32 $0x380, s0;
	[tilespmem:v2+s12+$0x0] =	vst.idx.add.f32.msk $0xffff, v1  }
0x6b: {  	v2 =	vor.u32 $0x380, v0;
	v1 =	vld [tilespmem:s0+$0x400];
	_ =	sdelay $0x4  }
0x6c: {  	[tilespmem:v2+s12+$0x0] =	vst.idx.add.f32.msk $0xffff, v1  }
0x6d: {  	v2 =	vadd.s32 $0x8000, v0;
	v1 =	vld [tilespmem:s30+$0x1400];
	_ =	sdelay $0x4  }
0x6e: {  	[tilespmem:v2+s12+$0x0] =	vst.idx.add.f32.msk $0xffff, v1  }
0x6f: {  	v2 =	vadd.s32 $0x8080, v0;
	v1 =	vld [tilespmem:s30+$0x1480];
	_ =	sdelay $0x4  }
0x70: {  	[tilespmem:v2+s12+$0x0] =	vst.idx.add.f32.msk $0xffff, v1  }
0x71: {  	v2 =	vadd.s32 $0x8100, v0;
	v1 =	vld [tilespmem:s30+$0x1500];
	_ =	sdelay $0x4  }
0x72: {  	[tilespmem:v2+s12+$0x0] =	vst.idx.add.f32.msk $0xffff, v1  }
0x73: {  	v2 =	vadd.s32 $0x8180, v0;
	v1 =	vld [tilespmem:s30+$0x1580];
	_ =	sdelay $0x4  }
0x74: {  	[tilespmem:v2+s12+$0x0] =	vst.idx.add.f32.msk $0xffff, v1  }
0x75: {  	v2 =	vadd.s32 $0x8200, v0;
	v1 =	vld [tilespmem:s30+$0x1600];
	_ =	sdelay $0x4  }
0x76: {  	[tilespmem:v2+s12+$0x0] =	vst.idx.add.f32.msk $0xffff, v1  }
0x77: {  	v2 =	vadd.s32 $0x8280, v0;
	v1 =	vld [tilespmem:s30+$0x1680];
	_ =	sdelay $0x4  }
0x78: {  	[tilespmem:v2+s12+$0x0] =	vst.idx.add.f32.msk $0xffff, v1  }
0x79: {  	v2 =	vadd.s32 $0x8300, v0;
	v1 =	vld [tilespmem:s30+$0x1700];
	_ =	sdelay $0x4  }
0x7a: {  	[tilespmem:v2+s12+$0x0] =	vst.idx.add.f32.msk $0xffff, v1  }
0x7b: {  	v2 =	vadd.s32 $0x8380, v0;
	v1 =	vld [tilespmem:s30+$0x1780];
	_ =	sdelay $0x4  }
0x7c: {  	[tilespmem:v2+s12+$0x0] =	vst.idx.add.f32.msk $0xffff, v1  }
0x7d: {  	v2 =	vadd.s32 $0x10000, v0;
	v1 =	vld [tilespmem:s30+$0x2400];
	_ =	sdelay $0x4  }
0x7e: {  	[tilespmem:v2+s12+$0x0] =	vst.idx.add.f32.msk $0xffff, v1  }
0x7f: {  	v2 =	vadd.s32 $0x10080, v0;
	v1 =	vld [tilespmem:s30+$0x2480];
	_ =	sdelay $0x4  }
0x80: {  	[tilespmem:v2+s12+$0x0] =	vst.idx.add.f32.msk $0xffff, v1  }
0x81: {  	v2 =	vadd.s32 $0x10100, v0;
	v1 =	vld [tilespmem:s30+$0x2500];
	_ =	sdelay $0x4  }
0x82: {  	[tilespmem:v2+s12+$0x0] =	vst.idx.add.f32.msk $0xffff, v1  }
0x83: {  	v2 =	vadd.s32 $0x10180, v0;
	v1 =	vld [tilespmem:s30+$0x2580];
	_ =	sdelay $0x4  }
0x84: {  	[tilespmem:v2+s12+$0x0] =	vst.idx.add.f32.msk $0xffff, v1  }
0x85: {  	v2 =	vadd.s32 $0x10200, v0;
	v1 =	vld [tilespmem:s30+$0x2600];
	_ =	sdelay $0x4  }
0x86: {  	[tilespmem:v2+s12+$0x0] =	vst.idx.add.f32.msk $0xffff, v1  }
0x87: {  	v2 =	vadd.s32 $0x10280, v0;
	v1 =	vld [tilespmem:s30+$0x2680];
	_ =	sdelay $0x4  }
0x88: {  	[tilespmem:v2+s12+$0x0] =	vst.idx.add.f32.msk $0xffff, v1  }
0x89: {  	v2 =	vadd.s32 $0x10300, v0;
	v1 =	vld [tilespmem:s30+$0x2700];
	_ =	sdelay $0x1  }
.Ltmp0:
0x8a: {  	(pc) =	sbr.rel @p0 .LBB2_3-.Ltmp0, $3  }
0x8b: {  	_ =	sdelay $0x1  }
0x8c: {  	[tilespmem:v2+s12+$0x0] =	vst.idx.add.f32.msk $0xffff, v1  }
0x8d: {  	v0 =	vadd.s32 $0x10380, v0;
	v1 =	vld [tilespmem:s30+$0x2780]  }
0x8e: {  	_ = 	snop  }
0x8f: {  	p0 =	seq.s32 s24, $0x3F  }
0x90: {  	s0 =	sadd.s32 @!p0 s25, s8  }
0x91: {  	s25 =	sshrl.u32 @!p0 s0, $0x3  }
0x92: {  	s26 =	simm.s32 @!p0 $0x0;
	s28 =	simm.s32 @!p0 $0x400;
	s25 =	sadd.s32 @!p0 s4, s25;
	[tilespmem:v0+s12+$0x0] =	vst.idx.add.f32.msk $0xffff, v1  }
0x93: {  	[tilespmem:s26], [sflag:$0x1] =	stream.linear.gather @!p0 [hbm4b:s25+s26], $0x200, $0x38;
	[tilespmem:$0x1E400] =	vst v63  }
0x94: {  	s0 =	sadd.s32 @!p0 s0, s7;
	s25 =	simm.s32 @!p0 $0x1000;
	s26 =	simm.s32 @!p0 $0x100000  }
0x95: {  	[tilespmem:s28], [sflag:$0x2] =	stream.strided.gather @!p0 [hbm4b:s0+s25], $0x3000, s26, s25, $0x38;
	[tilespmem:$0x1E400] =	vst v63  }
0x96: {  	_ =	swait.ge [sflag:s21], $0x200  }
0x97: {  	[sflag:s21] =	ssyncset.done $0x0  }
0x98: {  	[sflag:s21] =	ssyncadd.s32 $0xFFFFFE00  }
0x99: {  	_ =	swait.ge [sflag:s22], $0x3000  }
0x9a: {  	[sflag:s22] =	ssyncset.done $0x0  }
0x9b: {  	s25 =	simm.s32 $0x200;
	[sflag:s22] =	ssyncadd.s32 $0xFFFFD000  }
0x9c: {  	v0 =	vld [tilespmem:s25+$0x0];
	_ =	sdelay $0x3  }
0x9d: {  	s26 =	simm.s32 $0x0  }
0x9e: {  	s30 =	sand.u32 $0x70, s26;
	s28 =	sand.u32 $0xC00, s26;
	v1 =	vshll.u32 v0, $0x3  }
0x9f: {  	s29 =	sor.u32 s30, s28;
	v0 =	vand.u32 $0x7F, v0;
	v1 =	vand.u32 $0xFFFFFC00, v1  }
0xa0: {  	v2 =	vld [tilespmem:s29+$0x3400];
	v0 =	vor.u32 v0, v1;
	_ =	sdelay $0x4  }
0xa1: {  	[tilespmem:v0+s12+$0x0] =	vst.idx.add.f32.msk $0xffff, v2  }
0xa2: {  	v2 =	vor.u32 $0x80, v0;
	v1 =	vld [tilespmem:s29+$0x3480];
	_ =	sdelay $0x4  }
0xa3: {  	[tilespmem:v2+s12+$0x0] =	vst.idx.add.f32.msk $0xffff, v1  }
0xa4: {  	v2 =	vor.u32 $0x100, v0;
	v1 =	vld [tilespmem:s29+$0x3500];
	_ =	sdelay $0x4  }
0xa5: {  	[tilespmem:v2+s12+$0x0] =	vst.idx.add.f32.msk $0xffff, v1  }
0xa6: {  	v2 =	vor.u32 $0x180, v0;
	v1 =	vld [tilespmem:s29+$0x3580];
	_ =	sdelay $0x4  }
0xa7: {  	[tilespmem:v2+s12+$0x0] =	vst.idx.add.f32.msk $0xffff, v1  }
0xa8: {  	v2 =	vor.u32 $0x200, v0;
	v1 =	vld [tilespmem:s29+$0x3600];
	_ =	sdelay $0x4  }
0xa9: {  	[tilespmem:v2+s12+$0x0] =	vst.idx.add.f32.msk $0xffff, v1  }
0xaa: {  	v2 =	vor.u32 $0x280, v0;
	v1 =	vld [tilespmem:s29+$0x3680];
	_ =	sdelay $0x4  }
0xab: {  	[tilespmem:v2+s12+$0x0] =	vst.idx.add.f32.msk $0xffff, v1  }
0xac: {  	v2 =	vor.u32 $0x300, v0;
	v1 =	vld [tilespmem:s29+$0x3700];
	_ =	sdelay $0x3  }
0xad: {  	s31 =	sor.u32 s26, s26  }
0xae: {  	s0 =	sor.u32 $0x380, s31;
	[tilespmem:v2+s12+$0x0] =	vst.idx.add.f32.msk $0xffff, v1  }
0xaf: {  	v2 =	vor.u32 $0x380, v0;
	v1 =	vld [tilespmem:s0+$0x3400];
	_ =	sdelay $0x4  }
0xb0: {  	[tilespmem:v2+s12+$0x0] =	vst.idx.add.f32.msk $0xffff, v1  }
0xb1: {  	v2 =	vadd.s32 $0x8000, v0;
	v1 =	vld [tilespmem:s29+$0x4400];
	_ =	sdelay $0x4  }
0xb2: {  	[tilespmem:v2+s12+$0x0] =	vst.idx.add.f32.msk $0xffff, v1  }
0xb3: {  	v2 =	vadd.s32 $0x8080, v0;
	v1 =	vld [tilespmem:s29+$0x4480];
	_ =	sdelay $0x4  }
0xb4: {  	[tilespmem:v2+s12+$0x0] =	vst.idx.add.f32.msk $0xffff, v1  }
0xb5: {  	v2 =	vadd.s32 $0x8100, v0;
	v1 =	vld [tilespmem:s29+$0x4500];
	_ =	sdelay $0x4  }
0xb6: {  	[tilespmem:v2+s12+$0x0] =	vst.idx.add.f32.msk $0xffff, v1  }
0xb7: {  	v2 =	vadd.s32 $0x8180, v0;
	v1 =	vld [tilespmem:s29+$0x4580];
	_ =	sdelay $0x4  }
0xb8: {  	[tilespmem:v2+s12+$0x0] =	vst.idx.add.f32.msk $0xffff, v1  }
0xb9: {  	v2 =	vadd.s32 $0x8200, v0;
	v1 =	vld [tilespmem:s29+$0x4600];
	_ =	sdelay $0x4  }
0xba: {  	[tilespmem:v2+s12+$0x0] =	vst.idx.add.f32.msk $0xffff, v1  }
0xbb: {  	v2 =	vadd.s32 $0x8280, v0;
	v1 =	vld [tilespmem:s29+$0x4680];
	_ =	sdelay $0x4  }
0xbc: {  	[tilespmem:v2+s12+$0x0] =	vst.idx.add.f32.msk $0xffff, v1  }
0xbd: {  	v2 =	vadd.s32 $0x8300, v0;
	v1 =	vld [tilespmem:s29+$0x4700];
	_ =	sdelay $0x4  }
0xbe: {  	[tilespmem:v2+s12+$0x0] =	vst.idx.add.f32.msk $0xffff, v1  }
0xbf: {  	v2 =	vadd.s32 $0x8380, v0;
	v1 =	vld [tilespmem:s29+$0x4780];
	_ =	sdelay $0x4  }
0xc0: {  	[tilespmem:v2+s12+$0x0] =	vst.idx.add.f32.msk $0xffff, v1  }
0xc1: {  	v2 =	vadd.s32 $0x10000, v0;
	v1 =	vld [tilespmem:s29+$0x5400];
	_ =	sdelay $0x4  }
0xc2: {  	[tilespmem:v2+s12+$0x0] =	vst.idx.add.f32.msk $0xffff, v1  }
0xc3: {  	v2 =	vadd.s32 $0x10080, v0;
	v1 =	vld [tilespmem:s29+$0x5480];
	_ =	sdelay $0x4  }
0xc4: {  	[tilespmem:v2+s12+$0x0] =	vst.idx.add.f32.msk $0xffff, v1  }
0xc5: {  	v2 =	vadd.s32 $0x10100, v0;
	v1 =	vld [tilespmem:s29+$0x5500];
	_ =	sdelay $0x4  }
0xc6: {  	[tilespmem:v2+s12+$0x0] =	vst.idx.add.f32.msk $0xffff, v1  }
0xc7: {  	v2 =	vadd.s32 $0x10180, v0;
	v1 =	vld [tilespmem:s29+$0x5580];
	_ =	sdelay $0x4  }
0xc8: {  	[tilespmem:v2+s12+$0x0] =	vst.idx.add.f32.msk $0xffff, v1  }
0xc9: {  	v2 =	vadd.s32 $0x10200, v0;
	v1 =	vld [tilespmem:s29+$0x5600];
	_ =	sdelay $0x4  }
0xca: {  	[tilespmem:v2+s12+$0x0] =	vst.idx.add.f32.msk $0xffff, v1  }
0xcb: {  	v2 =	vadd.s32 $0x10280, v0;
	v1 =	vld [tilespmem:s29+$0x5680];
	_ =	sdelay $0x4  }
0xcc: {  	[tilespmem:v2+s12+$0x0] =	vst.idx.add.f32.msk $0xffff, v1  }
0xcd: {  	v2 =	vadd.s32 $0x10300, v0;
	v1 =	vld [tilespmem:s29+$0x5700];
	_ =	sdelay $0x4  }
0xce: {  	[tilespmem:v2+s12+$0x0] =	vst.idx.add.f32.msk $0xffff, v1  }
0xcf: {  	s28 =	simm.s32 $0x10;
	v0 =	vadd.s32 $0x10380, v0;
	v1 =	vld [tilespmem:s29+$0x5780]  }
.LBB2_5:
0xd0: {  	_ =	sdelay $0x3  }
0xd1: {  	p0 =	sne.s32 s28, $0x1F0;
	s26 =	sadd.s32 $0x80, s26;
	s25 =	sadd.s32 $0x10, s25;
	[tilespmem:v0+s12+$0x0] =	vst.idx.add.f32.msk $0xffff, v1  }
0xd2: {  	s30 =	smov.u32 s28;
	s28 =	sadd.s32 $0x10, s28;
	v0 =	vld [tilespmem:s25+$0x0];
	_ =	sdelay $0x4  }
0xd3: {  	s0 =	sand.u32 $0x70, s30;
	s29 =	sand.u32 $0xC00, s26;
	v1 =	vshll.u32 v0, $0x3  }
0xd4: {  	s29 =	sor.u32 s0, s29;
	v0 =	vand.u32 $0x7F, v0;
	v1 =	vand.u32 $0xFFFFFC00, v1  }
0xd5: {  	v2 =	vld [tilespmem:s29+$0x3400];
	v0 =	vor.u32 v0, v1;
	_ =	sdelay $0x4  }
0xd6: {  	[tilespmem:v0+s12+$0x0] =	vst.idx.add.f32.msk $0xffff, v2  }
0xd7: {  	v2 =	vor.u32 $0x80, v0;
	v1 =	vld [tilespmem:s29+$0x3480];
	_ =	sdelay $0x4  }
0xd8: {  	[tilespmem:v2+s12+$0x0] =	vst.idx.add.f32.msk $0xffff, v1  }
0xd9: {  	v2 =	vor.u32 $0x100, v0;
	v1 =	vld [tilespmem:s29+$0x3500];
	_ =	sdelay $0x4  }
0xda: {  	[tilespmem:v2+s12+$0x0] =	vst.idx.add.f32.msk $0xffff, v1  }
0xdb: {  	v2 =	vor.u32 $0x180, v0;
	v1 =	vld [tilespmem:s29+$0x3580];
	_ =	sdelay $0x4  }
0xdc: {  	[tilespmem:v2+s12+$0x0] =	vst.idx.add.f32.msk $0xffff, v1  }
0xdd: {  	v2 =	vor.u32 $0x200, v0;
	v1 =	vld [tilespmem:s29+$0x3600];
	_ =	sdelay $0x4  }
0xde: {  	[tilespmem:v2+s12+$0x0] =	vst.idx.add.f32.msk $0xffff, v1  }
0xdf: {  	v2 =	vor.u32 $0x280, v0;
	v1 =	vld [tilespmem:s29+$0x3680];
	_ =	sdelay $0x4  }
0xe0: {  	[tilespmem:v2+s12+$0x0] =	vst.idx.add.f32.msk $0xffff, v1  }
0xe1: {  	v2 =	vor.u32 $0x300, v0;
	v1 =	vld [tilespmem:s29+$0x3700];
	_ =	sdelay $0x3  }
0xe2: {  	s0 =	sor.u32 s26, s30  }
0xe3: {  	s0 =	sor.u32 $0x380, s0;
	[tilespmem:v2+s12+$0x0] =	vst.idx.add.f32.msk $0xffff, v1  }
0xe4: {  	v2 =	vor.u32 $0x380, v0;
	v1 =	vld [tilespmem:s0+$0x3400];
	_ =	sdelay $0x4  }
0xe5: {  	[tilespmem:v2+s12+$0x0] =	vst.idx.add.f32.msk $0xffff, v1  }
0xe6: {  	v2 =	vadd.s32 $0x8000, v0;
	v1 =	vld [tilespmem:s29+$0x4400];
	_ =	sdelay $0x4  }
0xe7: {  	[tilespmem:v2+s12+$0x0] =	vst.idx.add.f32.msk $0xffff, v1  }
0xe8: {  	v2 =	vadd.s32 $0x8080, v0;
	v1 =	vld [tilespmem:s29+$0x4480];
	_ =	sdelay $0x4  }
0xe9: {  	[tilespmem:v2+s12+$0x0] =	vst.idx.add.f32.msk $0xffff, v1  }
0xea: {  	v2 =	vadd.s32 $0x8100, v0;
	v1 =	vld [tilespmem:s29+$0x4500];
	_ =	sdelay $0x4  }
0xeb: {  	[tilespmem:v2+s12+$0x0] =	vst.idx.add.f32.msk $0xffff, v1  }
0xec: {  	v2 =	vadd.s32 $0x8180, v0;
	v1 =	vld [tilespmem:s29+$0x4580];
	_ =	sdelay $0x4  }
0xed: {  	[tilespmem:v2+s12+$0x0] =	vst.idx.add.f32.msk $0xffff, v1  }
0xee: {  	v2 =	vadd.s32 $0x8200, v0;
	v1 =	vld [tilespmem:s29+$0x4600];
	_ =	sdelay $0x4  }
0xef: {  	[tilespmem:v2+s12+$0x0] =	vst.idx.add.f32.msk $0xffff, v1  }
0xf0: {  	v2 =	vadd.s32 $0x8280, v0;
	v1 =	vld [tilespmem:s29+$0x4680];
	_ =	sdelay $0x4  }
0xf1: {  	[tilespmem:v2+s12+$0x0] =	vst.idx.add.f32.msk $0xffff, v1  }
0xf2: {  	v2 =	vadd.s32 $0x8300, v0;
	v1 =	vld [tilespmem:s29+$0x4700];
	_ =	sdelay $0x4  }
0xf3: {  	[tilespmem:v2+s12+$0x0] =	vst.idx.add.f32.msk $0xffff, v1  }
0xf4: {  	v2 =	vadd.s32 $0x8380, v0;
	v1 =	vld [tilespmem:s29+$0x4780];
	_ =	sdelay $0x4  }
0xf5: {  	[tilespmem:v2+s12+$0x0] =	vst.idx.add.f32.msk $0xffff, v1  }
0xf6: {  	v2 =	vadd.s32 $0x10000, v0;
	v1 =	vld [tilespmem:s29+$0x5400];
	_ =	sdelay $0x4  }
0xf7: {  	[tilespmem:v2+s12+$0x0] =	vst.idx.add.f32.msk $0xffff, v1  }
0xf8: {  	v2 =	vadd.s32 $0x10080, v0;
	v1 =	vld [tilespmem:s29+$0x5480];
	_ =	sdelay $0x4  }
0xf9: {  	[tilespmem:v2+s12+$0x0] =	vst.idx.add.f32.msk $0xffff, v1  }
0xfa: {  	v2 =	vadd.s32 $0x10100, v0;
	v1 =	vld [tilespmem:s29+$0x5500];
	_ =	sdelay $0x4  }
0xfb: {  	[tilespmem:v2+s12+$0x0] =	vst.idx.add.f32.msk $0xffff, v1  }
0xfc: {  	v2 =	vadd.s32 $0x10180, v0;
	v1 =	vld [tilespmem:s29+$0x5580];
	_ =	sdelay $0x4  }
0xfd: {  	[tilespmem:v2+s12+$0x0] =	vst.idx.add.f32.msk $0xffff, v1  }
0xfe: {  	v2 =	vadd.s32 $0x10200, v0;
	v1 =	vld [tilespmem:s29+$0x5600];
	_ =	sdelay $0x4  }
0xff: {  	[tilespmem:v2+s12+$0x0] =	vst.idx.add.f32.msk $0xffff, v1  }
0x100: {  	v2 =	vadd.s32 $0x10280, v0;
	v1 =	vld [tilespmem:s29+$0x5680];
	_ =	sdelay $0x4  }
0x101: {  	[tilespmem:v2+s12+$0x0] =	vst.idx.add.f32.msk $0xffff, v1  }
0x102: {  	v2 =	vadd.s32 $0x10300, v0;
	v1 =	vld [tilespmem:s29+$0x5700];
	_ =	sdelay $0x1  }
.Ltmp1:
0x103: {  	(pc) =	sbr.rel @p0 .LBB2_5-.Ltmp1, $3  }
0x104: {  	_ =	sdelay $0x1  }
0x105: {  	[tilespmem:v2+s12+$0x0] =	vst.idx.add.f32.msk $0xffff, v1  }
0x106: {  	v0 =	vadd.s32 $0x10380, v0;
	v1 =	vld [tilespmem:s29+$0x5780]  }
0x107: {  	s24 =	sadd.s32 $0x1, s24  }
0x108: {  	p0 =	sne.s32 s24, $0x40  }
.Ltmp2:
0x109: {  	_ = 	snop;
	(pc) =	sbr.rel @p0 .LBB2_2-.Ltmp2, $2  }
0x10a: {  	_ =	sdelay $0x2  }
0x10b: {  	[tilespmem:v0+s12+$0x0] =	vst.idx.add.f32.msk $0xffff, v1  }
0x10c: {  	s23 =	sadd.s32 $0x1, s23  }
0x10d: {  	p0 =	sne.s32 s23, s10  }
.Ltmp3:
0x10e: {  	_ = 	snop;
	(pc) =	sbr.rel @p0 .LBB2_1-.Ltmp3, $4  }
0x10f: {  	[hbm4b:s9+s3] =	stream.linear.scatter [tilespmem:s12], [sflag:$0x5], $0x18000, $0x38;
	[tilespmem:$0x1E400] =	vst v63  }
0x110: {  	_ =	swait.ge [sflag:s13], $0x18000  }
0x111: {  	[sflag:s13] =	ssyncset.done $0x0  }
0x112: {  	[sflag:s13] =	ssyncadd.s32 $0xFFFE8000  }
0x113: {  	_ =	sfence.sel $0x180000  }
0x114: {  	[bflag:$0x0] =	sbarrier.arrive $0xFFFF  }
0x115: {  	_ =	strace $0x9000004D  }
0x116: {  	[bflag:$0x2] =	sbarrier.arrive $0xFFFF  }
0x117: {  	p0 =	sne.s32 s1, $0x0;
	s0 =	rddreg [dreg:$0x2]  }
0x118: {  	s0 =	sadd.s32 @!p0 $0x100000, s0  }
0x119: {  	[sflag:s0] =	ssyncadd.tile.s32 @!p0 $0x1;
	_ =	shalt  }
.Lfunc_end2:
_tile_overlayer_lowered:
.L_overlay_start_2:
0x11a: {  	(tag) =	ssettag $0x2  }
0x11b: {  	s0 =	rddreg [dreg:$0x0];
	s2 =	stileid.u32  }
0x11c: {  	s1 =	rddreg [dreg:$0x1];
	p0 =	sne.s32 s2, $0x0  }
0x11d: {  	s3 =	rddreg [dreg:$0x2];
	[bflag:$0x3] =	sbarrier.arrive $0xFFFF;
	s2 =	simm.s32 @!p0 $0x1C05  }
0x11e: {  	[timem:s3], [sflag:s2] =	dma.local @!p0 [hbm:s0], s1  }
0x11f: {  	s0 =	simm.s32 @!p0 $0x5  }
0x120: {  	_ =	swait.ge @!p0 [sflag:s0], s1  }
0x121: {  	s1 =	ssub.s32 @!p0 $0x0, s1;
	[sflag:s0] =	ssyncset.done @!p0 $0x0  }
0x122: {  	[sflag:s0] =	ssyncadd.s32 @!p0 s1  }
0x123: {  	[bflag:$0x3] =	sbarrier.arrive $0xFFFF  }
0x124: {  	_ =	shalt  }

</sc_bundles>
